<compile_context>
chip_gen: v7x
topology: tpu7x:2x2x1
jax: 0.10.2.dev20260603
libtpu: 0.0.44.dev20260713+nightly
codegen_flags: <defaults>
</compile_context>

<pallas_src>
import functools

import jax
import jax.numpy as jnp
from jax import lax
from jax.experimental import pallas as pl
from jax.experimental.pallas import tpu as pltpu
from jax.experimental.pallas import tpu_sc as plsc

N = 10000
D = 128
E = 160000
PASSES = 3

NS = 16
K = 100
IB = 50
NBLK = 2
CHUNKS = IB * NBLK
EPT = E // NS
NP = 10240
RPT = NP // NS

BN = 1000
NB = N // BN


@functools.lru_cache(maxsize=None)
def _build_sc_scatter():
    mesh = plsc.VectorSubcoreMesh(core_axis_name="c", subcore_axis_name="s")

    @functools.partial(
        pl.kernel,
        out_type=jax.ShapeDtypeStruct((2, NP, D), jnp.float32),
        mesh=mesh,
        scratch_types=[
            pltpu.VMEM_SHARED((NP, D), jnp.float32),
            pltpu.VMEM((IB, K), jnp.int32),
            pltpu.VMEM((IB, K), jnp.int32),
            pltpu.VMEM((K, D), jnp.float32),
            pltpu.VMEM((K, D), jnp.float32),
            pltpu.SemaphoreType.DMA,
            pltpu.SemaphoreType.DMA,
        ],
    )
    def body(u_hbm, src_hbm, dst_hbm, z_hbm, out_hbm,
             acc, isrc, idst, rows_a, rows_b, sem_a, sem_b):
        _sc_scatter_body(u_hbm, src_hbm, dst_hbm, z_hbm, out_hbm,
                         acc, isrc, idst, rows_a, rows_b, sem_a, sem_b)

    return body


def _sc_scatter(u, src, dst, z128):
    return _build_sc_scatter()(u, src, dst, z128)


def _sc_scatter_body(u_hbm, src_hbm, dst_hbm, z_hbm, out_hbm,
                     acc, isrc, idst, rows_a, rows_b, sem_a, sem_b):
    c = lax.axis_index("c")
    s = lax.axis_index("s")
    base = s * RPT
    pltpu.sync_copy(z_hbm.at[pl.ds(base, RPT)], acc.at[pl.ds(base, RPT)])
    plsc.subcore_barrier()

    @pl.loop(0, NBLK)
    def _(b):
        pltpu.sync_copy(src_hbm.at[c].at[s].at[b], isrc)
        pltpu.sync_copy(dst_hbm.at[c].at[s].at[b], idst)

        pltpu.async_copy(u_hbm.at[c].at[isrc.at[0]], rows_a, sem_a)

        @pl.loop(0, IB, step=2)
        def _(j):
            cp_b = pltpu.async_copy(u_hbm.at[c].at[isrc.at[j + 1]], rows_b, sem_b)
            pltpu.make_async_copy(u_hbm.at[c].at[isrc.at[j]], rows_a, sem_a).wait()
            pltpu.sync_copy(rows_a, acc.at[idst.at[j]], add=True)

            @pl.when(j + 2 < IB)
            def _():
                pltpu.async_copy(u_hbm.at[c].at[isrc.at[j + 2]], rows_a, sem_a)
            cp_b.wait()
            pltpu.sync_copy(rows_b, acc.at[idst.at[j + 1]], add=True)

    plsc.subcore_barrier()
    pltpu.sync_copy(acc.at[pl.ds(base, RPT)], out_hbm.at[c].at[pl.ds(base, RPT)])



def _leaky(x):
    return jnp.where(x >= 0, x, 0.01 * x)


def _dot(a, b):
    return jax.lax.dot_general(a, b, (((1,), (0,)), ((), ())),
                               preferred_element_type=jnp.float32)


def _v_node(h, w1t_ref, b1_ref, w2t_ref, b2_ref):
    u = _leaky(_dot(h, w1t_ref[...]) + b1_ref[...])
    return _dot(u, w2t_ref[...]) + b2_ref[...]


def _v_init_body(h_ref, w10_ref, b10_ref, w20_ref, b20_ref,
                 w11_ref, b11_ref, w21_ref, b21_ref, v_ref):
    h = h_ref[...]
    v_ref[0] = _v_node(h, w10_ref, b10_ref, w20_ref, b20_ref)
    v_ref[1] = _v_node(h, w11_ref, b11_ref, w21_ref, b21_ref)


def _full(shape):
    return pl.BlockSpec(shape, lambda i: tuple(0 for _ in shape))


def _v_init(h, w1t0, b10, w2t0, b20, w1t1, b11, w2t1, b21):
    return pl.pallas_call(
        _v_init_body,
        grid=(NB,),
        in_specs=[
            pl.BlockSpec((BN, D), lambda i: (i, 0)),
            _full((D, D)), _full((1, D)), _full((D, D)), _full((1, D)),
            _full((D, D)), _full((1, D)), _full((D, D)), _full((1, D)),
        ],
        out_specs=pl.BlockSpec((2, BN, D), lambda i: (0, i, 0)),
        out_shape=jax.ShapeDtypeStruct((2, N, D), jnp.float32),
    )(h, w1t0, b10, w2t0, b20, w1t1, b11, w2t1, b21)


def _gru_block(h, inc, wit_ref, bi_ref, wht_ref, bh_ref):
    gi = _dot(inc, wit_ref[...]) + bi_ref[...]
    gh = _dot(h, wht_ref[...]) + bh_ref[...]
    r = jax.nn.sigmoid(gi[:, :D] + gh[:, :D])
    z = jax.nn.sigmoid(gi[:, D:2 * D] + gh[:, D:2 * D])
    n = jnp.tanh(gi[:, 2 * D:] + r * gh[:, 2 * D:])
    return (1.0 - z) * n + z * h


def _step_body(h_ref, s_ref,
               wit_ref, bi_ref, wht_ref, bh_ref,
               w10_ref, b10_ref, w20_ref, b20_ref,
               w11_ref, b11_ref, w21_ref, b21_ref,
               h_out_ref, v_ref):
    h = h_ref[...]
    inc = s_ref[0] + s_ref[1]
    hn = _gru_block(h, inc, wit_ref, bi_ref, wht_ref, bh_ref)
    h_out_ref[...] = hn
    v_ref[0] = _v_node(hn, w10_ref, b10_ref, w20_ref, b20_ref)
    v_ref[1] = _v_node(hn, w11_ref, b11_ref, w21_ref, b21_ref)


def _step(h, s_stack, wit, bi, wht, bh,
          w1t0, b10, w2t0, b20, w1t1, b11, w2t1, b21):
    return pl.pallas_call(
        _step_body,
        grid=(NB,),
        in_specs=[
            pl.BlockSpec((BN, D), lambda i: (i, 0)),
            pl.BlockSpec((2, BN, D), lambda i: (0, i, 0)),
            _full((D, 3 * D)), _full((1, 3 * D)), _full((D, 3 * D)), _full((1, 3 * D)),
            _full((D, D)), _full((1, D)), _full((D, D)), _full((1, D)),
            _full((D, D)), _full((1, D)), _full((D, D)), _full((1, D)),
        ],
        out_specs=[
            pl.BlockSpec((BN, D), lambda i: (i, 0)),
            pl.BlockSpec((2, BN, D), lambda i: (0, i, 0)),
        ],
        out_shape=[
            jax.ShapeDtypeStruct((N, D), jnp.float32),
            jax.ShapeDtypeStruct((2, N, D), jnp.float32),
        ],
    )(h, s_stack, wit, bi, wht, bh,
      w1t0, b10, w2t0, b20, w1t1, b11, w2t1, b21)


def _last_body(h_ref, s_ref,
               wit_ref, bi_ref, wht_ref, bh_ref,
               pt_ref, f1g_ref, f1p_ref, f1b_ref, f2_ref, f2b_ref,
               fl_ref, flb_ref,
               out_ref, gsum):
    i = pl.program_id(0)
    h = h_ref[...]
    inc = s_ref[0] + s_ref[1]
    hn = _gru_block(h, inc, wit_ref, bi_ref, wht_ref, bh_ref)
    part = jnp.sum(hn, axis=0, keepdims=True)

    @pl.when(i == 0)
    def _():
        gsum[...] = part

    @pl.when(i > 0)
    def _():
        gsum[...] = gsum[...] + part

    @pl.when(i == NB - 1)
    def _():
        g = gsum[...]
        g = jnp.log(g)
        g = jnp.where(jnp.isnan(g), 0.0, g)
        g = jnp.maximum(g, 0.0)
        isinf = jnp.isinf(g)
        finite_max = jnp.max(jnp.where(isinf, -jnp.inf, g))
        g = jnp.where(isinf, finite_max, g)
        x = _dot(g, f1g_ref[...]) + pt_ref[...] * f1p_ref[...] + f1b_ref[...]
        x = _leaky(x)
        x = _leaky(_dot(x, f2_ref[...]) + f2b_ref[...])
        out_ref[...] = _dot(x, fl_ref[...]) + flb_ref[...]


def _last(h, s_stack, wit, bi, wht, bh,
          pt, f1g, f1p, f1b, f2, f2b, fl, flb):
    return pl.pallas_call(
        _last_body,
        grid=(NB,),
        in_specs=[
            pl.BlockSpec((BN, D), lambda i: (i, 0)),
            pl.BlockSpec((2, BN, D), lambda i: (0, i, 0)),
            _full((D, 3 * D)), _full((1, 3 * D)), _full((D, 3 * D)), _full((1, 3 * D)),
            _full((1, 1)), _full((D, 80)), _full((1, 80)), _full((1, 80)),
            _full((80, 80)), _full((1, 80)), _full((80, 2)), _full((1, 2)),
        ],
        out_specs=pl.BlockSpec((1, 2), lambda i: (0, 0)),
        out_shape=jax.ShapeDtypeStruct((1, 2), jnp.float32),
        scratch_shapes=[pltpu.VMEM((1, D), jnp.float32)],
    )(h, s_stack, wit, bi, wht, bh,
      pt, f1g, f1p, f1b, f2, f2b, fl, flb)



def kernel(nodes, edge_set_0, edge_set_1, problem_type,
           W1_0, b1_0, W2_0, b2_0, W1_1, b1_1, W2_1, b2_1,
           gru_wi, gru_wh, gru_bi, gru_bh,
           fc1_w, fc1_b, fc2_w, fc2_b, fcl_w, fcl_b):
    src = jnp.stack([edge_set_0[:, 1].reshape(NS, NBLK, IB, K),
                     edge_set_1[:, 1].reshape(NS, NBLK, IB, K)])
    dst = jnp.stack([edge_set_0[:, 0].reshape(NS, NBLK, IB, K),
                     edge_set_1[:, 0].reshape(NS, NBLK, IB, K)])
    z128 = jnp.zeros((NP, D), jnp.float32)

    w1t0, w1t1 = W1_0.T, W1_1.T
    w2t0, w2t1 = W2_0.T, W2_1.T
    b10, b11 = b1_0[None, :], b1_1[None, :]
    b20, b21 = b2_0[None, :], b2_1[None, :]
    wit, wht = gru_wi.T, gru_wh.T
    bi, bh = gru_bi[None, :], gru_bh[None, :]
    f1g = fc1_w[:, :D].T
    f1p = fc1_w[:, D:D + 1].T
    f1b = fc1_b[None, :]
    f2, f2b = fc2_w.T, fc2_b[None, :]
    fl, flb = fcl_w.T, fcl_b[None, :]

    h = nodes
    v = _v_init(h, w1t0, b10, w2t0, b20, w1t1, b11, w2t1, b21)
    for p in range(PASSES):
        s_stack = _sc_scatter(v, src, dst, z128)
        if p < PASSES - 1:
            h, v = _step(h, s_stack, wit, bi, wht, bh,
                         w1t0, b10, w2t0, b20, w1t1, b11, w2t1, b21)
        else:
            out = _last(h, s_stack, wit, bi, wht, bh, problem_type,
                        f1g, f1p, f1b, f2, f2b, fl, flb)
    return out

# --- scband reference (transcript-rebuilt; emitter-appended) ---
"""Pipeline reference for scband-ggnn-88252987998920 (READ-ONLY COPY).

The authoritative reference and input builder live on the scoring server;
editing this copy changes nothing except your own understanding.
"""

import jax, jax.numpy as jnp
import numpy as np

N = 10000
D = 128
E = 160000
OUT = 2
PASSES = 3


def _gru_cell(x, h, wi, wh, bi, bh):
    gi = x @ wi.T + bi
    gh = h @ wh.T + bh
    ir, iz, inn = jnp.split(gi, 3, axis=1)
    hr, hz, hn = jnp.split(gh, 3, axis=1)
    r = jax.nn.sigmoid(ir + hr)
    z = jax.nn.sigmoid(iz + hz)
    n = jnp.tanh(inn + r * hn)
    return (1.0 - z) * n + z * h


def setup_inputs(seed: int = 0) -> dict:
    key = jax.random.key(seed)
    ks = jax.random.split(key, 32)
    s = 0.1
    inp = {}
    inp["nodes"] = jax.random.normal(ks[0], (N, D), dtype=jnp.float32)
    inp["edge_set_0"] = jax.random.randint(ks[1], (E, 2), 0, N, dtype=jnp.int32)
    inp["edge_set_1"] = jax.random.randint(ks[2], (E, 2), 0, N, dtype=jnp.int32)
    inp["problem_type"] = jax.random.uniform(ks[3], (1, 1), dtype=jnp.float32)
    # edge-net params (2 edge sets x 2 linears each)
    inp["W1_0"] = s * jax.random.normal(ks[4], (D, D), dtype=jnp.float32)
    inp["b1_0"] = s * jax.random.normal(ks[5], (D,), dtype=jnp.float32)
    inp["W2_0"] = s * jax.random.normal(ks[6], (D, D), dtype=jnp.float32)
    inp["b2_0"] = s * jax.random.normal(ks[7], (D,), dtype=jnp.float32)
    inp["W1_1"] = s * jax.random.normal(ks[8], (D, D), dtype=jnp.float32)
    inp["b1_1"] = s * jax.random.normal(ks[9], (D,), dtype=jnp.float32)
    inp["W2_1"] = s * jax.random.normal(ks[10], (D, D), dtype=jnp.float32)
    inp["b2_1"] = s * jax.random.normal(ks[11], (D,), dtype=jnp.float32)
    # GRUCell params (torch layout: weight_ih [3D, D], weight_hh [3D, D])
    inp["gru_wi"] = s * jax.random.normal(ks[12], (3 * D, D), dtype=jnp.float32)
    inp["gru_wh"] = s * jax.random.normal(ks[13], (3 * D, D), dtype=jnp.float32)
    inp["gru_bi"] = s * jax.random.normal(ks[14], (3 * D,), dtype=jnp.float32)
    inp["gru_bh"] = s * jax.random.normal(ks[15], (3 * D,), dtype=jnp.float32)
    # readout MLP
    inp["fc1_w"] = s * jax.random.normal(ks[16], (80, D + 1), dtype=jnp.float32)
    inp["fc1_b"] = s * jax.random.normal(ks[17], (80,), dtype=jnp.float32)
    inp["fc2_w"] = s * jax.random.normal(ks[18], (80, 80), dtype=jnp.float32)
    inp["fc2_b"] = s * jax.random.normal(ks[19], (80,), dtype=jnp.float32)
    inp["fcl_w"] = s * jax.random.normal(ks[20], (OUT, 80), dtype=jnp.float32)
    inp["fcl_b"] = s * jax.random.normal(ks[21], (OUT,), dtype=jnp.float32)
    return inp


def reference(nodes, edge_set_0, edge_set_1, problem_type,
              W1_0, b1_0, W2_0, b2_0, W1_1, b1_1, W2_1, b2_1,
              gru_wi, gru_wh, gru_bi, gru_bh,
              fc1_w, fc1_b, fc2_w, fc2_b, fcl_w, fcl_b):
    edge_sets = [(edge_set_0, W1_0, b1_0, W2_0, b2_0),
                 (edge_set_1, W1_1, b1_1, W2_1, b2_1)]
    h = nodes
    for j in range(PASSES):
        incoming = jnp.zeros_like(h)
        for es, W1, b1, W2, b2 in edge_sets:
            y = jnp.take(h, es[:, 1], axis=0)
            y = jax.nn.leaky_relu(y @ W1.T + b1)
            y = y @ W2.T + b2
            incoming = incoming.at[es[:, 0]].add(y)
        h = _gru_cell(incoming, h, gru_wi, gru_wh, gru_bi, gru_bh)
        if j < PASSES - 2:
            h = jax.lax.stop_gradient(h)
    g = jnp.sum(h, axis=0)
    g = jnp.log(g)
    g = jnp.where(jnp.isnan(g), 0.0, g)
    g = jax.nn.relu(g)
    isinf = jnp.isinf(g)
    finite_max = jnp.max(jnp.where(isinf, -jnp.inf, g))
    g = jnp.where(isinf, finite_max, g)
    x = jnp.concatenate([g[None, :], problem_type], axis=1)
    x = jax.nn.leaky_relu(x @ fc1_w.T + fc1_b)
    x = jax.nn.leaky_relu(x @ fc2_w.T + fc2_b)
    return x @ fcl_w.T + fcl_b

if __name__ == "__main__":
    import jax
    _d = setup_inputs()
    print(jax.jit(kernel)(*tuple(_d.values())))

</pallas_src>

<mosaic_0001>
#map = affine_map<(d0, d1) -> (0, 0, 0)>
#map1 = affine_map<(d0, d1) -> (0, 0, 0, 0, 0)>
#map2 = affine_map<(d0, d1) -> (0, 0)>
module attributes {stable_mosaic.version = 14 : i64} {
  func.func @body(%arg0: i32, %arg1: i32, %arg2: memref<2x10000x128xf32, #tpu.memory_space<hbm>>, %arg3: memref<2x16x2x50x100xi32, #tpu.memory_space<hbm>>, %arg4: memref<2x16x2x50x100xi32, #tpu.memory_space<hbm>>, %arg5: memref<10240x128xf32, #tpu.memory_space<hbm>>, %arg6: memref<2x10240x128xf32, #tpu.memory_space<hbm>>, %arg7: memref<10240x128xf32, #tpu.memory_space<vmem_shared>>, %arg8: memref<50x100xi32, #tpu.memory_space<vmem>>, %arg9: memref<50x100xi32, #tpu.memory_space<vmem>>, %arg10: memref<100x128xf32, #tpu.memory_space<vmem>>, %arg11: memref<100x128xf32, #tpu.memory_space<vmem>>, %arg12: memref<!tpu.dma_semaphore, #tpu.memory_space<semaphore_mem>>, %arg13: memref<!tpu.dma_semaphore, #tpu.memory_space<semaphore_mem>>) attributes {dimension_semantics = [#tpu.dimension_semantics<core_parallel>, #tpu.dimension_semantics<subcore_parallel>], iteration_bounds = array<i64: 2, 16>, scalar_prefetch = 0 : i64, scratch_operands = 7 : i64, tpu.core_type = #tpu.core_type<sc_vector_subcore>, window_params = [{transform_indices = #map}, {transform_indices = #map1}, {transform_indices = #map1}, {transform_indices = #map2}, {transform_indices = #map}]} {
    %mul3A = arith.constant 640 : i32
    %mul3A_0 = arith.muli %arg1, %mul3A : i32
    "tpu.region"() ({
      %run_scoped3A = tpu.sem_alloc : memref<!tpu.dma_semaphore, #tpu.memory_space<semaphore_mem>>
      %dma_start3A = arith.constant 0 : i32
      %dma_start3A_6 = tpu.memref_slice %arg7[%mul3A_0, %dma_start3A] : memref<10240x128xf32, #tpu.memory_space<vmem_shared>> -> memref<640x128xf32, #tpu.memory_space<vmem_shared>>
      %dma_start3A_7 = arith.constant 0 : i32
      %dma_start3A_8 = tpu.memref_slice %arg5[%mul3A_0, %dma_start3A_7] : memref<10240x128xf32, #tpu.memory_space<hbm>> -> memref<640x128xf32, #tpu.memory_space<hbm>>
      tpu.enqueue_dma source(%dma_start3A_8 : memref<640x128xf32, #tpu.memory_space<hbm>>) target(%dma_start3A_6 : memref<640x128xf32, #tpu.memory_space<vmem_shared>>) target_semaphore(%run_scoped3A : memref<!tpu.dma_semaphore, #tpu.memory_space<semaphore_mem>>)
      %dma_wait3A = arith.constant 0 : i32
      %dma_wait3A_9 = tpu.memref_slice %arg7[%mul3A_0, %dma_wait3A] : memref<10240x128xf32, #tpu.memory_space<vmem_shared>> -> memref<640x128xf32, #tpu.memory_space<vmem_shared>>
      %dma_wait3A_10 = arith.constant 0 : i32
      %dma_wait3A_11 = tpu.memref_slice %arg5[%mul3A_0, %dma_wait3A_10] : memref<10240x128xf32, #tpu.memory_space<hbm>> -> memref<640x128xf32, #tpu.memory_space<hbm>>
      tpu.wait_dma2 semaphore(%run_scoped3A : memref<!tpu.dma_semaphore, #tpu.memory_space<semaphore_mem>>) src(%dma_wait3A_11 : memref<640x128xf32, #tpu.memory_space<hbm>>) dst(%dma_wait3A_9 : memref<640x128xf32, #tpu.memory_space<vmem_shared>>)
      tpu.yield
    }) : () -> ()
    %barrier3A = arith.constant 0 : index
    tpu.barrier barrier_id(%barrier3A)
    %scan3A = arith.constant 0 : i32
    %scan3A_1 = arith.constant 2 : i32
    %scan3A_2 = arith.addi %scan3A, %scan3A_1 : i32
    %scan3A_3 = arith.constant 1 : i32
    scf.for %scan3A_6 = %scan3A to %scan3A_2 step %scan3A_3  : i32 {
      %mul3A_7 = arith.constant 1 : i32
      %mul3A_8 = arith.muli %scan3A_6, %mul3A_7 : i32
      %add3A = arith.constant 0 : i32
      %add3A_9 = arith.addi %add3A, %mul3A_8 : i32
      "tpu.region"() ({
        %run_scoped3A = tpu.sem_alloc : memref<!tpu.dma_semaphore, #tpu.memory_space<semaphore_mem>>
        %dma_start3A_25 = arith.constant 0 : i32
        %dma_start3A_26 = arith.constant 0 : i32
        %dma_start3A_27 = arith.constant 0 : i32
        %dma_start3A_28 = arith.constant 0 : i32
        %dma_start3A_29 = tpu.memref_slice %arg3[%arg0, %dma_start3A_25, %dma_start3A_26, %dma_start3A_27, %dma_start3A_28] : memref<2x16x2x50x100xi32, #tpu.memory_space<hbm>> -> memref<1x16x2x50x100xi32, #tpu.memory_space<hbm>>
        %dma_start3A_30 = tpu.memref_squeeze %dma_start3A_29 : memref<1x16x2x50x100xi32, #tpu.memory_space<hbm>> -> memref<16x2x50x100xi32, #tpu.memory_space<hbm>>
        %dma_start3A_31 = arith.constant 0 : i32
        %dma_start3A_32 = arith.constant 0 : i32
        %dma_start3A_33 = arith.constant 0 : i32
        %dma_start3A_34 = tpu.memref_slice %dma_start3A_30[%arg1, %dma_start3A_31, %dma_start3A_32, %dma_start3A_33] : memref<16x2x50x100xi32, #tpu.memory_space<hbm>> -> memref<1x2x50x100xi32, #tpu.memory_space<hbm>>
        %dma_start3A_35 = tpu.memref_squeeze %dma_start3A_34 : memref<1x2x50x100xi32, #tpu.memory_space<hbm>> -> memref<2x50x100xi32, #tpu.memory_space<hbm>>
        %dma_start3A_36 = arith.constant 0 : i32
        %dma_start3A_37 = arith.constant 0 : i32
        %dma_start3A_38 = tpu.memref_slice %dma_start3A_35[%add3A_9, %dma_start3A_36, %dma_start3A_37] : memref<2x50x100xi32, #tpu.memory_space<hbm>> -> memref<1x50x100xi32, #tpu.memory_space<hbm>>
        %dma_start3A_39 = tpu.memref_squeeze %dma_start3A_38 : memref<1x50x100xi32, #tpu.memory_space<hbm>> -> memref<50x100xi32, #tpu.memory_space<hbm>>
        %dma_start3A_40 = arith.constant 0 : i32
        %dma_start3A_41 = arith.constant 0 : i32
        %dma_start3A_42 = arith.constant 0 : i32
        %dma_start3A_43 = arith.constant 0 : i32
        %dma_start3A_44 = tpu.memref_slice %arg3[%arg0, %dma_start3A_40, %dma_start3A_41, %dma_start3A_42, %dma_start3A_43] : memref<2x16x2x50x100xi32, #tpu.memory_space<hbm>> -> memref<1x16x2x50x100xi32, #tpu.memory_space<hbm>>
        %dma_start3A_45 = tpu.memref_squeeze %dma_start3A_44 : memref<1x16x2x50x100xi32, #tpu.memory_space<hbm>> -> memref<16x2x50x100xi32, #tpu.memory_space<hbm>>
        %dma_start3A_46 = arith.constant 0 : i32
        %dma_start3A_47 = arith.constant 0 : i32
        %dma_start3A_48 = arith.constant 0 : i32
        %dma_start3A_49 = tpu.memref_slice %dma_start3A_45[%arg1, %dma_start3A_46, %dma_start3A_47, %dma_start3A_48] : memref<16x2x50x100xi32, #tpu.memory_space<hbm>> -> memref<1x2x50x100xi32, #tpu.memory_space<hbm>>
        %dma_start3A_50 = tpu.memref_squeeze %dma_start3A_49 : memref<1x2x50x100xi32, #tpu.memory_space<hbm>> -> memref<2x50x100xi32, #tpu.memory_space<hbm>>
        %dma_start3A_51 = arith.constant 0 : i32
        %dma_start3A_52 = arith.constant 0 : i32
        %dma_start3A_53 = tpu.memref_slice %dma_start3A_50[%add3A_9, %dma_start3A_51, %dma_start3A_52] : memref<2x50x100xi32, #tpu.memory_space<hbm>> -> memref<1x50x100xi32, #tpu.memory_space<hbm>>
        %dma_start3A_54 = tpu.memref_squeeze %dma_start3A_53 : memref<1x50x100xi32, #tpu.memory_space<hbm>> -> memref<50x100xi32, #tpu.memory_space<hbm>>
        tpu.enqueue_dma source(%dma_start3A_54 : memref<50x100xi32, #tpu.memory_space<hbm>>) target(%arg8 : memref<50x100xi32, #tpu.memory_space<vmem>>) target_semaphore(%run_scoped3A : memref<!tpu.dma_semaphore, #tpu.memory_space<semaphore_mem>>)
        %dma_wait3A = arith.constant 0 : i32
        %dma_wait3A_55 = arith.constant 0 : i32
        %dma_wait3A_56 = arith.constant 0 : i32
        %dma_wait3A_57 = arith.constant 0 : i32
        %dma_wait3A_58 = tpu.memref_slice %arg3[%arg0, %dma_wait3A, %dma_wait3A_55, %dma_wait3A_56, %dma_wait3A_57] : memref<2x16x2x50x100xi32, #tpu.memory_space<hbm>> -> memref<1x16x2x50x100xi32, #tpu.memory_space<hbm>>
        %dma_wait3A_59 = tpu.memref_squeeze %dma_wait3A_58 : memref<1x16x2x50x100xi32, #tpu.memory_space<hbm>> -> memref<16x2x50x100xi32, #tpu.memory_space<hbm>>
        %dma_wait3A_60 = arith.constant 0 : i32
        %dma_wait3A_61 = arith.constant 0 : i32
        %dma_wait3A_62 = arith.constant 0 : i32
        %dma_wait3A_63 = tpu.memref_slice %dma_wait3A_59[%arg1, %dma_wait3A_60, %dma_wait3A_61, %dma_wait3A_62] : memref<16x2x50x100xi32, #tpu.memory_space<hbm>> -> memref<1x2x50x100xi32, #tpu.memory_space<hbm>>
        %dma_wait3A_64 = tpu.memref_squeeze %dma_wait3A_63 : memref<1x2x50x100xi32, #tpu.memory_space<hbm>> -> memref<2x50x100xi32, #tpu.memory_space<hbm>>
        %dma_wait3A_65 = arith.constant 0 : i32
        %dma_wait3A_66 = arith.constant 0 : i32
        %dma_wait3A_67 = tpu.memref_slice %dma_wait3A_64[%add3A_9, %dma_wait3A_65, %dma_wait3A_66] : memref<2x50x100xi32, #tpu.memory_space<hbm>> -> memref<1x50x100xi32, #tpu.memory_space<hbm>>
        %dma_wait3A_68 = tpu.memref_squeeze %dma_wait3A_67 : memref<1x50x100xi32, #tpu.memory_space<hbm>> -> memref<50x100xi32, #tpu.memory_space<hbm>>
        %dma_wait3A_69 = arith.constant 0 : i32
        %dma_wait3A_70 = arith.constant 0 : i32
        %dma_wait3A_71 = arith.constant 0 : i32
        %dma_wait3A_72 = arith.constant 0 : i32
        %dma_wait3A_73 = tpu.memref_slice %arg3[%arg0, %dma_wait3A_69, %dma_wait3A_70, %dma_wait3A_71, %dma_wait3A_72] : memref<2x16x2x50x100xi32, #tpu.memory_space<hbm>> -> memref<1x16x2x50x100xi32, #tpu.memory_space<hbm>>
        %dma_wait3A_74 = tpu.memref_squeeze %dma_wait3A_73 : memref<1x16x2x50x100xi32, #tpu.memory_space<hbm>> -> memref<16x2x50x100xi32, #tpu.memory_space<hbm>>
        %dma_wait3A_75 = arith.constant 0 : i32
        %dma_wait3A_76 = arith.constant 0 : i32
        %dma_wait3A_77 = arith.constant 0 : i32
        %dma_wait3A_78 = tpu.memref_slice %dma_wait3A_74[%arg1, %dma_wait3A_75, %dma_wait3A_76, %dma_wait3A_77] : memref<16x2x50x100xi32, #tpu.memory_space<hbm>> -> memref<1x2x50x100xi32, #tpu.memory_space<hbm>>
        %dma_wait3A_79 = tpu.memref_squeeze %dma_wait3A_78 : memref<1x2x50x100xi32, #tpu.memory_space<hbm>> -> memref<2x50x100xi32, #tpu.memory_space<hbm>>
        %dma_wait3A_80 = arith.constant 0 : i32
        %dma_wait3A_81 = arith.constant 0 : i32
        %dma_wait3A_82 = tpu.memref_slice %dma_wait3A_79[%add3A_9, %dma_wait3A_80, %dma_wait3A_81] : memref<2x50x100xi32, #tpu.memory_space<hbm>> -> memref<1x50x100xi32, #tpu.memory_space<hbm>>
        %dma_wait3A_83 = tpu.memref_squeeze %dma_wait3A_82 : memref<1x50x100xi32, #tpu.memory_space<hbm>> -> memref<50x100xi32, #tpu.memory_space<hbm>>
        tpu.wait_dma2 semaphore(%run_scoped3A : memref<!tpu.dma_semaphore, #tpu.memory_space<semaphore_mem>>) src(%dma_wait3A_83 : memref<50x100xi32, #tpu.memory_space<hbm>>) dst(%arg8 : memref<50x100xi32, #tpu.memory_space<vmem>>)
        tpu.yield
      }) : () -> ()
      "tpu.region"() ({
        %run_scoped3A = tpu.sem_alloc : memref<!tpu.dma_semaphore, #tpu.memory_space<semaphore_mem>>
        %dma_start3A_25 = arith.constant 0 : i32
        %dma_start3A_26 = arith.constant 0 : i32
        %dma_start3A_27 = arith.constant 0 : i32
        %dma_start3A_28 = arith.constant 0 : i32
        %dma_start3A_29 = tpu.memref_slice %arg4[%arg0, %dma_start3A_25, %dma_start3A_26, %dma_start3A_27, %dma_start3A_28] : memref<2x16x2x50x100xi32, #tpu.memory_space<hbm>> -> memref<1x16x2x50x100xi32, #tpu.memory_space<hbm>>
        %dma_start3A_30 = tpu.memref_squeeze %dma_start3A_29 : memref<1x16x2x50x100xi32, #tpu.memory_space<hbm>> -> memref<16x2x50x100xi32, #tpu.memory_space<hbm>>
        %dma_start3A_31 = arith.constant 0 : i32
        %dma_start3A_32 = arith.constant 0 : i32
        %dma_start3A_33 = arith.constant 0 : i32
        %dma_start3A_34 = tpu.memref_slice %dma_start3A_30[%arg1, %dma_start3A_31, %dma_start3A_32, %dma_start3A_33] : memref<16x2x50x100xi32, #tpu.memory_space<hbm>> -> memref<1x2x50x100xi32, #tpu.memory_space<hbm>>
        %dma_start3A_35 = tpu.memref_squeeze %dma_start3A_34 : memref<1x2x50x100xi32, #tpu.memory_space<hbm>> -> memref<2x50x100xi32, #tpu.memory_space<hbm>>
        %dma_start3A_36 = arith.constant 0 : i32
        %dma_start3A_37 = arith.constant 0 : i32
        %dma_start3A_38 = tpu.memref_slice %dma_start3A_35[%add3A_9, %dma_start3A_36, %dma_start3A_37] : memref<2x50x100xi32, #tpu.memory_space<hbm>> -> memref<1x50x100xi32, #tpu.memory_space<hbm>>
        %dma_start3A_39 = tpu.memref_squeeze %dma_start3A_38 : memref<1x50x100xi32, #tpu.memory_space<hbm>> -> memref<50x100xi32, #tpu.memory_space<hbm>>
        %dma_start3A_40 = arith.constant 0 : i32
        %dma_start3A_41 = arith.constant 0 : i32
        %dma_start3A_42 = arith.constant 0 : i32
        %dma_start3A_43 = arith.constant 0 : i32
        %dma_start3A_44 = tpu.memref_slice %arg4[%arg0, %dma_start3A_40, %dma_start3A_41, %dma_start3A_42, %dma_start3A_43] : memref<2x16x2x50x100xi32, #tpu.memory_space<hbm>> -> memref<1x16x2x50x100xi32, #tpu.memory_space<hbm>>
        %dma_start3A_45 = tpu.memref_squeeze %dma_start3A_44 : memref<1x16x2x50x100xi32, #tpu.memory_space<hbm>> -> memref<16x2x50x100xi32, #tpu.memory_space<hbm>>
        %dma_start3A_46 = arith.constant 0 : i32
        %dma_start3A_47 = arith.constant 0 : i32
        %dma_start3A_48 = arith.constant 0 : i32
        %dma_start3A_49 = tpu.memref_slice %dma_start3A_45[%arg1, %dma_start3A_46, %dma_start3A_47, %dma_start3A_48] : memref<16x2x50x100xi32, #tpu.memory_space<hbm>> -> memref<1x2x50x100xi32, #tpu.memory_space<hbm>>
        %dma_start3A_50 = tpu.memref_squeeze %dma_start3A_49 : memref<1x2x50x100xi32, #tpu.memory_space<hbm>> -> memref<2x50x100xi32, #tpu.memory_space<hbm>>
        %dma_start3A_51 = arith.constant 0 : i32
        %dma_start3A_52 = arith.constant 0 : i32
        %dma_start3A_53 = tpu.memref_slice %dma_start3A_50[%add3A_9, %dma_start3A_51, %dma_start3A_52] : memref<2x50x100xi32, #tpu.memory_space<hbm>> -> memref<1x50x100xi32, #tpu.memory_space<hbm>>
        %dma_start3A_54 = tpu.memref_squeeze %dma_start3A_53 : memref<1x50x100xi32, #tpu.memory_space<hbm>> -> memref<50x100xi32, #tpu.memory_space<hbm>>
        tpu.enqueue_dma source(%dma_start3A_54 : memref<50x100xi32, #tpu.memory_space<hbm>>) target(%arg9 : memref<50x100xi32, #tpu.memory_space<vmem>>) target_semaphore(%run_scoped3A : memref<!tpu.dma_semaphore, #tpu.memory_space<semaphore_mem>>)
        %dma_wait3A = arith.constant 0 : i32
        %dma_wait3A_55 = arith.constant 0 : i32
        %dma_wait3A_56 = arith.constant 0 : i32
        %dma_wait3A_57 = arith.constant 0 : i32
        %dma_wait3A_58 = tpu.memref_slice %arg4[%arg0, %dma_wait3A, %dma_wait3A_55, %dma_wait3A_56, %dma_wait3A_57] : memref<2x16x2x50x100xi32, #tpu.memory_space<hbm>> -> memref<1x16x2x50x100xi32, #tpu.memory_space<hbm>>
        %dma_wait3A_59 = tpu.memref_squeeze %dma_wait3A_58 : memref<1x16x2x50x100xi32, #tpu.memory_space<hbm>> -> memref<16x2x50x100xi32, #tpu.memory_space<hbm>>
        %dma_wait3A_60 = arith.constant 0 : i32
        %dma_wait3A_61 = arith.constant 0 : i32
        %dma_wait3A_62 = arith.constant 0 : i32
        %dma_wait3A_63 = tpu.memref_slice %dma_wait3A_59[%arg1, %dma_wait3A_60, %dma_wait3A_61, %dma_wait3A_62] : memref<16x2x50x100xi32, #tpu.memory_space<hbm>> -> memref<1x2x50x100xi32, #tpu.memory_space<hbm>>
        %dma_wait3A_64 = tpu.memref_squeeze %dma_wait3A_63 : memref<1x2x50x100xi32, #tpu.memory_space<hbm>> -> memref<2x50x100xi32, #tpu.memory_space<hbm>>
        %dma_wait3A_65 = arith.constant 0 : i32
        %dma_wait3A_66 = arith.constant 0 : i32
        %dma_wait3A_67 = tpu.memref_slice %dma_wait3A_64[%add3A_9, %dma_wait3A_65, %dma_wait3A_66] : memref<2x50x100xi32, #tpu.memory_space<hbm>> -> memref<1x50x100xi32, #tpu.memory_space<hbm>>
        %dma_wait3A_68 = tpu.memref_squeeze %dma_wait3A_67 : memref<1x50x100xi32, #tpu.memory_space<hbm>> -> memref<50x100xi32, #tpu.memory_space<hbm>>
        %dma_wait3A_69 = arith.constant 0 : i32
        %dma_wait3A_70 = arith.constant 0 : i32
        %dma_wait3A_71 = arith.constant 0 : i32
        %dma_wait3A_72 = arith.constant 0 : i32
        %dma_wait3A_73 = tpu.memref_slice %arg4[%arg0, %dma_wait3A_69, %dma_wait3A_70, %dma_wait3A_71, %dma_wait3A_72] : memref<2x16x2x50x100xi32, #tpu.memory_space<hbm>> -> memref<1x16x2x50x100xi32, #tpu.memory_space<hbm>>
        %dma_wait3A_74 = tpu.memref_squeeze %dma_wait3A_73 : memref<1x16x2x50x100xi32, #tpu.memory_space<hbm>> -> memref<16x2x50x100xi32, #tpu.memory_space<hbm>>
        %dma_wait3A_75 = arith.constant 0 : i32
        %dma_wait3A_76 = arith.constant 0 : i32
        %dma_wait3A_77 = arith.constant 0 : i32
        %dma_wait3A_78 = tpu.memref_slice %dma_wait3A_74[%arg1, %dma_wait3A_75, %dma_wait3A_76, %dma_wait3A_77] : memref<16x2x50x100xi32, #tpu.memory_space<hbm>> -> memref<1x2x50x100xi32, #tpu.memory_space<hbm>>
        %dma_wait3A_79 = tpu.memref_squeeze %dma_wait3A_78 : memref<1x2x50x100xi32, #tpu.memory_space<hbm>> -> memref<2x50x100xi32, #tpu.memory_space<hbm>>
        %dma_wait3A_80 = arith.constant 0 : i32
        %dma_wait3A_81 = arith.constant 0 : i32
        %dma_wait3A_82 = tpu.memref_slice %dma_wait3A_79[%add3A_9, %dma_wait3A_80, %dma_wait3A_81] : memref<2x50x100xi32, #tpu.memory_space<hbm>> -> memref<1x50x100xi32, #tpu.memory_space<hbm>>
        %dma_wait3A_83 = tpu.memref_squeeze %dma_wait3A_82 : memref<1x50x100xi32, #tpu.memory_space<hbm>> -> memref<50x100xi32, #tpu.memory_space<hbm>>
        tpu.wait_dma2 semaphore(%run_scoped3A : memref<!tpu.dma_semaphore, #tpu.memory_space<semaphore_mem>>) src(%dma_wait3A_83 : memref<50x100xi32, #tpu.memory_space<hbm>>) dst(%arg9 : memref<50x100xi32, #tpu.memory_space<vmem>>)
        tpu.yield
      }) : () -> ()
      %dma_start3A = arith.constant 0 : i32
      %dma_start3A_10 = arith.constant 0 : i32
      %dma_start3A_11 = tpu.memref_slice %arg8[%dma_start3A, %dma_start3A_10] : memref<50x100xi32, #tpu.memory_space<vmem>> -> memref<1x100xi32, #tpu.memory_space<vmem>>
      %dma_start3A_12 = tpu.memref_squeeze %dma_start3A_11 : memref<1x100xi32, #tpu.memory_space<vmem>> -> memref<100xi32, #tpu.memory_space<vmem>>
      %dma_start3A_13 = arith.constant 0 : i32
      %dma_start3A_14 = arith.constant 0 : i32
      %dma_start3A_15 = tpu.memref_slice %arg2[%arg0, %dma_start3A_13, %dma_start3A_14] : memref<2x10000x128xf32, #tpu.memory_space<hbm>> -> memref<1x10000x128xf32, #tpu.memory_space<hbm>>
      %dma_start3A_16 = tpu.memref_squeeze %dma_start3A_15 : memref<1x10000x128xf32, #tpu.memory_space<hbm>> -> memref<10000x128xf32, #tpu.memory_space<hbm>>
      %dma_start3A_17 = arith.constant 0 : i32
      %dma_start3A_18 = arith.constant 0 : i32
      %dma_start3A_19 = tpu.memref_slice %dma_start3A_16[%dma_start3A_17, %dma_start3A_18] : memref<10000x128xf32, #tpu.memory_space<hbm>> -> memref<10000x128xf32, #tpu.memory_space<hbm>>
      tpu.enqueue_indirect_dma source(%dma_start3A_19 : memref<10000x128xf32, #tpu.memory_space<hbm>>) target(%arg10 : memref<100x128xf32, #tpu.memory_space<vmem>>) offsets(%dma_start3A_12 : memref<100xi32, #tpu.memory_space<vmem>>) semaphore(%arg12 : memref<!tpu.dma_semaphore, #tpu.memory_space<semaphore_mem>>)
      %scan3A_20 = arith.constant 0 : i32
      %scan3A_21 = arith.constant 25 : i32
      %scan3A_22 = arith.addi %scan3A_20, %scan3A_21 : i32
      %scan3A_23 = arith.constant 1 : i32
      scf.for %scan3A_25 = %scan3A_20 to %scan3A_22 step %scan3A_23  : i32 {
        %mul3A_26 = arith.constant 2 : i32
        %mul3A_27 = arith.muli %scan3A_25, %mul3A_26 : i32
        %add3A_28 = arith.constant 0 : i32
        %add3A_29 = arith.addi %add3A_28, %mul3A_27 : i32
        %add3A_30 = arith.constant 1 : i32
        %add3A_31 = arith.addi %add3A_29, %add3A_30 : i32
        %dma_start3A_32 = arith.constant 0 : i32
        %dma_start3A_33 = tpu.memref_slice %arg8[%add3A_31, %dma_start3A_32] : memref<50x100xi32, #tpu.memory_space<vmem>> -> memref<1x100xi32, #tpu.memory_space<vmem>>
        %dma_start3A_34 = tpu.memref_squeeze %dma_start3A_33 : memref<1x100xi32, #tpu.memory_space<vmem>> -> memref<100xi32, #tpu.memory_space<vmem>>
        %dma_start3A_35 = arith.constant 0 : i32
        %dma_start3A_36 = arith.constant 0 : i32
        %dma_start3A_37 = tpu.memref_slice %arg2[%arg0, %dma_start3A_35, %dma_start3A_36] : memref<2x10000x128xf32, #tpu.memory_space<hbm>> -> memref<1x10000x128xf32, #tpu.memory_space<hbm>>
        %dma_start3A_38 = tpu.memref_squeeze %dma_start3A_37 : memref<1x10000x128xf32, #tpu.memory_space<hbm>> -> memref<10000x128xf32, #tpu.memory_space<hbm>>
        %dma_start3A_39 = arith.constant 0 : i32
        %dma_start3A_40 = arith.constant 0 : i32
        %dma_start3A_41 = tpu.memref_slice %dma_start3A_38[%dma_start3A_39, %dma_start3A_40] : memref<10000x128xf32, #tpu.memory_space<hbm>> -> memref<10000x128xf32, #tpu.memory_space<hbm>>
        tpu.enqueue_indirect_dma source(%dma_start3A_41 : memref<10000x128xf32, #tpu.memory_space<hbm>>) target(%arg11 : memref<100x128xf32, #tpu.memory_space<vmem>>) offsets(%dma_start3A_34 : memref<100xi32, #tpu.memory_space<vmem>>) semaphore(%arg13 : memref<!tpu.dma_semaphore, #tpu.memory_space<semaphore_mem>>)
        %dma_wait3A = arith.constant 0 : i32
        %dma_wait3A_42 = tpu.memref_slice %arg8[%add3A_29, %dma_wait3A] : memref<50x100xi32, #tpu.memory_space<vmem>> -> memref<1x100xi32, #tpu.memory_space<vmem>>
        %dma_wait3A_43 = tpu.memref_squeeze %dma_wait3A_42 : memref<1x100xi32, #tpu.memory_space<vmem>> -> memref<100xi32, #tpu.memory_space<vmem>>
        %dma_wait3A_44 = arith.constant 0 : i32
        %dma_wait3A_45 = arith.constant 0 : i32
        %dma_wait3A_46 = tpu.memref_slice %arg2[%arg0, %dma_wait3A_44, %dma_wait3A_45] : memref<2x10000x128xf32, #tpu.memory_space<hbm>> -> memref<1x10000x128xf32, #tpu.memory_space<hbm>>
        %dma_wait3A_47 = tpu.memref_squeeze %dma_wait3A_46 : memref<1x10000x128xf32, #tpu.memory_space<hbm>> -> memref<10000x128xf32, #tpu.memory_space<hbm>>
        %dma_wait3A_48 = arith.constant 0 : i32
        %dma_wait3A_49 = arith.constant 0 : i32
        %dma_wait3A_50 = tpu.memref_slice %dma_wait3A_47[%dma_wait3A_48, %dma_wait3A_49] : memref<10000x128xf32, #tpu.memory_space<hbm>> -> memref<10000x128xf32, #tpu.memory_space<hbm>>
        tpu.wait_indirect_dma semaphore(%arg12 : memref<!tpu.dma_semaphore, #tpu.memory_space<semaphore_mem>>) src(%dma_wait3A_50 : memref<10000x128xf32, #tpu.memory_space<hbm>>) dst(%arg10 : memref<100x128xf32, #tpu.memory_space<vmem>>)
        "tpu.region"() ({
          %run_scoped3A = tpu.sem_alloc : memref<!tpu.dma_semaphore, #tpu.memory_space<semaphore_mem>>
          %dma_start3A_67 = arith.constant 0 : i32
          %dma_start3A_68 = tpu.memref_slice %arg9[%add3A_29, %dma_start3A_67] : memref<50x100xi32, #tpu.memory_space<vmem>> -> memref<1x100xi32, #tpu.memory_space<vmem>>
          %dma_start3A_69 = tpu.memref_squeeze %dma_start3A_68 : memref<1x100xi32, #tpu.memory_space<vmem>> -> memref<100xi32, #tpu.memory_space<vmem>>
          %dma_start3A_70 = arith.constant 0 : i32
          %dma_start3A_71 = arith.constant 0 : i32
          %dma_start3A_72 = tpu.memref_slice %arg7[%dma_start3A_70, %dma_start3A_71] : memref<10240x128xf32, #tpu.memory_space<vmem_shared>> -> memref<10240x128xf32, #tpu.memory_space<vmem_shared>>
          tpu.enqueue_indirect_dma source(%arg10 : memref<100x128xf32, #tpu.memory_space<vmem>>) target(%dma_start3A_72 : memref<10240x128xf32, #tpu.memory_space<vmem_shared>>) offsets(%dma_start3A_69 : memref<100xi32, #tpu.memory_space<vmem>>) semaphore(%run_scoped3A : memref<!tpu.dma_semaphore, #tpu.memory_space<semaphore_mem>>) {add = true}
          %dma_wait3A_73 = arith.constant 0 : i32
          %dma_wait3A_74 = tpu.memref_slice %arg9[%add3A_29, %dma_wait3A_73] : memref<50x100xi32, #tpu.memory_space<vmem>> -> memref<1x100xi32, #tpu.memory_space<vmem>>
          %dma_wait3A_75 = tpu.memref_squeeze %dma_wait3A_74 : memref<1x100xi32, #tpu.memory_space<vmem>> -> memref<100xi32, #tpu.memory_space<vmem>>
          %dma_wait3A_76 = arith.constant 0 : i32
          %dma_wait3A_77 = arith.constant 0 : i32
          %dma_wait3A_78 = tpu.memref_slice %arg7[%dma_wait3A_76, %dma_wait3A_77] : memref<10240x128xf32, #tpu.memory_space<vmem_shared>> -> memref<10240x128xf32, #tpu.memory_space<vmem_shared>>
          tpu.wait_indirect_dma semaphore(%run_scoped3A : memref<!tpu.dma_semaphore, #tpu.memory_space<semaphore_mem>>) src(%arg10 : memref<100x128xf32, #tpu.memory_space<vmem>>) dst(%dma_wait3A_78 : memref<10240x128xf32, #tpu.memory_space<vmem_shared>>)
          tpu.yield
        }) : () -> ()
        %add3A_51 = arith.constant 2 : i32
        %add3A_52 = arith.addi %add3A_29, %add3A_51 : i32
        %lt3A = arith.constant 50 : i32
        %lt3A_53 = arith.cmpi slt, %add3A_52, %lt3A : i32
        %convert_element_type3A = arith.extui %lt3A_53 : i1 to i32
        %cond3A = arith.constant 0 : i32
        %cond3A_54 = arith.cmpi ne, %convert_element_type3A, %cond3A : i32
        scf.if %cond3A_54 {
          %add3A_67 = arith.constant 2 : i32
          %add3A_68 = arith.addi %add3A_29, %add3A_67 : i32
          %dma_start3A_69 = arith.constant 0 : i32
          %dma_start3A_70 = tpu.memref_slice %arg8[%add3A_68, %dma_start3A_69] : memref<50x100xi32, #tpu.memory_space<vmem>> -> memref<1x100xi32, #tpu.memory_space<vmem>>
          %dma_start3A_71 = tpu.memref_squeeze %dma_start3A_70 : memref<1x100xi32, #tpu.memory_space<vmem>> -> memref<100xi32, #tpu.memory_space<vmem>>
          %dma_start3A_72 = arith.constant 0 : i32
          %dma_start3A_73 = arith.constant 0 : i32
          %dma_start3A_74 = tpu.memref_slice %arg2[%arg0, %dma_start3A_72, %dma_start3A_73] : memref<2x10000x128xf32, #tpu.memory_space<hbm>> -> memref<1x10000x128xf32, #tpu.memory_space<hbm>>
          %dma_start3A_75 = tpu.memref_squeeze %dma_start3A_74 : memref<1x10000x128xf32, #tpu.memory_space<hbm>> -> memref<10000x128xf32, #tpu.memory_space<hbm>>
          %dma_start3A_76 = arith.constant 0 : i32
          %dma_start3A_77 = arith.constant 0 : i32
          %dma_start3A_78 = tpu.memref_slice %dma_start3A_75[%dma_start3A_76, %dma_start3A_77] : memref<10000x128xf32, #tpu.memory_space<hbm>> -> memref<10000x128xf32, #tpu.memory_space<hbm>>
          tpu.enqueue_indirect_dma source(%dma_start3A_78 : memref<10000x128xf32, #tpu.memory_space<hbm>>) target(%arg10 : memref<100x128xf32, #tpu.memory_space<vmem>>) offsets(%dma_start3A_71 : memref<100xi32, #tpu.memory_space<vmem>>) semaphore(%arg12 : memref<!tpu.dma_semaphore, #tpu.memory_space<semaphore_mem>>)
        } else {
        }
        %dma_wait3A_55 = arith.constant 0 : i32
        %dma_wait3A_56 = tpu.memref_slice %arg8[%add3A_31, %dma_wait3A_55] : memref<50x100xi32, #tpu.memory_space<vmem>> -> memref<1x100xi32, #tpu.memory_space<vmem>>
        %dma_wait3A_57 = tpu.memref_squeeze %dma_wait3A_56 : memref<1x100xi32, #tpu.memory_space<vmem>> -> memref<100xi32, #tpu.memory_space<vmem>>
        %dma_wait3A_58 = arith.constant 0 : i32
        %dma_wait3A_59 = arith.constant 0 : i32
        %dma_wait3A_60 = tpu.memref_slice %arg2[%arg0, %dma_wait3A_58, %dma_wait3A_59] : memref<2x10000x128xf32, #tpu.memory_space<hbm>> -> memref<1x10000x128xf32, #tpu.memory_space<hbm>>
        %dma_wait3A_61 = tpu.memref_squeeze %dma_wait3A_60 : memref<1x10000x128xf32, #tpu.memory_space<hbm>> -> memref<10000x128xf32, #tpu.memory_space<hbm>>
        %dma_wait3A_62 = arith.constant 0 : i32
        %dma_wait3A_63 = arith.constant 0 : i32
        %dma_wait3A_64 = tpu.memref_slice %dma_wait3A_61[%dma_wait3A_62, %dma_wait3A_63] : memref<10000x128xf32, #tpu.memory_space<hbm>> -> memref<10000x128xf32, #tpu.memory_space<hbm>>
        tpu.wait_indirect_dma semaphore(%arg13 : memref<!tpu.dma_semaphore, #tpu.memory_space<semaphore_mem>>) src(%dma_wait3A_64 : memref<10000x128xf32, #tpu.memory_space<hbm>>) dst(%arg11 : memref<100x128xf32, #tpu.memory_space<vmem>>)
        %add3A_65 = arith.constant 1 : i32
        %add3A_66 = arith.addi %add3A_29, %add3A_65 : i32
        "tpu.region"() ({
          %run_scoped3A = tpu.sem_alloc : memref<!tpu.dma_semaphore, #tpu.memory_space<semaphore_mem>>
          %dma_start3A_67 = arith.constant 0 : i32
          %dma_start3A_68 = tpu.memref_slice %arg9[%add3A_66, %dma_start3A_67] : memref<50x100xi32, #tpu.memory_space<vmem>> -> memref<1x100xi32, #tpu.memory_space<vmem>>
          %dma_start3A_69 = tpu.memref_squeeze %dma_start3A_68 : memref<1x100xi32, #tpu.memory_space<vmem>> -> memref<100xi32, #tpu.memory_space<vmem>>
          %dma_start3A_70 = arith.constant 0 : i32
          %dma_start3A_71 = arith.constant 0 : i32
          %dma_start3A_72 = tpu.memref_slice %arg7[%dma_start3A_70, %dma_start3A_71] : memref<10240x128xf32, #tpu.memory_space<vmem_shared>> -> memref<10240x128xf32, #tpu.memory_space<vmem_shared>>
          tpu.enqueue_indirect_dma source(%arg11 : memref<100x128xf32, #tpu.memory_space<vmem>>) target(%dma_start3A_72 : memref<10240x128xf32, #tpu.memory_space<vmem_shared>>) offsets(%dma_start3A_69 : memref<100xi32, #tpu.memory_space<vmem>>) semaphore(%run_scoped3A : memref<!tpu.dma_semaphore, #tpu.memory_space<semaphore_mem>>) {add = true}
          %dma_wait3A_73 = arith.constant 0 : i32
          %dma_wait3A_74 = tpu.memref_slice %arg9[%add3A_66, %dma_wait3A_73] : memref<50x100xi32, #tpu.memory_space<vmem>> -> memref<1x100xi32, #tpu.memory_space<vmem>>
          %dma_wait3A_75 = tpu.memref_squeeze %dma_wait3A_74 : memref<1x100xi32, #tpu.memory_space<vmem>> -> memref<100xi32, #tpu.memory_space<vmem>>
          %dma_wait3A_76 = arith.constant 0 : i32
          %dma_wait3A_77 = arith.constant 0 : i32
          %dma_wait3A_78 = tpu.memref_slice %arg7[%dma_wait3A_76, %dma_wait3A_77] : memref<10240x128xf32, #tpu.memory_space<vmem_shared>> -> memref<10240x128xf32, #tpu.memory_space<vmem_shared>>
          tpu.wait_indirect_dma semaphore(%run_scoped3A : memref<!tpu.dma_semaphore, #tpu.memory_space<semaphore_mem>>) src(%arg11 : memref<100x128xf32, #tpu.memory_space<vmem>>) dst(%dma_wait3A_78 : memref<10240x128xf32, #tpu.memory_space<vmem_shared>>)
          tpu.yield
        }) : () -> ()
      }
      %scan3A_24 = arith.constant 25 : i32
    }
    %scan3A_4 = arith.constant 2 : i32
    %barrier3A_5 = arith.constant 0 : index
    tpu.barrier barrier_id(%barrier3A_5)
    "tpu.region"() ({
      %run_scoped3A = tpu.sem_alloc : memref<!tpu.dma_semaphore, #tpu.memory_space<semaphore_mem>>
      %dma_start3A = arith.constant 0 : i32
      %dma_start3A_6 = arith.constant 0 : i32
      %dma_start3A_7 = tpu.memref_slice %arg6[%arg0, %dma_start3A, %dma_start3A_6] : memref<2x10240x128xf32, #tpu.memory_space<hbm>> -> memref<1x10240x128xf32, #tpu.memory_space<hbm>>
      %dma_start3A_8 = tpu.memref_squeeze %dma_start3A_7 : memref<1x10240x128xf32, #tpu.memory_space<hbm>> -> memref<10240x128xf32, #tpu.memory_space<hbm>>
      %dma_start3A_9 = arith.constant 0 : i32
      %dma_start3A_10 = tpu.memref_slice %dma_start3A_8[%mul3A_0, %dma_start3A_9] : memref<10240x128xf32, #tpu.memory_space<hbm>> -> memref<640x128xf32, #tpu.memory_space<hbm>>
      %dma_start3A_11 = arith.constant 0 : i32
      %dma_start3A_12 = tpu.memref_slice %arg7[%mul3A_0, %dma_start3A_11] : memref<10240x128xf32, #tpu.memory_space<vmem_shared>> -> memref<640x128xf32, #tpu.memory_space<vmem_shared>>
      tpu.enqueue_dma source(%dma_start3A_12 : memref<640x128xf32, #tpu.memory_space<vmem_shared>>) target(%dma_start3A_10 : memref<640x128xf32, #tpu.memory_space<hbm>>) target_semaphore(%run_scoped3A : memref<!tpu.dma_semaphore, #tpu.memory_space<semaphore_mem>>)
      %dma_wait3A = arith.constant 0 : i32
      %dma_wait3A_13 = arith.constant 0 : i32
      %dma_wait3A_14 = tpu.memref_slice %arg6[%arg0, %dma_wait3A, %dma_wait3A_13] : memref<2x10240x128xf32, #tpu.memory_space<hbm>> -> memref<1x10240x128xf32, #tpu.memory_space<hbm>>
      %dma_wait3A_15 = tpu.memref_squeeze %dma_wait3A_14 : memref<1x10240x128xf32, #tpu.memory_space<hbm>> -> memref<10240x128xf32, #tpu.memory_space<hbm>>
      %dma_wait3A_16 = arith.constant 0 : i32
      %dma_wait3A_17 = tpu.memref_slice %dma_wait3A_15[%mul3A_0, %dma_wait3A_16] : memref<10240x128xf32, #tpu.memory_space<hbm>> -> memref<640x128xf32, #tpu.memory_space<hbm>>
      %dma_wait3A_18 = arith.constant 0 : i32
      %dma_wait3A_19 = tpu.memref_slice %arg7[%mul3A_0, %dma_wait3A_18] : memref<10240x128xf32, #tpu.memory_space<vmem_shared>> -> memref<640x128xf32, #tpu.memory_space<vmem_shared>>
      tpu.wait_dma2 semaphore(%run_scoped3A : memref<!tpu.dma_semaphore, #tpu.memory_space<semaphore_mem>>) src(%dma_wait3A_19 : memref<640x128xf32, #tpu.memory_space<vmem_shared>>) dst(%dma_wait3A_17 : memref<640x128xf32, #tpu.memory_space<hbm>>)
      tpu.yield
    }) : () -> ()
    return
  }
}

#map = affine_map<(d0, d1) -> (0, 0, 0)>
#map1 = affine_map<(d0, d1) -> (0, 0, 0, 0, 0)>
#map2 = affine_map<(d0, d1) -> (0, 0)>
module attributes {stable_mosaic.version = 14 : i64} {
  func.func @body(%arg0: i32, %arg1: i32, %arg2: memref<2x10000x128xf32, #tpu.memory_space<hbm>>, %arg3: memref<2x16x2x50x100xi32, #tpu.memory_space<hbm>>, %arg4: memref<2x16x2x50x100xi32, #tpu.memory_space<hbm>>, %arg5: memref<10240x128xf32, #tpu.memory_space<hbm>>, %arg6: memref<2x10240x128xf32, #tpu.memory_space<hbm>>, %arg7: memref<10240x128xf32, #tpu.memory_space<vmem_shared>>, %arg8: memref<50x100xi32, #tpu.memory_space<vmem>>, %arg9: memref<50x100xi32, #tpu.memory_space<vmem>>, %arg10: memref<100x128xf32, #tpu.memory_space<vmem>>, %arg11: memref<100x128xf32, #tpu.memory_space<vmem>>, %arg12: memref<!tpu.dma_semaphore, #tpu.memory_space<semaphore_mem>>, %arg13: memref<!tpu.dma_semaphore, #tpu.memory_space<semaphore_mem>>) attributes {dimension_semantics = [#tpu.dimension_semantics<core_parallel>, #tpu.dimension_semantics<subcore_parallel>], iteration_bounds = array<i64: 2, 16>, scalar_prefetch = 0 : i64, scratch_operands = 7 : i64, tpu.core_type = #tpu.core_type<sc_vector_subcore>, window_params = [{transform_indices = #map}, {transform_indices = #map1}, {transform_indices = #map1}, {transform_indices = #map2}, {transform_indices = #map}]} {
    %mul3A = arith.constant 640 : i32
    %mul3A_0 = arith.muli %arg1, %mul3A : i32
    "tpu.region"() ({
      %run_scoped3A = tpu.sem_alloc : memref<!tpu.dma_semaphore, #tpu.memory_space<semaphore_mem>>
      %dma_start3A = arith.constant 0 : i32
      %dma_start3A_6 = tpu.memref_slice %arg7[%mul3A_0, %dma_start3A] : memref<10240x128xf32, #tpu.memory_space<vmem_shared>> -> memref<640x128xf32, #tpu.memory_space<vmem_shared>>
      %dma_start3A_7 = arith.constant 0 : i32
      %dma_start3A_8 = tpu.memref_slice %arg5[%mul3A_0, %dma_start3A_7] : memref<10240x128xf32, #tpu.memory_space<hbm>> -> memref<640x128xf32, #tpu.memory_space<hbm>>
      tpu.enqueue_dma source(%dma_start3A_8 : memref<640x128xf32, #tpu.memory_space<hbm>>) target(%dma_start3A_6 : memref<640x128xf32, #tpu.memory_space<vmem_shared>>) target_semaphore(%run_scoped3A : memref<!tpu.dma_semaphore, #tpu.memory_space<semaphore_mem>>)
      %dma_wait3A = arith.constant 0 : i32
      %dma_wait3A_9 = tpu.memref_slice %arg7[%mul3A_0, %dma_wait3A] : memref<10240x128xf32, #tpu.memory_space<vmem_shared>> -> memref<640x128xf32, #tpu.memory_space<vmem_shared>>
      %dma_wait3A_10 = arith.constant 0 : i32
      %dma_wait3A_11 = tpu.memref_slice %arg5[%mul3A_0, %dma_wait3A_10] : memref<10240x128xf32, #tpu.memory_space<hbm>> -> memref<640x128xf32, #tpu.memory_space<hbm>>
      tpu.wait_dma2 semaphore(%run_scoped3A : memref<!tpu.dma_semaphore, #tpu.memory_space<semaphore_mem>>) src(%dma_wait3A_11 : memref<640x128xf32, #tpu.memory_space<hbm>>) dst(%dma_wait3A_9 : memref<640x128xf32, #tpu.memory_space<vmem_shared>>)
      tpu.yield
    }) : () -> ()
    %barrier3A = arith.constant 0 : index
    tpu.barrier barrier_id(%barrier3A)
    %scan3A = arith.constant 0 : i32
    %scan3A_1 = arith.constant 2 : i32
    %scan3A_2 = arith.addi %scan3A, %scan3A_1 : i32
    %scan3A_3 = arith.constant 1 : i32
    scf.for %scan3A_6 = %scan3A to %scan3A_2 step %scan3A_3  : i32 {
      %mul3A_7 = arith.constant 1 : i32
      %mul3A_8 = arith.muli %scan3A_6, %mul3A_7 : i32
      %add3A = arith.constant 0 : i32
      %add3A_9 = arith.addi %add3A, %mul3A_8 : i32
      "tpu.region"() ({
        %run_scoped3A = tpu.sem_alloc : memref<!tpu.dma_semaphore, #tpu.memory_space<semaphore_mem>>
        %dma_start3A_25 = arith.constant 0 : i32
        %dma_start3A_26 = arith.constant 0 : i32
        %dma_start3A_27 = arith.constant 0 : i32
        %dma_start3A_28 = arith.constant 0 : i32
        %dma_start3A_29 = tpu.memref_slice %arg3[%arg0, %dma_start3A_25, %dma_start3A_26, %dma_start3A_27, %dma_start3A_28] : memref<2x16x2x50x100xi32, #tpu.memory_space<hbm>> -> memref<1x16x2x50x100xi32, #tpu.memory_space<hbm>>
        %dma_start3A_30 = tpu.memref_squeeze %dma_start3A_29 : memref<1x16x2x50x100xi32, #tpu.memory_space<hbm>> -> memref<16x2x50x100xi32, #tpu.memory_space<hbm>>
        %dma_start3A_31 = arith.constant 0 : i32
        %dma_start3A_32 = arith.constant 0 : i32
        %dma_start3A_33 = arith.constant 0 : i32
        %dma_start3A_34 = tpu.memref_slice %dma_start3A_30[%arg1, %dma_start3A_31, %dma_start3A_32, %dma_start3A_33] : memref<16x2x50x100xi32, #tpu.memory_space<hbm>> -> memref<1x2x50x100xi32, #tpu.memory_space<hbm>>
        %dma_start3A_35 = tpu.memref_squeeze %dma_start3A_34 : memref<1x2x50x100xi32, #tpu.memory_space<hbm>> -> memref<2x50x100xi32, #tpu.memory_space<hbm>>
        %dma_start3A_36 = arith.constant 0 : i32
        %dma_start3A_37 = arith.constant 0 : i32
        %dma_start3A_38 = tpu.memref_slice %dma_start3A_35[%add3A_9, %dma_start3A_36, %dma_start3A_37] : memref<2x50x100xi32, #tpu.memory_space<hbm>> -> memref<1x50x100xi32, #tpu.memory_space<hbm>>
        %dma_start3A_39 = tpu.memref_squeeze %dma_start3A_38 : memref<1x50x100xi32, #tpu.memory_space<hbm>> -> memref<50x100xi32, #tpu.memory_space<hbm>>
        %dma_start3A_40 = arith.constant 0 : i32
        %dma_start3A_41 = arith.constant 0 : i32
        %dma_start3A_42 = arith.constant 0 : i32
        %dma_start3A_43 = arith.constant 0 : i32
        %dma_start3A_44 = tpu.memref_slice %arg3[%arg0, %dma_start3A_40, %dma_start3A_41, %dma_start3A_42, %dma_start3A_43] : memref<2x16x2x50x100xi32, #tpu.memory_space<hbm>> -> memref<1x16x2x50x100xi32, #tpu.memory_space<hbm>>
        %dma_start3A_45 = tpu.memref_squeeze %dma_start3A_44 : memref<1x16x2x50x100xi32, #tpu.memory_space<hbm>> -> memref<16x2x50x100xi32, #tpu.memory_space<hbm>>
        %dma_start3A_46 = arith.constant 0 : i32
        %dma_start3A_47 = arith.constant 0 : i32
        %dma_start3A_48 = arith.constant 0 : i32
        %dma_start3A_49 = tpu.memref_slice %dma_start3A_45[%arg1, %dma_start3A_46, %dma_start3A_47, %dma_start3A_48] : memref<16x2x50x100xi32, #tpu.memory_space<hbm>> -> memref<1x2x50x100xi32, #tpu.memory_space<hbm>>
        %dma_start3A_50 = tpu.memref_squeeze %dma_start3A_49 : memref<1x2x50x100xi32, #tpu.memory_space<hbm>> -> memref<2x50x100xi32, #tpu.memory_space<hbm>>
        %dma_start3A_51 = arith.constant 0 : i32
        %dma_start3A_52 = arith.constant 0 : i32
        %dma_start3A_53 = tpu.memref_slice %dma_start3A_50[%add3A_9, %dma_start3A_51, %dma_start3A_52] : memref<2x50x100xi32, #tpu.memory_space<hbm>> -> memref<1x50x100xi32, #tpu.memory_space<hbm>>
        %dma_start3A_54 = tpu.memref_squeeze %dma_start3A_53 : memref<1x50x100xi32, #tpu.memory_space<hbm>> -> memref<50x100xi32, #tpu.memory_space<hbm>>
        tpu.enqueue_dma source(%dma_start3A_54 : memref<50x100xi32, #tpu.memory_space<hbm>>) target(%arg8 : memref<50x100xi32, #tpu.memory_space<vmem>>) target_semaphore(%run_scoped3A : memref<!tpu.dma_semaphore, #tpu.memory_space<semaphore_mem>>)
        %dma_wait3A = arith.constant 0 : i32
        %dma_wait3A_55 = arith.constant 0 : i32
        %dma_wait3A_56 = arith.constant 0 : i32
        %dma_wait3A_57 = arith.constant 0 : i32
        %dma_wait3A_58 = tpu.memref_slice %arg3[%arg0, %dma_wait3A, %dma_wait3A_55, %dma_wait3A_56, %dma_wait3A_57] : memref<2x16x2x50x100xi32, #tpu.memory_space<hbm>> -> memref<1x16x2x50x100xi32, #tpu.memory_space<hbm>>
        %dma_wait3A_59 = tpu.memref_squeeze %dma_wait3A_58 : memref<1x16x2x50x100xi32, #tpu.memory_space<hbm>> -> memref<16x2x50x100xi32, #tpu.memory_space<hbm>>
        %dma_wait3A_60 = arith.constant 0 : i32
        %dma_wait3A_61 = arith.constant 0 : i32
        %dma_wait3A_62 = arith.constant 0 : i32
        %dma_wait3A_63 = tpu.memref_slice %dma_wait3A_59[%arg1, %dma_wait3A_60, %dma_wait3A_61, %dma_wait3A_62] : memref<16x2x50x100xi32, #tpu.memory_space<hbm>> -> memref<1x2x50x100xi32, #tpu.memory_space<hbm>>
        %dma_wait3A_64 = tpu.memref_squeeze %dma_wait3A_63 : memref<1x2x50x100xi32, #tpu.memory_space<hbm>> -> memref<2x50x100xi32, #tpu.memory_space<hbm>>
        %dma_wait3A_65 = arith.constant 0 : i32
        %dma_wait3A_66 = arith.constant 0 : i32
        %dma_wait3A_67 = tpu.memref_slice %dma_wait3A_64[%add3A_9, %dma_wait3A_65, %dma_wait3A_66] : memref<2x50x100xi32, #tpu.memory_space<hbm>> -> memref<1x50x100xi32, #tpu.memory_space<hbm>>
        %dma_wait3A_68 = tpu.memref_squeeze %dma_wait3A_67 : memref<1x50x100xi32, #tpu.memory_space<hbm>> -> memref<50x100xi32, #tpu.memory_space<hbm>>
        %dma_wait3A_69 = arith.constant 0 : i32
        %dma_wait3A_70 = arith.constant 0 : i32
        %dma_wait3A_71 = arith.constant 0 : i32
        %dma_wait3A_72 = arith.constant 0 : i32
        %dma_wait3A_73 = tpu.memref_slice %arg3[%arg0, %dma_wait3A_69, %dma_wait3A_70, %dma_wait3A_71, %dma_wait3A_72] : memref<2x16x2x50x100xi32, #tpu.memory_space<hbm>> -> memref<1x16x2x50x100xi32, #tpu.memory_space<hbm>>
        %dma_wait3A_74 = tpu.memref_squeeze %dma_wait3A_73 : memref<1x16x2x50x100xi32, #tpu.memory_space<hbm>> -> memref<16x2x50x100xi32, #tpu.memory_space<hbm>>
        %dma_wait3A_75 = arith.constant 0 : i32
        %dma_wait3A_76 = arith.constant 0 : i32
        %dma_wait3A_77 = arith.constant 0 : i32
        %dma_wait3A_78 = tpu.memref_slice %dma_wait3A_74[%arg1, %dma_wait3A_75, %dma_wait3A_76, %dma_wait3A_77] : memref<16x2x50x100xi32, #tpu.memory_space<hbm>> -> memref<1x2x50x100xi32, #tpu.memory_space<hbm>>
        %dma_wait3A_79 = tpu.memref_squeeze %dma_wait3A_78 : memref<1x2x50x100xi32, #tpu.memory_space<hbm>> -> memref<2x50x100xi32, #tpu.memory_space<hbm>>
        %dma_wait3A_80 = arith.constant 0 : i32
        %dma_wait3A_81 = arith.constant 0 : i32
        %dma_wait3A_82 = tpu.memref_slice %dma_wait3A_79[%add3A_9, %dma_wait3A_80, %dma_wait3A_81] : memref<2x50x100xi32, #tpu.memory_space<hbm>> -> memref<1x50x100xi32, #tpu.memory_space<hbm>>
        %dma_wait3A_83 = tpu.memref_squeeze %dma_wait3A_82 : memref<1x50x100xi32, #tpu.memory_space<hbm>> -> memref<50x100xi32, #tpu.memory_space<hbm>>
        tpu.wait_dma2 semaphore(%run_scoped3A : memref<!tpu.dma_semaphore, #tpu.memory_space<semaphore_mem>>) src(%dma_wait3A_83 : memref<50x100xi32, #tpu.memory_space<hbm>>) dst(%arg8 : memref<50x100xi32, #tpu.memory_space<vmem>>)
        tpu.yield
      }) : () -> ()
      "tpu.region"() ({
        %run_scoped3A = tpu.sem_alloc : memref<!tpu.dma_semaphore, #tpu.memory_space<semaphore_mem>>
        %dma_start3A_25 = arith.constant 0 : i32
        %dma_start3A_26 = arith.constant 0 : i32
        %dma_start3A_27 = arith.constant 0 : i32
        %dma_start3A_28 = arith.constant 0 : i32
        %dma_start3A_29 = tpu.memref_slice %arg4[%arg0, %dma_start3A_25, %dma_start3A_26, %dma_start3A_27, %dma_start3A_28] : memref<2x16x2x50x100xi32, #tpu.memory_space<hbm>> -> memref<1x16x2x50x100xi32, #tpu.memory_space<hbm>>
        %dma_start3A_30 = tpu.memref_squeeze %dma_start3A_29 : memref<1x16x2x50x100xi32, #tpu.memory_space<hbm>> -> memref<16x2x50x100xi32, #tpu.memory_space<hbm>>
        %dma_start3A_31 = arith.constant 0 : i32
        %dma_start3A_32 = arith.constant 0 : i32
        %dma_start3A_33 = arith.constant 0 : i32
        %dma_start3A_34 = tpu.memref_slice %dma_start3A_30[%arg1, %dma_start3A_31, %dma_start3A_32, %dma_start3A_33] : memref<16x2x50x100xi32, #tpu.memory_space<hbm>> -> memref<1x2x50x100xi32, #tpu.memory_space<hbm>>
        %dma_start3A_35 = tpu.memref_squeeze %dma_start3A_34 : memref<1x2x50x100xi32, #tpu.memory_space<hbm>> -> memref<2x50x100xi32, #tpu.memory_space<hbm>>
        %dma_start3A_36 = arith.constant 0 : i32
        %dma_start3A_37 = arith.constant 0 : i32
        %dma_start3A_38 = tpu.memref_slice %dma_start3A_35[%add3A_9, %dma_start3A_36, %dma_start3A_37] : memref<2x50x100xi32, #tpu.memory_space<hbm>> -> memref<1x50x100xi32, #tpu.memory_space<hbm>>
        %dma_start3A_39 = tpu.memref_squeeze %dma_start3A_38 : memref<1x50x100xi32, #tpu.memory_space<hbm>> -> memref<50x100xi32, #tpu.memory_space<hbm>>
        %dma_start3A_40 = arith.constant 0 : i32
        %dma_start3A_41 = arith.constant 0 : i32
        %dma_start3A_42 = arith.constant 0 : i32
        %dma_start3A_43 = arith.constant 0 : i32
        %dma_start3A_44 = tpu.memref_slice %arg4[%arg0, %dma_start3A_40, %dma_start3A_41, %dma_start3A_42, %dma_start3A_43] : memref<2x16x2x50x100xi32, #tpu.memory_space<hbm>> -> memref<1x16x2x50x100xi32, #tpu.memory_space<hbm>>
        %dma_start3A_45 = tpu.memref_squeeze %dma_start3A_44 : memref<1x16x2x50x100xi32, #tpu.memory_space<hbm>> -> memref<16x2x50x100xi32, #tpu.memory_space<hbm>>
        %dma_start3A_46 = arith.constant 0 : i32
        %dma_start3A_47 = arith.constant 0 : i32
        %dma_start3A_48 = arith.constant 0 : i32
        %dma_start3A_49 = tpu.memref_slice %dma_start3A_45[%arg1, %dma_start3A_46, %dma_start3A_47, %dma_start3A_48] : memref<16x2x50x100xi32, #tpu.memory_space<hbm>> -> memref<1x2x50x100xi32, #tpu.memory_space<hbm>>
        %dma_start3A_50 = tpu.memref_squeeze %dma_start3A_49 : memref<1x2x50x100xi32, #tpu.memory_space<hbm>> -> memref<2x50x100xi32, #tpu.memory_space<hbm>>
        %dma_start3A_51 = arith.constant 0 : i32
        %dma_start3A_52 = arith.constant 0 : i32
        %dma_start3A_53 = tpu.memref_slice %dma_start3A_50[%add3A_9, %dma_start3A_51, %dma_start3A_52] : memref<2x50x100xi32, #tpu.memory_space<hbm>> -> memref<1x50x100xi32, #tpu.memory_space<hbm>>
        %dma_start3A_54 = tpu.memref_squeeze %dma_start3A_53 : memref<1x50x100xi32, #tpu.memory_space<hbm>> -> memref<50x100xi32, #tpu.memory_space<hbm>>
        tpu.enqueue_dma source(%dma_start3A_54 : memref<50x100xi32, #tpu.memory_space<hbm>>) target(%arg9 : memref<50x100xi32, #tpu.memory_space<vmem>>) target_semaphore(%run_scoped3A : memref<!tpu.dma_semaphore, #tpu.memory_space<semaphore_mem>>)
        %dma_wait3A = arith.constant 0 : i32
        %dma_wait3A_55 = arith.constant 0 : i32
        %dma_wait3A_56 = arith.constant 0 : i32
        %dma_wait3A_57 = arith.constant 0 : i32
        %dma_wait3A_58 = tpu.memref_slice %arg4[%arg0, %dma_wait3A, %dma_wait3A_55, %dma_wait3A_56, %dma_wait3A_57] : memref<2x16x2x50x100xi32, #tpu.memory_space<hbm>> -> memref<1x16x2x50x100xi32, #tpu.memory_space<hbm>>
        %dma_wait3A_59 = tpu.memref_squeeze %dma_wait3A_58 : memref<1x16x2x50x100xi32, #tpu.memory_space<hbm>> -> memref<16x2x50x100xi32, #tpu.memory_space<hbm>>
        %dma_wait3A_60 = arith.constant 0 : i32
        %dma_wait3A_61 = arith.constant 0 : i32
        %dma_wait3A_62 = arith.constant 0 : i32
        %dma_wait3A_63 = tpu.memref_slice %dma_wait3A_59[%arg1, %dma_wait3A_60, %dma_wait3A_61, %dma_wait3A_62] : memref<16x2x50x100xi32, #tpu.memory_space<hbm>> -> memref<1x2x50x100xi32, #tpu.memory_space<hbm>>
        %dma_wait3A_64 = tpu.memref_squeeze %dma_wait3A_63 : memref<1x2x50x100xi32, #tpu.memory_space<hbm>> -> memref<2x50x100xi32, #tpu.memory_space<hbm>>
        %dma_wait3A_65 = arith.constant 0 : i32
        %dma_wait3A_66 = arith.constant 0 : i32
        %dma_wait3A_67 = tpu.memref_slice %dma_wait3A_64[%add3A_9, %dma_wait3A_65, %dma_wait3A_66] : memref<2x50x100xi32, #tpu.memory_space<hbm>> -> memref<1x50x100xi32, #tpu.memory_space<hbm>>
        %dma_wait3A_68 = tpu.memref_squeeze %dma_wait3A_67 : memref<1x50x100xi32, #tpu.memory_space<hbm>> -> memref<50x100xi32, #tpu.memory_space<hbm>>
        %dma_wait3A_69 = arith.constant 0 : i32
        %dma_wait3A_70 = arith.constant 0 : i32
        %dma_wait3A_71 = arith.constant 0 : i32
        %dma_wait3A_72 = arith.constant 0 : i32
        %dma_wait3A_73 = tpu.memref_slice %arg4[%arg0, %dma_wait3A_69, %dma_wait3A_70, %dma_wait3A_71, %dma_wait3A_72] : memref<2x16x2x50x100xi32, #tpu.memory_space<hbm>> -> memref<1x16x2x50x100xi32, #tpu.memory_space<hbm>>
        %dma_wait3A_74 = tpu.memref_squeeze %dma_wait3A_73 : memref<1x16x2x50x100xi32, #tpu.memory_space<hbm>> -> memref<16x2x50x100xi32, #tpu.memory_space<hbm>>
        %dma_wait3A_75 = arith.constant 0 : i32
        %dma_wait3A_76 = arith.constant 0 : i32
        %dma_wait3A_77 = arith.constant 0 : i32
        %dma_wait3A_78 = tpu.memref_slice %dma_wait3A_74[%arg1, %dma_wait3A_75, %dma_wait3A_76, %dma_wait3A_77] : memref<16x2x50x100xi32, #tpu.memory_space<hbm>> -> memref<1x2x50x100xi32, #tpu.memory_space<hbm>>
        %dma_wait3A_79 = tpu.memref_squeeze %dma_wait3A_78 : memref<1x2x50x100xi32, #tpu.memory_space<hbm>> -> memref<2x50x100xi32, #tpu.memory_space<hbm>>
        %dma_wait3A_80 = arith.constant 0 : i32
        %dma_wait3A_81 = arith.constant 0 : i32
        %dma_wait3A_82 = tpu.memref_slice %dma_wait3A_79[%add3A_9, %dma_wait3A_80, %dma_wait3A_81] : memref<2x50x100xi32, #tpu.memory_space<hbm>> -> memref<1x50x100xi32, #tpu.memory_space<hbm>>
        %dma_wait3A_83 = tpu.memref_squeeze %dma_wait3A_82 : memref<1x50x100xi32, #tpu.memory_space<hbm>> -> memref<50x100xi32, #tpu.memory_space<hbm>>
        tpu.wait_dma2 semaphore(%run_scoped3A : memref<!tpu.dma_semaphore, #tpu.memory_space<semaphore_mem>>) src(%dma_wait3A_83 : memref<50x100xi32, #tpu.memory_space<hbm>>) dst(%arg9 : memref<50x100xi32, #tpu.memory_space<vmem>>)
        tpu.yield
      }) : () -> ()
      %dma_start3A = arith.constant 0 : i32
      %dma_start3A_10 = arith.constant 0 : i32
      %dma_start3A_11 = tpu.memref_slice %arg8[%dma_start3A, %dma_start3A_10] : memref<50x100xi32, #tpu.memory_space<vmem>> -> memref<1x100xi32, #tpu.memory_space<vmem>>
      %dma_start3A_12 = tpu.memref_squeeze %dma_start3A_11 : memref<1x100xi32, #tpu.memory_space<vmem>> -> memref<100xi32, #tpu.memory_space<vmem>>
      %dma_start3A_13 = arith.constant 0 : i32
      %dma_start3A_14 = arith.constant 0 : i32
      %dma_start3A_15 = tpu.memref_slice %arg2[%arg0, %dma_start3A_13, %dma_start3A_14] : memref<2x10000x128xf32, #tpu.memory_space<hbm>> -> memref<1x10000x128xf32, #tpu.memory_space<hbm>>
      %dma_start3A_16 = tpu.memref_squeeze %dma_start3A_15 : memref<1x10000x128xf32, #tpu.memory_space<hbm>> -> memref<10000x128xf32, #tpu.memory_space<hbm>>
      %dma_start3A_17 = arith.constant 0 : i32
      %dma_start3A_18 = arith.constant 0 : i32
      %dma_start3A_19 = tpu.memref_slice %dma_start3A_16[%dma_start3A_17, %dma_start3A_18] : memref<10000x128xf32, #tpu.memory_space<hbm>> -> memref<10000x128xf32, #tpu.memory_space<hbm>>
      tpu.enqueue_indirect_dma source(%dma_start3A_19 : memref<10000x128xf32, #tpu.memory_space<hbm>>) target(%arg10 : memref<100x128xf32, #tpu.memory_space<vmem>>) offsets(%dma_start3A_12 : memref<100xi32, #tpu.memory_space<vmem>>) semaphore(%arg12 : memref<!tpu.dma_semaphore, #tpu.memory_space<semaphore_mem>>)
      %scan3A_20 = arith.constant 0 : i32
      %scan3A_21 = arith.constant 25 : i32
      %scan3A_22 = arith.addi %scan3A_20, %scan3A_21 : i32
      %scan3A_23 = arith.constant 1 : i32
      scf.for %scan3A_25 = %scan3A_20 to %scan3A_22 step %scan3A_23  : i32 {
        %mul3A_26 = arith.constant 2 : i32
        %mul3A_27 = arith.muli %scan3A_25, %mul3A_26 : i32
        %add3A_28 = arith.constant 0 : i32
        %add3A_29 = arith.addi %add3A_28, %mul3A_27 : i32
        %add3A_30 = arith.constant 1 : i32
        %add3A_31 = arith.addi %add3A_29, %add3A_30 : i32
        %dma_start3A_32 = arith.constant 0 : i32
        %dma_start3A_33 = tpu.memref_slice %arg8[%add3A_31, %dma_start3A_32] : memref<50x100xi32, #tpu.memory_space<vmem>> -> memref<1x100xi32, #tpu.memory_space<vmem>>
        %dma_start3A_34 = tpu.memref_squeeze %dma_start3A_33 : memref<1x100xi32, #tpu.memory_space<vmem>> -> memref<100xi32, #tpu.memory_space<vmem>>
        %dma_start3A_35 = arith.constant 0 : i32
        %dma_start3A_36 = arith.constant 0 : i32
        %dma_start3A_37 = tpu.memref_slice %arg2[%arg0, %dma_start3A_35, %dma_start3A_36] : memref<2x10000x128xf32, #tpu.memory_space<hbm>> -> memref<1x10000x128xf32, #tpu.memory_space<hbm>>
        %dma_start3A_38 = tpu.memref_squeeze %dma_start3A_37 : memref<1x10000x128xf32, #tpu.memory_space<hbm>> -> memref<10000x128xf32, #tpu.memory_space<hbm>>
        %dma_start3A_39 = arith.constant 0 : i32
        %dma_start3A_40 = arith.constant 0 : i32
        %dma_start3A_41 = tpu.memref_slice %dma_start3A_38[%dma_start3A_39, %dma_start3A_40] : memref<10000x128xf32, #tpu.memory_space<hbm>> -> memref<10000x128xf32, #tpu.memory_space<hbm>>
        tpu.enqueue_indirect_dma source(%dma_start3A_41 : memref<10000x128xf32, #tpu.memory_space<hbm>>) target(%arg11 : memref<100x128xf32, #tpu.memory_space<vmem>>) offsets(%dma_start3A_34 : memref<100xi32, #tpu.memory_space<vmem>>) semaphore(%arg13 : memref<!tpu.dma_semaphore, #tpu.memory_space<semaphore_mem>>)
        %dma_wait3A = arith.constant 0 : i32
        %dma_wait3A_42 = tpu.memref_slice %arg8[%add3A_29, %dma_wait3A] : memref<50x100xi32, #tpu.memory_space<vmem>> -> memref<1x100xi32, #tpu.memory_space<vmem>>
        %dma_wait3A_43 = tpu.memref_squeeze %dma_wait3A_42 : memref<1x100xi32, #tpu.memory_space<vmem>> -> memref<100xi32, #tpu.memory_space<vmem>>
        %dma_wait3A_44 = arith.constant 0 : i32
        %dma_wait3A_45 = arith.constant 0 : i32
        %dma_wait3A_46 = tpu.memref_slice %arg2[%arg0, %dma_wait3A_44, %dma_wait3A_45] : memref<2x10000x128xf32, #tpu.memory_space<hbm>> -> memref<1x10000x128xf32, #tpu.memory_space<hbm>>
        %dma_wait3A_47 = tpu.memref_squeeze %dma_wait3A_46 : memref<1x10000x128xf32, #tpu.memory_space<hbm>> -> memref<10000x128xf32, #tpu.memory_space<hbm>>
        %dma_wait3A_48 = arith.constant 0 : i32
        %dma_wait3A_49 = arith.constant 0 : i32
        %dma_wait3A_50 = tpu.memref_slice %dma_wait3A_47[%dma_wait3A_48, %dma_wait3A_49] : memref<10000x128xf32, #tpu.memory_space<hbm>> -> memref<10000x128xf32, #tpu.memory_space<hbm>>
        tpu.wait_indirect_dma semaphore(%arg12 : memref<!tpu.dma_semaphore, #tpu.memory_space<semaphore_mem>>) src(%dma_wait3A_50 : memref<10000x128xf32, #tpu.memory_space<hbm>>) dst(%arg10 : memref<100x128xf32, #tpu.memory_space<vmem>>)
        "tpu.region"() ({
          %run_scoped3A = tpu.sem_alloc : memref<!tpu.dma_semaphore, #tpu.memory_space<semaphore_mem>>
          %dma_start3A_67 = arith.constant 0 : i32
          %dma_start3A_68 = tpu.memref_slice %arg9[%add3A_29, %dma_start3A_67] : memref<50x100xi32, #tpu.memory_space<vmem>> -> memref<1x100xi32, #tpu.memory_space<vmem>>
          %dma_start3A_69 = tpu.memref_squeeze %dma_start3A_68 : memref<1x100xi32, #tpu.memory_space<vmem>> -> memref<100xi32, #tpu.memory_space<vmem>>
          %dma_start3A_70 = arith.constant 0 : i32
          %dma_start3A_71 = arith.constant 0 : i32
          %dma_start3A_72 = tpu.memref_slice %arg7[%dma_start3A_70, %dma_start3A_71] : memref<10240x128xf32, #tpu.memory_space<vmem_shared>> -> memref<10240x128xf32, #tpu.memory_space<vmem_shared>>
          tpu.enqueue_indirect_dma source(%arg10 : memref<100x128xf32, #tpu.memory_space<vmem>>) target(%dma_start3A_72 : memref<10240x128xf32, #tpu.memory_space<vmem_shared>>) offsets(%dma_start3A_69 : memref<100xi32, #tpu.memory_space<vmem>>) semaphore(%run_scoped3A : memref<!tpu.dma_semaphore, #tpu.memory_space<semaphore_mem>>) {add = true}
          %dma_wait3A_73 = arith.constant 0 : i32
          %dma_wait3A_74 = tpu.memref_slice %arg9[%add3A_29, %dma_wait3A_73] : memref<50x100xi32, #tpu.memory_space<vmem>> -> memref<1x100xi32, #tpu.memory_space<vmem>>
          %dma_wait3A_75 = tpu.memref_squeeze %dma_wait3A_74 : memref<1x100xi32, #tpu.memory_space<vmem>> -> memref<100xi32, #tpu.memory_space<vmem>>
          %dma_wait3A_76 = arith.constant 0 : i32
          %dma_wait3A_77 = arith.constant 0 : i32
          %dma_wait3A_78 = tpu.memref_slice %arg7[%dma_wait3A_76, %dma_wait3A_77] : memref<10240x128xf32, #tpu.memory_space<vmem_shared>> -> memref<10240x128xf32, #tpu.memory_space<vmem_shared>>
          tpu.wait_indirect_dma semaphore(%run_scoped3A : memref<!tpu.dma_semaphore, #tpu.memory_space<semaphore_mem>>) src(%arg10 : memref<100x128xf32, #tpu.memory_space<vmem>>) dst(%dma_wait3A_78 : memref<10240x128xf32, #tpu.memory_space<vmem_shared>>)
          tpu.yield
        }) : () -> ()
        %add3A_51 = arith.constant 2 : i32
        %add3A_52 = arith.addi %add3A_29, %add3A_51 : i32
        %lt3A = arith.constant 50 : i32
        %lt3A_53 = arith.cmpi slt, %add3A_52, %lt3A : i32
        %convert_element_type3A = arith.extui %lt3A_53 : i1 to i32
        %cond3A = arith.constant 0 : i32
        %cond3A_54 = arith.cmpi ne, %convert_element_type3A, %cond3A : i32
        scf.if %cond3A_54 {
          %add3A_67 = arith.constant 2 : i32
          %add3A_68 = arith.addi %add3A_29, %add3A_67 : i32
          %dma_start3A_69 = arith.constant 0 : i32
          %dma_start3A_70 = tpu.memref_slice %arg8[%add3A_68, %dma_start3A_69] : memref<50x100xi32, #tpu.memory_space<vmem>> -> memref<1x100xi32, #tpu.memory_space<vmem>>
          %dma_start3A_71 = tpu.memref_squeeze %dma_start3A_70 : memref<1x100xi32, #tpu.memory_space<vmem>> -> memref<100xi32, #tpu.memory_space<vmem>>
          %dma_start3A_72 = arith.constant 0 : i32
          %dma_start3A_73 = arith.constant 0 : i32
          %dma_start3A_74 = tpu.memref_slice %arg2[%arg0, %dma_start3A_72, %dma_start3A_73] : memref<2x10000x128xf32, #tpu.memory_space<hbm>> -> memref<1x10000x128xf32, #tpu.memory_space<hbm>>
          %dma_start3A_75 = tpu.memref_squeeze %dma_start3A_74 : memref<1x10000x128xf32, #tpu.memory_space<hbm>> -> memref<10000x128xf32, #tpu.memory_space<hbm>>
          %dma_start3A_76 = arith.constant 0 : i32
          %dma_start3A_77 = arith.constant 0 : i32
          %dma_start3A_78 = tpu.memref_slice %dma_start3A_75[%dma_start3A_76, %dma_start3A_77] : memref<10000x128xf32, #tpu.memory_space<hbm>> -> memref<10000x128xf32, #tpu.memory_space<hbm>>
          tpu.enqueue_indirect_dma source(%dma_start3A_78 : memref<10000x128xf32, #tpu.memory_space<hbm>>) target(%arg10 : memref<100x128xf32, #tpu.memory_space<vmem>>) offsets(%dma_start3A_71 : memref<100xi32, #tpu.memory_space<vmem>>) semaphore(%arg12 : memref<!tpu.dma_semaphore, #tpu.memory_space<semaphore_mem>>)
        } else {
        }
        %dma_wait3A_55 = arith.constant 0 : i32
        %dma_wait3A_56 = tpu.memref_slice %arg8[%add3A_31, %dma_wait3A_55] : memref<50x100xi32, #tpu.memory_space<vmem>> -> memref<1x100xi32, #tpu.memory_space<vmem>>
        %dma_wait3A_57 = tpu.memref_squeeze %dma_wait3A_56 : memref<1x100xi32, #tpu.memory_space<vmem>> -> memref<100xi32, #tpu.memory_space<vmem>>
        %dma_wait3A_58 = arith.constant 0 : i32
        %dma_wait3A_59 = arith.constant 0 : i32
        %dma_wait3A_60 = tpu.memref_slice %arg2[%arg0, %dma_wait3A_58, %dma_wait3A_59] : memref<2x10000x128xf32, #tpu.memory_space<hbm>> -> memref<1x10000x128xf32, #tpu.memory_space<hbm>>
        %dma_wait3A_61 = tpu.memref_squeeze %dma_wait3A_60 : memref<1x10000x128xf32, #tpu.memory_space<hbm>> -> memref<10000x128xf32, #tpu.memory_space<hbm>>
        %dma_wait3A_62 = arith.constant 0 : i32
        %dma_wait3A_63 = arith.constant 0 : i32
        %dma_wait3A_64 = tpu.memref_slice %dma_wait3A_61[%dma_wait3A_62, %dma_wait3A_63] : memref<10000x128xf32, #tpu.memory_space<hbm>> -> memref<10000x128xf32, #tpu.memory_space<hbm>>
        tpu.wait_indirect_dma semaphore(%arg13 : memref<!tpu.dma_semaphore, #tpu.memory_space<semaphore_mem>>) src(%dma_wait3A_64 : memref<10000x128xf32, #tpu.memory_space<hbm>>) dst(%arg11 : memref<100x128xf32, #tpu.memory_space<vmem>>)
        %add3A_65 = arith.constant 1 : i32
        %add3A_66 = arith.addi %add3A_29, %add3A_65 : i32
        "tpu.region"() ({
          %run_scoped3A = tpu.sem_alloc : memref<!tpu.dma_semaphore, #tpu.memory_space<semaphore_mem>>
          %dma_start3A_67 = arith.constant 0 : i32
          %dma_start3A_68 = tpu.memref_slice %arg9[%add3A_66, %dma_start3A_67] : memref<50x100xi32, #tpu.memory_space<vmem>> -> memref<1x100xi32, #tpu.memory_space<vmem>>
          %dma_start3A_69 = tpu.memref_squeeze %dma_start3A_68 : memref<1x100xi32, #tpu.memory_space<vmem>> -> memref<100xi32, #tpu.memory_space<vmem>>
          %dma_start3A_70 = arith.constant 0 : i32
          %dma_start3A_71 = arith.constant 0 : i32
          %dma_start3A_72 = tpu.memref_slice %arg7[%dma_start3A_70, %dma_start3A_71] : memref<10240x128xf32, #tpu.memory_space<vmem_shared>> -> memref<10240x128xf32, #tpu.memory_space<vmem_shared>>
          tpu.enqueue_indirect_dma source(%arg11 : memref<100x128xf32, #tpu.memory_space<vmem>>) target(%dma_start3A_72 : memref<10240x128xf32, #tpu.memory_space<vmem_shared>>) offsets(%dma_start3A_69 : memref<100xi32, #tpu.memory_space<vmem>>) semaphore(%run_scoped3A : memref<!tpu.dma_semaphore, #tpu.memory_space<semaphore_mem>>) {add = true}
          %dma_wait3A_73 = arith.constant 0 : i32
          %dma_wait3A_74 = tpu.memref_slice %arg9[%add3A_66, %dma_wait3A_73] : memref<50x100xi32, #tpu.memory_space<vmem>> -> memref<1x100xi32, #tpu.memory_space<vmem>>
          %dma_wait3A_75 = tpu.memref_squeeze %dma_wait3A_74 : memref<1x100xi32, #tpu.memory_space<vmem>> -> memref<100xi32, #tpu.memory_space<vmem>>
          %dma_wait3A_76 = arith.constant 0 : i32
          %dma_wait3A_77 = arith.constant 0 : i32
          %dma_wait3A_78 = tpu.memref_slice %arg7[%dma_wait3A_76, %dma_wait3A_77] : memref<10240x128xf32, #tpu.memory_space<vmem_shared>> -> memref<10240x128xf32, #tpu.memory_space<vmem_shared>>
          tpu.wait_indirect_dma semaphore(%run_scoped3A : memref<!tpu.dma_semaphore, #tpu.memory_space<semaphore_mem>>) src(%arg11 : memref<100x128xf32, #tpu.memory_space<vmem>>) dst(%dma_wait3A_78 : memref<10240x128xf32, #tpu.memory_space<vmem_shared>>)
          tpu.yield
        }) : () -> ()
      }
      %scan3A_24 = arith.constant 25 : i32
    }
    %scan3A_4 = arith.constant 2 : i32
    %barrier3A_5 = arith.constant 0 : index
    tpu.barrier barrier_id(%barrier3A_5)
    "tpu.region"() ({
      %run_scoped3A = tpu.sem_alloc : memref<!tpu.dma_semaphore, #tpu.memory_space<semaphore_mem>>
      %dma_start3A = arith.constant 0 : i32
      %dma_start3A_6 = arith.constant 0 : i32
      %dma_start3A_7 = tpu.memref_slice %arg6[%arg0, %dma_start3A, %dma_start3A_6] : memref<2x10240x128xf32, #tpu.memory_space<hbm>> -> memref<1x10240x128xf32, #tpu.memory_space<hbm>>
      %dma_start3A_8 = tpu.memref_squeeze %dma_start3A_7 : memref<1x10240x128xf32, #tpu.memory_space<hbm>> -> memref<10240x128xf32, #tpu.memory_space<hbm>>
      %dma_start3A_9 = arith.constant 0 : i32
      %dma_start3A_10 = tpu.memref_slice %dma_start3A_8[%mul3A_0, %dma_start3A_9] : memref<10240x128xf32, #tpu.memory_space<hbm>> -> memref<640x128xf32, #tpu.memory_space<hbm>>
      %dma_start3A_11 = arith.constant 0 : i32
      %dma_start3A_12 = tpu.memref_slice %arg7[%mul3A_0, %dma_start3A_11] : memref<10240x128xf32, #tpu.memory_space<vmem_shared>> -> memref<640x128xf32, #tpu.memory_space<vmem_shared>>
      tpu.enqueue_dma source(%dma_start3A_12 : memref<640x128xf32, #tpu.memory_space<vmem_shared>>) target(%dma_start3A_10 : memref<640x128xf32, #tpu.memory_space<hbm>>) target_semaphore(%run_scoped3A : memref<!tpu.dma_semaphore, #tpu.memory_space<semaphore_mem>>)
      %dma_wait3A = arith.constant 0 : i32
      %dma_wait3A_13 = arith.constant 0 : i32
      %dma_wait3A_14 = tpu.memref_slice %arg6[%arg0, %dma_wait3A, %dma_wait3A_13] : memref<2x10240x128xf32, #tpu.memory_space<hbm>> -> memref<1x10240x128xf32, #tpu.memory_space<hbm>>
      %dma_wait3A_15 = tpu.memref_squeeze %dma_wait3A_14 : memref<1x10240x128xf32, #tpu.memory_space<hbm>> -> memref<10240x128xf32, #tpu.memory_space<hbm>>
      %dma_wait3A_16 = arith.constant 0 : i32
      %dma_wait3A_17 = tpu.memref_slice %dma_wait3A_15[%mul3A_0, %dma_wait3A_16] : memref<10240x128xf32, #tpu.memory_space<hbm>> -> memref<640x128xf32, #tpu.memory_space<hbm>>
      %dma_wait3A_18 = arith.constant 0 : i32
      %dma_wait3A_19 = tpu.memref_slice %arg7[%mul3A_0, %dma_wait3A_18] : memref<10240x128xf32, #tpu.memory_space<vmem_shared>> -> memref<640x128xf32, #tpu.memory_space<vmem_shared>>
      tpu.wait_dma2 semaphore(%run_scoped3A : memref<!tpu.dma_semaphore, #tpu.memory_space<semaphore_mem>>) src(%dma_wait3A_19 : memref<640x128xf32, #tpu.memory_space<vmem_shared>>) dst(%dma_wait3A_17 : memref<640x128xf32, #tpu.memory_space<hbm>>)
      tpu.yield
    }) : () -> ()
    return
  }
}

#map = affine_map<(d0, d1) -> (0, 0, 0)>
#map1 = affine_map<(d0, d1) -> (0, 0, 0, 0, 0)>
#map2 = affine_map<(d0, d1) -> (0, 0)>
module attributes {stable_mosaic.version = 14 : i64} {
  func.func @body(%arg0: i32, %arg1: i32, %arg2: memref<2x10000x128xf32, #tpu.memory_space<hbm>>, %arg3: memref<2x16x2x50x100xi32, #tpu.memory_space<hbm>>, %arg4: memref<2x16x2x50x100xi32, #tpu.memory_space<hbm>>, %arg5: memref<10240x128xf32, #tpu.memory_space<hbm>>, %arg6: memref<2x10240x128xf32, #tpu.memory_space<hbm>>, %arg7: memref<10240x128xf32, #tpu.memory_space<vmem_shared>>, %arg8: memref<50x100xi32, #tpu.memory_space<vmem>>, %arg9: memref<50x100xi32, #tpu.memory_space<vmem>>, %arg10: memref<100x128xf32, #tpu.memory_space<vmem>>, %arg11: memref<100x128xf32, #tpu.memory_space<vmem>>, %arg12: memref<!tpu.dma_semaphore, #tpu.memory_space<semaphore_mem>>, %arg13: memref<!tpu.dma_semaphore, #tpu.memory_space<semaphore_mem>>) attributes {dimension_semantics = [#tpu.dimension_semantics<core_parallel>, #tpu.dimension_semantics<subcore_parallel>], iteration_bounds = array<i64: 2, 16>, scalar_prefetch = 0 : i64, scratch_operands = 7 : i64, tpu.core_type = #tpu.core_type<sc_vector_subcore>, window_params = [{transform_indices = #map}, {transform_indices = #map1}, {transform_indices = #map1}, {transform_indices = #map2}, {transform_indices = #map}]} {
    %mul3A = arith.constant 640 : i32
    %mul3A_0 = arith.muli %arg1, %mul3A : i32
    "tpu.region"() ({
      %run_scoped3A = tpu.sem_alloc : memref<!tpu.dma_semaphore, #tpu.memory_space<semaphore_mem>>
      %dma_start3A = arith.constant 0 : i32
      %dma_start3A_6 = tpu.memref_slice %arg7[%mul3A_0, %dma_start3A] : memref<10240x128xf32, #tpu.memory_space<vmem_shared>> -> memref<640x128xf32, #tpu.memory_space<vmem_shared>>
      %dma_start3A_7 = arith.constant 0 : i32
      %dma_start3A_8 = tpu.memref_slice %arg5[%mul3A_0, %dma_start3A_7] : memref<10240x128xf32, #tpu.memory_space<hbm>> -> memref<640x128xf32, #tpu.memory_space<hbm>>
      tpu.enqueue_dma source(%dma_start3A_8 : memref<640x128xf32, #tpu.memory_space<hbm>>) target(%dma_start3A_6 : memref<640x128xf32, #tpu.memory_space<vmem_shared>>) target_semaphore(%run_scoped3A : memref<!tpu.dma_semaphore, #tpu.memory_space<semaphore_mem>>)
      %dma_wait3A = arith.constant 0 : i32
      %dma_wait3A_9 = tpu.memref_slice %arg7[%mul3A_0, %dma_wait3A] : memref<10240x128xf32, #tpu.memory_space<vmem_shared>> -> memref<640x128xf32, #tpu.memory_space<vmem_shared>>
      %dma_wait3A_10 = arith.constant 0 : i32
      %dma_wait3A_11 = tpu.memref_slice %arg5[%mul3A_0, %dma_wait3A_10] : memref<10240x128xf32, #tpu.memory_space<hbm>> -> memref<640x128xf32, #tpu.memory_space<hbm>>
      tpu.wait_dma2 semaphore(%run_scoped3A : memref<!tpu.dma_semaphore, #tpu.memory_space<semaphore_mem>>) src(%dma_wait3A_11 : memref<640x128xf32, #tpu.memory_space<hbm>>) dst(%dma_wait3A_9 : memref<640x128xf32, #tpu.memory_space<vmem_shared>>)
      tpu.yield
    }) : () -> ()
    %barrier3A = arith.constant 0 : index
    tpu.barrier barrier_id(%barrier3A)
    %scan3A = arith.constant 0 : i32
    %scan3A_1 = arith.constant 2 : i32
    %scan3A_2 = arith.addi %scan3A, %scan3A_1 : i32
    %scan3A_3 = arith.constant 1 : i32
    scf.for %scan3A_6 = %scan3A to %scan3A_2 step %scan3A_3  : i32 {
      %mul3A_7 = arith.constant 1 : i32
      %mul3A_8 = arith.muli %scan3A_6, %mul3A_7 : i32
      %add3A = arith.constant 0 : i32
      %add3A_9 = arith.addi %add3A, %mul3A_8 : i32
      "tpu.region"() ({
        %run_scoped3A = tpu.sem_alloc : memref<!tpu.dma_semaphore, #tpu.memory_space<semaphore_mem>>
        %dma_start3A_25 = arith.constant 0 : i32
        %dma_start3A_26 = arith.constant 0 : i32
        %dma_start3A_27 = arith.constant 0 : i32
        %dma_start3A_28 = arith.constant 0 : i32
        %dma_start3A_29 = tpu.memref_slice %arg3[%arg0, %dma_start3A_25, %dma_start3A_26, %dma_start3A_27, %dma_start3A_28] : memref<2x16x2x50x100xi32, #tpu.memory_space<hbm>> -> memref<1x16x2x50x100xi32, #tpu.memory_space<hbm>>
        %dma_start3A_30 = tpu.memref_squeeze %dma_start3A_29 : memref<1x16x2x50x100xi32, #tpu.memory_space<hbm>> -> memref<16x2x50x100xi32, #tpu.memory_space<hbm>>
        %dma_start3A_31 = arith.constant 0 : i32
        %dma_start3A_32 = arith.constant 0 : i32
        %dma_start3A_33 = arith.constant 0 : i32
        %dma_start3A_34 = tpu.memref_slice %dma_start3A_30[%arg1, %dma_start3A_31, %dma_start3A_32, %dma_start3A_33] : memref<16x2x50x100xi32, #tpu.memory_space<hbm>> -> memref<1x2x50x100xi32, #tpu.memory_space<hbm>>
        %dma_start3A_35 = tpu.memref_squeeze %dma_start3A_34 : memref<1x2x50x100xi32, #tpu.memory_space<hbm>> -> memref<2x50x100xi32, #tpu.memory_space<hbm>>
        %dma_start3A_36 = arith.constant 0 : i32
        %dma_start3A_37 = arith.constant 0 : i32
        %dma_start3A_38 = tpu.memref_slice %dma_start3A_35[%add3A_9, %dma_start3A_36, %dma_start3A_37] : memref<2x50x100xi32, #tpu.memory_space<hbm>> -> memref<1x50x100xi32, #tpu.memory_space<hbm>>
        %dma_start3A_39 = tpu.memref_squeeze %dma_start3A_38 : memref<1x50x100xi32, #tpu.memory_space<hbm>> -> memref<50x100xi32, #tpu.memory_space<hbm>>
        %dma_start3A_40 = arith.constant 0 : i32
        %dma_start3A_41 = arith.constant 0 : i32
        %dma_start3A_42 = arith.constant 0 : i32
        %dma_start3A_43 = arith.constant 0 : i32
        %dma_start3A_44 = tpu.memref_slice %arg3[%arg0, %dma_start3A_40, %dma_start3A_41, %dma_start3A_42, %dma_start3A_43] : memref<2x16x2x50x100xi32, #tpu.memory_space<hbm>> -> memref<1x16x2x50x100xi32, #tpu.memory_space<hbm>>
        %dma_start3A_45 = tpu.memref_squeeze %dma_start3A_44 : memref<1x16x2x50x100xi32, #tpu.memory_space<hbm>> -> memref<16x2x50x100xi32, #tpu.memory_space<hbm>>
        %dma_start3A_46 = arith.constant 0 : i32
        %dma_start3A_47 = arith.constant 0 : i32
        %dma_start3A_48 = arith.constant 0 : i32
        %dma_start3A_49 = tpu.memref_slice %dma_start3A_45[%arg1, %dma_start3A_46, %dma_start3A_47, %dma_start3A_48] : memref<16x2x50x100xi32, #tpu.memory_space<hbm>> -> memref<1x2x50x100xi32, #tpu.memory_space<hbm>>
        %dma_start3A_50 = tpu.memref_squeeze %dma_start3A_49 : memref<1x2x50x100xi32, #tpu.memory_space<hbm>> -> memref<2x50x100xi32, #tpu.memory_space<hbm>>
        %dma_start3A_51 = arith.constant 0 : i32
        %dma_start3A_52 = arith.constant 0 : i32
        %dma_start3A_53 = tpu.memref_slice %dma_start3A_50[%add3A_9, %dma_start3A_51, %dma_start3A_52] : memref<2x50x100xi32, #tpu.memory_space<hbm>> -> memref<1x50x100xi32, #tpu.memory_space<hbm>>
        %dma_start3A_54 = tpu.memref_squeeze %dma_start3A_53 : memref<1x50x100xi32, #tpu.memory_space<hbm>> -> memref<50x100xi32, #tpu.memory_space<hbm>>
        tpu.enqueue_dma source(%dma_start3A_54 : memref<50x100xi32, #tpu.memory_space<hbm>>) target(%arg8 : memref<50x100xi32, #tpu.memory_space<vmem>>) target_semaphore(%run_scoped3A : memref<!tpu.dma_semaphore, #tpu.memory_space<semaphore_mem>>)
        %dma_wait3A = arith.constant 0 : i32
        %dma_wait3A_55 = arith.constant 0 : i32
        %dma_wait3A_56 = arith.constant 0 : i32
        %dma_wait3A_57 = arith.constant 0 : i32
        %dma_wait3A_58 = tpu.memref_slice %arg3[%arg0, %dma_wait3A, %dma_wait3A_55, %dma_wait3A_56, %dma_wait3A_57] : memref<2x16x2x50x100xi32, #tpu.memory_space<hbm>> -> memref<1x16x2x50x100xi32, #tpu.memory_space<hbm>>
        %dma_wait3A_59 = tpu.memref_squeeze %dma_wait3A_58 : memref<1x16x2x50x100xi32, #tpu.memory_space<hbm>> -> memref<16x2x50x100xi32, #tpu.memory_space<hbm>>
        %dma_wait3A_60 = arith.constant 0 : i32
        %dma_wait3A_61 = arith.constant 0 : i32
        %dma_wait3A_62 = arith.constant 0 : i32
        %dma_wait3A_63 = tpu.memref_slice %dma_wait3A_59[%arg1, %dma_wait3A_60, %dma_wait3A_61, %dma_wait3A_62] : memref<16x2x50x100xi32, #tpu.memory_space<hbm>> -> memref<1x2x50x100xi32, #tpu.memory_space<hbm>>
        %dma_wait3A_64 = tpu.memref_squeeze %dma_wait3A_63 : memref<1x2x50x100xi32, #tpu.memory_space<hbm>> -> memref<2x50x100xi32, #tpu.memory_space<hbm>>
        %dma_wait3A_65 = arith.constant 0 : i32
        %dma_wait3A_66 = arith.constant 0 : i32
        %dma_wait3A_67 = tpu.memref_slice %dma_wait3A_64[%add3A_9, %dma_wait3A_65, %dma_wait3A_66] : memref<2x50x100xi32, #tpu.memory_space<hbm>> -> memref<1x50x100xi32, #tpu.memory_space<hbm>>
        %dma_wait3A_68 = tpu.memref_squeeze %dma_wait3A_67 : memref<1x50x100xi32, #tpu.memory_space<hbm>> -> memref<50x100xi32, #tpu.memory_space<hbm>>
        %dma_wait3A_69 = arith.constant 0 : i32
        %dma_wait3A_70 = arith.constant 0 : i32
        %dma_wait3A_71 = arith.constant 0 : i32
        %dma_wait3A_72 = arith.constant 0 : i32
        %dma_wait3A_73 = tpu.memref_slice %arg3[%arg0, %dma_wait3A_69, %dma_wait3A_70, %dma_wait3A_71, %dma_wait3A_72] : memref<2x16x2x50x100xi32, #tpu.memory_space<hbm>> -> memref<1x16x2x50x100xi32, #tpu.memory_space<hbm>>
        %dma_wait3A_74 = tpu.memref_squeeze %dma_wait3A_73 : memref<1x16x2x50x100xi32, #tpu.memory_space<hbm>> -> memref<16x2x50x100xi32, #tpu.memory_space<hbm>>
        %dma_wait3A_75 = arith.constant 0 : i32
        %dma_wait3A_76 = arith.constant 0 : i32
        %dma_wait3A_77 = arith.constant 0 : i32
        %dma_wait3A_78 = tpu.memref_slice %dma_wait3A_74[%arg1, %dma_wait3A_75, %dma_wait3A_76, %dma_wait3A_77] : memref<16x2x50x100xi32, #tpu.memory_space<hbm>> -> memref<1x2x50x100xi32, #tpu.memory_space<hbm>>
        %dma_wait3A_79 = tpu.memref_squeeze %dma_wait3A_78 : memref<1x2x50x100xi32, #tpu.memory_space<hbm>> -> memref<2x50x100xi32, #tpu.memory_space<hbm>>
        %dma_wait3A_80 = arith.constant 0 : i32
        %dma_wait3A_81 = arith.constant 0 : i32
        %dma_wait3A_82 = tpu.memref_slice %dma_wait3A_79[%add3A_9, %dma_wait3A_80, %dma_wait3A_81] : memref<2x50x100xi32, #tpu.memory_space<hbm>> -> memref<1x50x100xi32, #tpu.memory_space<hbm>>
        %dma_wait3A_83 = tpu.memref_squeeze %dma_wait3A_82 : memref<1x50x100xi32, #tpu.memory_space<hbm>> -> memref<50x100xi32, #tpu.memory_space<hbm>>
        tpu.wait_dma2 semaphore(%run_scoped3A : memref<!tpu.dma_semaphore, #tpu.memory_space<semaphore_mem>>) src(%dma_wait3A_83 : memref<50x100xi32, #tpu.memory_space<hbm>>) dst(%arg8 : memref<50x100xi32, #tpu.memory_space<vmem>>)
        tpu.yield
      }) : () -> ()
      "tpu.region"() ({
        %run_scoped3A = tpu.sem_alloc : memref<!tpu.dma_semaphore, #tpu.memory_space<semaphore_mem>>
        %dma_start3A_25 = arith.constant 0 : i32
        %dma_start3A_26 = arith.constant 0 : i32
        %dma_start3A_27 = arith.constant 0 : i32
        %dma_start3A_28 = arith.constant 0 : i32
        %dma_start3A_29 = tpu.memref_slice %arg4[%arg0, %dma_start3A_25, %dma_start3A_26, %dma_start3A_27, %dma_start3A_28] : memref<2x16x2x50x100xi32, #tpu.memory_space<hbm>> -> memref<1x16x2x50x100xi32, #tpu.memory_space<hbm>>
        %dma_start3A_30 = tpu.memref_squeeze %dma_start3A_29 : memref<1x16x2x50x100xi32, #tpu.memory_space<hbm>> -> memref<16x2x50x100xi32, #tpu.memory_space<hbm>>
        %dma_start3A_31 = arith.constant 0 : i32
        %dma_start3A_32 = arith.constant 0 : i32
        %dma_start3A_33 = arith.constant 0 : i32
        %dma_start3A_34 = tpu.memref_slice %dma_start3A_30[%arg1, %dma_start3A_31, %dma_start3A_32, %dma_start3A_33] : memref<16x2x50x100xi32, #tpu.memory_space<hbm>> -> memref<1x2x50x100xi32, #tpu.memory_space<hbm>>
        %dma_start3A_35 = tpu.memref_squeeze %dma_start3A_34 : memref<1x2x50x100xi32, #tpu.memory_space<hbm>> -> memref<2x50x100xi32, #tpu.memory_space<hbm>>
        %dma_start3A_36 = arith.constant 0 : i32
        %dma_start3A_37 = arith.constant 0 : i32
        %dma_start3A_38 = tpu.memref_slice %dma_start3A_35[%add3A_9, %dma_start3A_36, %dma_start3A_37] : memref<2x50x100xi32, #tpu.memory_space<hbm>> -> memref<1x50x100xi32, #tpu.memory_space<hbm>>
        %dma_start3A_39 = tpu.memref_squeeze %dma_start3A_38 : memref<1x50x100xi32, #tpu.memory_space<hbm>> -> memref<50x100xi32, #tpu.memory_space<hbm>>
        %dma_start3A_40 = arith.constant 0 : i32
        %dma_start3A_41 = arith.constant 0 : i32
        %dma_start3A_42 = arith.constant 0 : i32
        %dma_start3A_43 = arith.constant 0 : i32
        %dma_start3A_44 = tpu.memref_slice %arg4[%arg0, %dma_start3A_40, %dma_start3A_41, %dma_start3A_42, %dma_start3A_43] : memref<2x16x2x50x100xi32, #tpu.memory_space<hbm>> -> memref<1x16x2x50x100xi32, #tpu.memory_space<hbm>>
        %dma_start3A_45 = tpu.memref_squeeze %dma_start3A_44 : memref<1x16x2x50x100xi32, #tpu.memory_space<hbm>> -> memref<16x2x50x100xi32, #tpu.memory_space<hbm>>
        %dma_start3A_46 = arith.constant 0 : i32
        %dma_start3A_47 = arith.constant 0 : i32
        %dma_start3A_48 = arith.constant 0 : i32
        %dma_start3A_49 = tpu.memref_slice %dma_start3A_45[%arg1, %dma_start3A_46, %dma_start3A_47, %dma_start3A_48] : memref<16x2x50x100xi32, #tpu.memory_space<hbm>> -> memref<1x2x50x100xi32, #tpu.memory_space<hbm>>
        %dma_start3A_50 = tpu.memref_squeeze %dma_start3A_49 : memref<1x2x50x100xi32, #tpu.memory_space<hbm>> -> memref<2x50x100xi32, #tpu.memory_space<hbm>>
        %dma_start3A_51 = arith.constant 0 : i32
        %dma_start3A_52 = arith.constant 0 : i32
        %dma_start3A_53 = tpu.memref_slice %dma_start3A_50[%add3A_9, %dma_start3A_51, %dma_start3A_52] : memref<2x50x100xi32, #tpu.memory_space<hbm>> -> memref<1x50x100xi32, #tpu.memory_space<hbm>>
        %dma_start3A_54 = tpu.memref_squeeze %dma_start3A_53 : memref<1x50x100xi32, #tpu.memory_space<hbm>> -> memref<50x100xi32, #tpu.memory_space<hbm>>
        tpu.enqueue_dma source(%dma_start3A_54 : memref<50x100xi32, #tpu.memory_space<hbm>>) target(%arg9 : memref<50x100xi32, #tpu.memory_space<vmem>>) target_semaphore(%run_scoped3A : memref<!tpu.dma_semaphore, #tpu.memory_space<semaphore_mem>>)
        %dma_wait3A = arith.constant 0 : i32
        %dma_wait3A_55 = arith.constant 0 : i32
        %dma_wait3A_56 = arith.constant 0 : i32
        %dma_wait3A_57 = arith.constant 0 : i32
        %dma_wait3A_58 = tpu.memref_slice %arg4[%arg0, %dma_wait3A, %dma_wait3A_55, %dma_wait3A_56, %dma_wait3A_57] : memref<2x16x2x50x100xi32, #tpu.memory_space<hbm>> -> memref<1x16x2x50x100xi32, #tpu.memory_space<hbm>>
        %dma_wait3A_59 = tpu.memref_squeeze %dma_wait3A_58 : memref<1x16x2x50x100xi32, #tpu.memory_space<hbm>> -> memref<16x2x50x100xi32, #tpu.memory_space<hbm>>
        %dma_wait3A_60 = arith.constant 0 : i32
        %dma_wait3A_61 = arith.constant 0 : i32
        %dma_wait3A_62 = arith.constant 0 : i32
        %dma_wait3A_63 = tpu.memref_slice %dma_wait3A_59[%arg1, %dma_wait3A_60, %dma_wait3A_61, %dma_wait3A_62] : memref<16x2x50x100xi32, #tpu.memory_space<hbm>> -> memref<1x2x50x100xi32, #tpu.memory_space<hbm>>
        %dma_wait3A_64 = tpu.memref_squeeze %dma_wait3A_63 : memref<1x2x50x100xi32, #tpu.memory_space<hbm>> -> memref<2x50x100xi32, #tpu.memory_space<hbm>>
        %dma_wait3A_65 = arith.constant 0 : i32
        %dma_wait3A_66 = arith.constant 0 : i32
        %dma_wait3A_67 = tpu.memref_slice %dma_wait3A_64[%add3A_9, %dma_wait3A_65, %dma_wait3A_66] : memref<2x50x100xi32, #tpu.memory_space<hbm>> -> memref<1x50x100xi32, #tpu.memory_space<hbm>>
        %dma_wait3A_68 = tpu.memref_squeeze %dma_wait3A_67 : memref<1x50x100xi32, #tpu.memory_space<hbm>> -> memref<50x100xi32, #tpu.memory_space<hbm>>
        %dma_wait3A_69 = arith.constant 0 : i32
        %dma_wait3A_70 = arith.constant 0 : i32
        %dma_wait3A_71 = arith.constant 0 : i32
        %dma_wait3A_72 = arith.constant 0 : i32
        %dma_wait3A_73 = tpu.memref_slice %arg4[%arg0, %dma_wait3A_69, %dma_wait3A_70, %dma_wait3A_71, %dma_wait3A_72] : memref<2x16x2x50x100xi32, #tpu.memory_space<hbm>> -> memref<1x16x2x50x100xi32, #tpu.memory_space<hbm>>
        %dma_wait3A_74 = tpu.memref_squeeze %dma_wait3A_73 : memref<1x16x2x50x100xi32, #tpu.memory_space<hbm>> -> memref<16x2x50x100xi32, #tpu.memory_space<hbm>>
        %dma_wait3A_75 = arith.constant 0 : i32
        %dma_wait3A_76 = arith.constant 0 : i32
        %dma_wait3A_77 = arith.constant 0 : i32
        %dma_wait3A_78 = tpu.memref_slice %dma_wait3A_74[%arg1, %dma_wait3A_75, %dma_wait3A_76, %dma_wait3A_77] : memref<16x2x50x100xi32, #tpu.memory_space<hbm>> -> memref<1x2x50x100xi32, #tpu.memory_space<hbm>>
        %dma_wait3A_79 = tpu.memref_squeeze %dma_wait3A_78 : memref<1x2x50x100xi32, #tpu.memory_space<hbm>> -> memref<2x50x100xi32, #tpu.memory_space<hbm>>
        %dma_wait3A_80 = arith.constant 0 : i32
        %dma_wait3A_81 = arith.constant 0 : i32
        %dma_wait3A_82 = tpu.memref_slice %dma_wait3A_79[%add3A_9, %dma_wait3A_80, %dma_wait3A_81] : memref<2x50x100xi32, #tpu.memory_space<hbm>> -> memref<1x50x100xi32, #tpu.memory_space<hbm>>
        %dma_wait3A_83 = tpu.memref_squeeze %dma_wait3A_82 : memref<1x50x100xi32, #tpu.memory_space<hbm>> -> memref<50x100xi32, #tpu.memory_space<hbm>>
        tpu.wait_dma2 semaphore(%run_scoped3A : memref<!tpu.dma_semaphore, #tpu.memory_space<semaphore_mem>>) src(%dma_wait3A_83 : memref<50x100xi32, #tpu.memory_space<hbm>>) dst(%arg9 : memref<50x100xi32, #tpu.memory_space<vmem>>)
        tpu.yield
      }) : () -> ()
      %dma_start3A = arith.constant 0 : i32
      %dma_start3A_10 = arith.constant 0 : i32
      %dma_start3A_11 = tpu.memref_slice %arg8[%dma_start3A, %dma_start3A_10] : memref<50x100xi32, #tpu.memory_space<vmem>> -> memref<1x100xi32, #tpu.memory_space<vmem>>
      %dma_start3A_12 = tpu.memref_squeeze %dma_start3A_11 : memref<1x100xi32, #tpu.memory_space<vmem>> -> memref<100xi32, #tpu.memory_space<vmem>>
      %dma_start3A_13 = arith.constant 0 : i32
      %dma_start3A_14 = arith.constant 0 : i32
      %dma_start3A_15 = tpu.memref_slice %arg2[%arg0, %dma_start3A_13, %dma_start3A_14] : memref<2x10000x128xf32, #tpu.memory_space<hbm>> -> memref<1x10000x128xf32, #tpu.memory_space<hbm>>
      %dma_start3A_16 = tpu.memref_squeeze %dma_start3A_15 : memref<1x10000x128xf32, #tpu.memory_space<hbm>> -> memref<10000x128xf32, #tpu.memory_space<hbm>>
      %dma_start3A_17 = arith.constant 0 : i32
      %dma_start3A_18 = arith.constant 0 : i32
      %dma_start3A_19 = tpu.memref_slice %dma_start3A_16[%dma_start3A_17, %dma_start3A_18] : memref<10000x128xf32, #tpu.memory_space<hbm>> -> memref<10000x128xf32, #tpu.memory_space<hbm>>
      tpu.enqueue_indirect_dma source(%dma_start3A_19 : memref<10000x128xf32, #tpu.memory_space<hbm>>) target(%arg10 : memref<100x128xf32, #tpu.memory_space<vmem>>) offsets(%dma_start3A_12 : memref<100xi32, #tpu.memory_space<vmem>>) semaphore(%arg12 : memref<!tpu.dma_semaphore, #tpu.memory_space<semaphore_mem>>)
      %scan3A_20 = arith.constant 0 : i32
      %scan3A_21 = arith.constant 25 : i32
      %scan3A_22 = arith.addi %scan3A_20, %scan3A_21 : i32
      %scan3A_23 = arith.constant 1 : i32
      scf.for %scan3A_25 = %scan3A_20 to %scan3A_22 step %scan3A_23  : i32 {
        %mul3A_26 = arith.constant 2 : i32
        %mul3A_27 = arith.muli %scan3A_25, %mul3A_26 : i32
        %add3A_28 = arith.constant 0 : i32
        %add3A_29 = arith.addi %add3A_28, %mul3A_27 : i32
        %add3A_30 = arith.constant 1 : i32
        %add3A_31 = arith.addi %add3A_29, %add3A_30 : i32
        %dma_start3A_32 = arith.constant 0 : i32
        %dma_start3A_33 = tpu.memref_slice %arg8[%add3A_31, %dma_start3A_32] : memref<50x100xi32, #tpu.memory_space<vmem>> -> memref<1x100xi32, #tpu.memory_space<vmem>>
        %dma_start3A_34 = tpu.memref_squeeze %dma_start3A_33 : memref<1x100xi32, #tpu.memory_space<vmem>> -> memref<100xi32, #tpu.memory_space<vmem>>
        %dma_start3A_35 = arith.constant 0 : i32
        %dma_start3A_36 = arith.constant 0 : i32
        %dma_start3A_37 = tpu.memref_slice %arg2[%arg0, %dma_start3A_35, %dma_start3A_36] : memref<2x10000x128xf32, #tpu.memory_space<hbm>> -> memref<1x10000x128xf32, #tpu.memory_space<hbm>>
        %dma_start3A_38 = tpu.memref_squeeze %dma_start3A_37 : memref<1x10000x128xf32, #tpu.memory_space<hbm>> -> memref<10000x128xf32, #tpu.memory_space<hbm>>
        %dma_start3A_39 = arith.constant 0 : i32
        %dma_start3A_40 = arith.constant 0 : i32
        %dma_start3A_41 = tpu.memref_slice %dma_start3A_38[%dma_start3A_39, %dma_start3A_40] : memref<10000x128xf32, #tpu.memory_space<hbm>> -> memref<10000x128xf32, #tpu.memory_space<hbm>>
        tpu.enqueue_indirect_dma source(%dma_start3A_41 : memref<10000x128xf32, #tpu.memory_space<hbm>>) target(%arg11 : memref<100x128xf32, #tpu.memory_space<vmem>>) offsets(%dma_start3A_34 : memref<100xi32, #tpu.memory_space<vmem>>) semaphore(%arg13 : memref<!tpu.dma_semaphore, #tpu.memory_space<semaphore_mem>>)
        %dma_wait3A = arith.constant 0 : i32
        %dma_wait3A_42 = tpu.memref_slice %arg8[%add3A_29, %dma_wait3A] : memref<50x100xi32, #tpu.memory_space<vmem>> -> memref<1x100xi32, #tpu.memory_space<vmem>>
        %dma_wait3A_43 = tpu.memref_squeeze %dma_wait3A_42 : memref<1x100xi32, #tpu.memory_space<vmem>> -> memref<100xi32, #tpu.memory_space<vmem>>
        %dma_wait3A_44 = arith.constant 0 : i32
        %dma_wait3A_45 = arith.constant 0 : i32
        %dma_wait3A_46 = tpu.memref_slice %arg2[%arg0, %dma_wait3A_44, %dma_wait3A_45] : memref<2x10000x128xf32, #tpu.memory_space<hbm>> -> memref<1x10000x128xf32, #tpu.memory_space<hbm>>
        %dma_wait3A_47 = tpu.memref_squeeze %dma_wait3A_46 : memref<1x10000x128xf32, #tpu.memory_space<hbm>> -> memref<10000x128xf32, #tpu.memory_space<hbm>>
        %dma_wait3A_48 = arith.constant 0 : i32
        %dma_wait3A_49 = arith.constant 0 : i32
        %dma_wait3A_50 = tpu.memref_slice %dma_wait3A_47[%dma_wait3A_48, %dma_wait3A_49] : memref<10000x128xf32, #tpu.memory_space<hbm>> -> memref<10000x128xf32, #tpu.memory_space<hbm>>
        tpu.wait_indirect_dma semaphore(%arg12 : memref<!tpu.dma_semaphore, #tpu.memory_space<semaphore_mem>>) src(%dma_wait3A_50 : memref<10000x128xf32, #tpu.memory_space<hbm>>) dst(%arg10 : memref<100x128xf32, #tpu.memory_space<vmem>>)
        "tpu.region"() ({
          %run_scoped3A = tpu.sem_alloc : memref<!tpu.dma_semaphore, #tpu.memory_space<semaphore_mem>>
          %dma_start3A_67 = arith.constant 0 : i32
          %dma_start3A_68 = tpu.memref_slice %arg9[%add3A_29, %dma_start3A_67] : memref<50x100xi32, #tpu.memory_space<vmem>> -> memref<1x100xi32, #tpu.memory_space<vmem>>
          %dma_start3A_69 = tpu.memref_squeeze %dma_start3A_68 : memref<1x100xi32, #tpu.memory_space<vmem>> -> memref<100xi32, #tpu.memory_space<vmem>>
          %dma_start3A_70 = arith.constant 0 : i32
          %dma_start3A_71 = arith.constant 0 : i32
          %dma_start3A_72 = tpu.memref_slice %arg7[%dma_start3A_70, %dma_start3A_71] : memref<10240x128xf32, #tpu.memory_space<vmem_shared>> -> memref<10240x128xf32, #tpu.memory_space<vmem_shared>>
          tpu.enqueue_indirect_dma source(%arg10 : memref<100x128xf32, #tpu.memory_space<vmem>>) target(%dma_start3A_72 : memref<10240x128xf32, #tpu.memory_space<vmem_shared>>) offsets(%dma_start3A_69 : memref<100xi32, #tpu.memory_space<vmem>>) semaphore(%run_scoped3A : memref<!tpu.dma_semaphore, #tpu.memory_space<semaphore_mem>>) {add = true}
          %dma_wait3A_73 = arith.constant 0 : i32
          %dma_wait3A_74 = tpu.memref_slice %arg9[%add3A_29, %dma_wait3A_73] : memref<50x100xi32, #tpu.memory_space<vmem>> -> memref<1x100xi32, #tpu.memory_space<vmem>>
          %dma_wait3A_75 = tpu.memref_squeeze %dma_wait3A_74 : memref<1x100xi32, #tpu.memory_space<vmem>> -> memref<100xi32, #tpu.memory_space<vmem>>
          %dma_wait3A_76 = arith.constant 0 : i32
          %dma_wait3A_77 = arith.constant 0 : i32
          %dma_wait3A_78 = tpu.memref_slice %arg7[%dma_wait3A_76, %dma_wait3A_77] : memref<10240x128xf32, #tpu.memory_space<vmem_shared>> -> memref<10240x128xf32, #tpu.memory_space<vmem_shared>>
          tpu.wait_indirect_dma semaphore(%run_scoped3A : memref<!tpu.dma_semaphore, #tpu.memory_space<semaphore_mem>>) src(%arg10 : memref<100x128xf32, #tpu.memory_space<vmem>>) dst(%dma_wait3A_78 : memref<10240x128xf32, #tpu.memory_space<vmem_shared>>)
          tpu.yield
        }) : () -> ()
        %add3A_51 = arith.constant 2 : i32
        %add3A_52 = arith.addi %add3A_29, %add3A_51 : i32
        %lt3A = arith.constant 50 : i32
        %lt3A_53 = arith.cmpi slt, %add3A_52, %lt3A : i32
        %convert_element_type3A = arith.extui %lt3A_53 : i1 to i32
        %cond3A = arith.constant 0 : i32
        %cond3A_54 = arith.cmpi ne, %convert_element_type3A, %cond3A : i32
        scf.if %cond3A_54 {
          %add3A_67 = arith.constant 2 : i32
          %add3A_68 = arith.addi %add3A_29, %add3A_67 : i32
          %dma_start3A_69 = arith.constant 0 : i32
          %dma_start3A_70 = tpu.memref_slice %arg8[%add3A_68, %dma_start3A_69] : memref<50x100xi32, #tpu.memory_space<vmem>> -> memref<1x100xi32, #tpu.memory_space<vmem>>
          %dma_start3A_71 = tpu.memref_squeeze %dma_start3A_70 : memref<1x100xi32, #tpu.memory_space<vmem>> -> memref<100xi32, #tpu.memory_space<vmem>>
          %dma_start3A_72 = arith.constant 0 : i32
          %dma_start3A_73 = arith.constant 0 : i32
          %dma_start3A_74 = tpu.memref_slice %arg2[%arg0, %dma_start3A_72, %dma_start3A_73] : memref<2x10000x128xf32, #tpu.memory_space<hbm>> -> memref<1x10000x128xf32, #tpu.memory_space<hbm>>
          %dma_start3A_75 = tpu.memref_squeeze %dma_start3A_74 : memref<1x10000x128xf32, #tpu.memory_space<hbm>> -> memref<10000x128xf32, #tpu.memory_space<hbm>>
          %dma_start3A_76 = arith.constant 0 : i32
          %dma_start3A_77 = arith.constant 0 : i32
          %dma_start3A_78 = tpu.memref_slice %dma_start3A_75[%dma_start3A_76, %dma_start3A_77] : memref<10000x128xf32, #tpu.memory_space<hbm>> -> memref<10000x128xf32, #tpu.memory_space<hbm>>
          tpu.enqueue_indirect_dma source(%dma_start3A_78 : memref<10000x128xf32, #tpu.memory_space<hbm>>) target(%arg10 : memref<100x128xf32, #tpu.memory_space<vmem>>) offsets(%dma_start3A_71 : memref<100xi32, #tpu.memory_space<vmem>>) semaphore(%arg12 : memref<!tpu.dma_semaphore, #tpu.memory_space<semaphore_mem>>)
        } else {
        }
        %dma_wait3A_55 = arith.constant 0 : i32
        %dma_wait3A_56 = tpu.memref_slice %arg8[%add3A_31, %dma_wait3A_55] : memref<50x100xi32, #tpu.memory_space<vmem>> -> memref<1x100xi32, #tpu.memory_space<vmem>>
        %dma_wait3A_57 = tpu.memref_squeeze %dma_wait3A_56 : memref<1x100xi32, #tpu.memory_space<vmem>> -> memref<100xi32, #tpu.memory_space<vmem>>
        %dma_wait3A_58 = arith.constant 0 : i32
        %dma_wait3A_59 = arith.constant 0 : i32
        %dma_wait3A_60 = tpu.memref_slice %arg2[%arg0, %dma_wait3A_58, %dma_wait3A_59] : memref<2x10000x128xf32, #tpu.memory_space<hbm>> -> memref<1x10000x128xf32, #tpu.memory_space<hbm>>
        %dma_wait3A_61 = tpu.memref_squeeze %dma_wait3A_60 : memref<1x10000x128xf32, #tpu.memory_space<hbm>> -> memref<10000x128xf32, #tpu.memory_space<hbm>>
        %dma_wait3A_62 = arith.constant 0 : i32
        %dma_wait3A_63 = arith.constant 0 : i32
        %dma_wait3A_64 = tpu.memref_slice %dma_wait3A_61[%dma_wait3A_62, %dma_wait3A_63] : memref<10000x128xf32, #tpu.memory_space<hbm>> -> memref<10000x128xf32, #tpu.memory_space<hbm>>
        tpu.wait_indirect_dma semaphore(%arg13 : memref<!tpu.dma_semaphore, #tpu.memory_space<semaphore_mem>>) src(%dma_wait3A_64 : memref<10000x128xf32, #tpu.memory_space<hbm>>) dst(%arg11 : memref<100x128xf32, #tpu.memory_space<vmem>>)
        %add3A_65 = arith.constant 1 : i32
        %add3A_66 = arith.addi %add3A_29, %add3A_65 : i32
        "tpu.region"() ({
          %run_scoped3A = tpu.sem_alloc : memref<!tpu.dma_semaphore, #tpu.memory_space<semaphore_mem>>
          %dma_start3A_67 = arith.constant 0 : i32
          %dma_start3A_68 = tpu.memref_slice %arg9[%add3A_66, %dma_start3A_67] : memref<50x100xi32, #tpu.memory_space<vmem>> -> memref<1x100xi32, #tpu.memory_space<vmem>>
          %dma_start3A_69 = tpu.memref_squeeze %dma_start3A_68 : memref<1x100xi32, #tpu.memory_space<vmem>> -> memref<100xi32, #tpu.memory_space<vmem>>
          %dma_start3A_70 = arith.constant 0 : i32
          %dma_start3A_71 = arith.constant 0 : i32
          %dma_start3A_72 = tpu.memref_slice %arg7[%dma_start3A_70, %dma_start3A_71] : memref<10240x128xf32, #tpu.memory_space<vmem_shared>> -> memref<10240x128xf32, #tpu.memory_space<vmem_shared>>
          tpu.enqueue_indirect_dma source(%arg11 : memref<100x128xf32, #tpu.memory_space<vmem>>) target(%dma_start3A_72 : memref<10240x128xf32, #tpu.memory_space<vmem_shared>>) offsets(%dma_start3A_69 : memref<100xi32, #tpu.memory_space<vmem>>) semaphore(%run_scoped3A : memref<!tpu.dma_semaphore, #tpu.memory_space<semaphore_mem>>) {add = true}
          %dma_wait3A_73 = arith.constant 0 : i32
          %dma_wait3A_74 = tpu.memref_slice %arg9[%add3A_66, %dma_wait3A_73] : memref<50x100xi32, #tpu.memory_space<vmem>> -> memref<1x100xi32, #tpu.memory_space<vmem>>
          %dma_wait3A_75 = tpu.memref_squeeze %dma_wait3A_74 : memref<1x100xi32, #tpu.memory_space<vmem>> -> memref<100xi32, #tpu.memory_space<vmem>>
          %dma_wait3A_76 = arith.constant 0 : i32
          %dma_wait3A_77 = arith.constant 0 : i32
          %dma_wait3A_78 = tpu.memref_slice %arg7[%dma_wait3A_76, %dma_wait3A_77] : memref<10240x128xf32, #tpu.memory_space<vmem_shared>> -> memref<10240x128xf32, #tpu.memory_space<vmem_shared>>
          tpu.wait_indirect_dma semaphore(%run_scoped3A : memref<!tpu.dma_semaphore, #tpu.memory_space<semaphore_mem>>) src(%arg11 : memref<100x128xf32, #tpu.memory_space<vmem>>) dst(%dma_wait3A_78 : memref<10240x128xf32, #tpu.memory_space<vmem_shared>>)
          tpu.yield
        }) : () -> ()
      }
      %scan3A_24 = arith.constant 25 : i32
    }
    %scan3A_4 = arith.constant 2 : i32
    %barrier3A_5 = arith.constant 0 : index
    tpu.barrier barrier_id(%barrier3A_5)
    "tpu.region"() ({
      %run_scoped3A = tpu.sem_alloc : memref<!tpu.dma_semaphore, #tpu.memory_space<semaphore_mem>>
      %dma_start3A = arith.constant 0 : i32
      %dma_start3A_6 = arith.constant 0 : i32
      %dma_start3A_7 = tpu.memref_slice %arg6[%arg0, %dma_start3A, %dma_start3A_6] : memref<2x10240x128xf32, #tpu.memory_space<hbm>> -> memref<1x10240x128xf32, #tpu.memory_space<hbm>>
      %dma_start3A_8 = tpu.memref_squeeze %dma_start3A_7 : memref<1x10240x128xf32, #tpu.memory_space<hbm>> -> memref<10240x128xf32, #tpu.memory_space<hbm>>
      %dma_start3A_9 = arith.constant 0 : i32
      %dma_start3A_10 = tpu.memref_slice %dma_start3A_8[%mul3A_0, %dma_start3A_9] : memref<10240x128xf32, #tpu.memory_space<hbm>> -> memref<640x128xf32, #tpu.memory_space<hbm>>
      %dma_start3A_11 = arith.constant 0 : i32
      %dma_start3A_12 = tpu.memref_slice %arg7[%mul3A_0, %dma_start3A_11] : memref<10240x128xf32, #tpu.memory_space<vmem_shared>> -> memref<640x128xf32, #tpu.memory_space<vmem_shared>>
      tpu.enqueue_dma source(%dma_start3A_12 : memref<640x128xf32, #tpu.memory_space<vmem_shared>>) target(%dma_start3A_10 : memref<640x128xf32, #tpu.memory_space<hbm>>) target_semaphore(%run_scoped3A : memref<!tpu.dma_semaphore, #tpu.memory_space<semaphore_mem>>)
      %dma_wait3A = arith.constant 0 : i32
      %dma_wait3A_13 = arith.constant 0 : i32
      %dma_wait3A_14 = tpu.memref_slice %arg6[%arg0, %dma_wait3A, %dma_wait3A_13] : memref<2x10240x128xf32, #tpu.memory_space<hbm>> -> memref<1x10240x128xf32, #tpu.memory_space<hbm>>
      %dma_wait3A_15 = tpu.memref_squeeze %dma_wait3A_14 : memref<1x10240x128xf32, #tpu.memory_space<hbm>> -> memref<10240x128xf32, #tpu.memory_space<hbm>>
      %dma_wait3A_16 = arith.constant 0 : i32
      %dma_wait3A_17 = tpu.memref_slice %dma_wait3A_15[%mul3A_0, %dma_wait3A_16] : memref<10240x128xf32, #tpu.memory_space<hbm>> -> memref<640x128xf32, #tpu.memory_space<hbm>>
      %dma_wait3A_18 = arith.constant 0 : i32
      %dma_wait3A_19 = tpu.memref_slice %arg7[%mul3A_0, %dma_wait3A_18] : memref<10240x128xf32, #tpu.memory_space<vmem_shared>> -> memref<640x128xf32, #tpu.memory_space<vmem_shared>>
      tpu.wait_dma2 semaphore(%run_scoped3A : memref<!tpu.dma_semaphore, #tpu.memory_space<semaphore_mem>>) src(%dma_wait3A_19 : memref<640x128xf32, #tpu.memory_space<vmem_shared>>) dst(%dma_wait3A_17 : memref<640x128xf32, #tpu.memory_space<hbm>>)
      tpu.yield
    }) : () -> ()
    return
  }
}

module attributes {stable_mosaic.version = 14 : i64} {
  func.func @_v_init_body(%arg0: i32, %arg1: memref<1000x128xf32, #tpu.memory_space<vmem>>, %arg2: memref<128x128xf32, #tpu.memory_space<vmem>>, %arg3: memref<1x128xf32, #tpu.memory_space<vmem>>, %arg4: memref<128x128xf32, #tpu.memory_space<vmem>>, %arg5: memref<1x128xf32, #tpu.memory_space<vmem>>, %arg6: memref<128x128xf32, #tpu.memory_space<vmem>>, %arg7: memref<1x128xf32, #tpu.memory_space<vmem>>, %arg8: memref<128x128xf32, #tpu.memory_space<vmem>>, %arg9: memref<1x128xf32, #tpu.memory_space<vmem>>, %arg10: memref<2x1000x128xf32, #tpu.memory_space<vmem>>) attributes {dimension_semantics = [#tpu.dimension_semantics<arbitrary>], iteration_bounds = array<i64: 10>, scalar_prefetch = 0 : i64, scratch_operands = 0 : i64, tpu.core_type = #tpu.core_type<tc>, window_params = [{transform_indices = @transform_0, window_bounds = array<i64: 1000, 128>}, {pipeline_mode = #tpu.pipeline_mode<synchronous>, transform_indices = @transform_1, window_bounds = array<i64: 128, 128>}, {pipeline_mode = #tpu.pipeline_mode<synchronous>, transform_indices = @transform_2, window_bounds = array<i64: 1, 128>}, {pipeline_mode = #tpu.pipeline_mode<synchronous>, transform_indices = @transform_3, window_bounds = array<i64: 128, 128>}, {pipeline_mode = #tpu.pipeline_mode<synchronous>, transform_indices = @transform_4, window_bounds = array<i64: 1, 128>}, {pipeline_mode = #tpu.pipeline_mode<synchronous>, transform_indices = @transform_5, window_bounds = array<i64: 128, 128>}, {pipeline_mode = #tpu.pipeline_mode<synchronous>, transform_indices = @transform_6, window_bounds = array<i64: 1, 128>}, {pipeline_mode = #tpu.pipeline_mode<synchronous>, transform_indices = @transform_7, window_bounds = array<i64: 128, 128>}, {pipeline_mode = #tpu.pipeline_mode<synchronous>, transform_indices = @transform_8, window_bounds = array<i64: 1, 128>}, {transform_indices = @transform_9, window_bounds = array<i64: 2, 1000, 128>}]} {
    %get3A = arith.constant 0 : index
    %get3A_0 = arith.constant 0 : index
    %get3A_1 = vector.load %arg1[%get3A, %get3A_0] : memref<1000x128xf32, #tpu.memory_space<vmem>>, vector<1000x128xf32>
    %get3A_2 = arith.constant 0 : index
    %get3A_3 = arith.constant 0 : index
    %get3A_4 = vector.load %arg2[%get3A_2, %get3A_3] : memref<128x128xf32, #tpu.memory_space<vmem>>, vector<128x128xf32>
    %dot_general3A = arith.constant dense<0.000000e+00> : vector<1000x128xf32>
    %dot_general3A_5 = tpu.matmul %get3A_1, %get3A_4, %dot_general3A {dimension_numbers = #tpu.dot_dimension_numbers<[1], [0], [0], [1], [0, 0, 1, 1], [], []>, transpose_lhs_hint = false} : vector<1000x128xf32>, vector<128x128xf32>, vector<1000x128xf32> -> vector<1000x128xf32>
    %get3A_6 = arith.constant 0 : index
    %get3A_7 = arith.constant 0 : index
    %get3A_8 = vector.load %arg3[%get3A_6, %get3A_7] : memref<1x128xf32, #tpu.memory_space<vmem>>, vector<1x128xf32>
    %add3A = vector.broadcast %get3A_8 : vector<1x128xf32> to vector<1000x128xf32>
    %add3A_9 = arith.addf %dot_general3A_5, %add3A : vector<1000x128xf32>
    %ge3A = arith.constant 0.000000e+00 : f32
    %ge3A_10 = vector.broadcast %ge3A : f32 to vector<1000x128xf32>
    %ge3A_11 = arith.cmpf oge, %add3A_9, %ge3A_10 : vector<1000x128xf32>
    %mul3A = arith.constant 0.00999999977 : f32
    %mul3A_12 = vector.broadcast %mul3A : f32 to vector<1000x128xf32>
    %mul3A_13 = arith.mulf %mul3A_12, %add3A_9 : vector<1000x128xf32>
    %select_n3A = arith.select %ge3A_11, %add3A_9, %mul3A_13 : vector<1000x128xi1>, vector<1000x128xf32>
    %get3A_14 = arith.constant 0 : index
    %get3A_15 = arith.constant 0 : index
    %get3A_16 = vector.load %arg4[%get3A_14, %get3A_15] : memref<128x128xf32, #tpu.memory_space<vmem>>, vector<128x128xf32>
    %dot_general3A_17 = arith.constant dense<0.000000e+00> : vector<1000x128xf32>
    %dot_general3A_18 = tpu.matmul %select_n3A, %get3A_16, %dot_general3A_17 {dimension_numbers = #tpu.dot_dimension_numbers<[1], [0], [0], [1], [0, 0, 1, 1], [], []>, transpose_lhs_hint = false} : vector<1000x128xf32>, vector<128x128xf32>, vector<1000x128xf32> -> vector<1000x128xf32>
    %get3A_19 = arith.constant 0 : index
    %get3A_20 = arith.constant 0 : index
    %get3A_21 = vector.load %arg5[%get3A_19, %get3A_20] : memref<1x128xf32, #tpu.memory_space<vmem>>, vector<1x128xf32>
    %add3A_22 = vector.broadcast %get3A_21 : vector<1x128xf32> to vector<1000x128xf32>
    %add3A_23 = arith.addf %dot_general3A_18, %add3A_22 : vector<1000x128xf32>
    %swap3A = arith.constant 0 : index
    %swap3A_24 = arith.constant 0 : index
    %swap3A_25 = arith.constant 0 : index
    %swap3A_26 = vector.load %arg10[%swap3A, %swap3A_24, %swap3A_25] : memref<2x1000x128xf32, #tpu.memory_space<vmem>>, vector<1x1000x128xf32>
    %swap3A_27 = vector.shape_cast %swap3A_26 : vector<1x1000x128xf32> to vector<1000x128xf32>
    %swap3A_28 = vector.shape_cast %add3A_23 : vector<1000x128xf32> to vector<1x1000x128xf32>
    tpu.vector_store %arg10[%swap3A, %swap3A_24, %swap3A_25], %swap3A_28 {strides = array<i32>} : memref<2x1000x128xf32, #tpu.memory_space<vmem>>, vector<1x1000x128xf32>,
    %get3A_29 = arith.constant 0 : index
    %get3A_30 = arith.constant 0 : index
    %get3A_31 = vector.load %arg6[%get3A_29, %get3A_30] : memref<128x128xf32, #tpu.memory_space<vmem>>, vector<128x128xf32>
    %dot_general3A_32 = arith.constant dense<0.000000e+00> : vector<1000x128xf32>
    %dot_general3A_33 = tpu.matmul %get3A_1, %get3A_31, %dot_general3A_32 {dimension_numbers = #tpu.dot_dimension_numbers<[1], [0], [0], [1], [0, 0, 1, 1], [], []>, transpose_lhs_hint = false} : vector<1000x128xf32>, vector<128x128xf32>, vector<1000x128xf32> -> vector<1000x128xf32>
    %get3A_34 = arith.constant 0 : index
    %get3A_35 = arith.constant 0 : index
    %get3A_36 = vector.load %arg7[%get3A_34, %get3A_35] : memref<1x128xf32, #tpu.memory_space<vmem>>, vector<1x128xf32>
    %add3A_37 = vector.broadcast %get3A_36 : vector<1x128xf32> to vector<1000x128xf32>
    %add3A_38 = arith.addf %dot_general3A_33, %add3A_37 : vector<1000x128xf32>
    %ge3A_39 = arith.constant 0.000000e+00 : f32
    %ge3A_40 = vector.broadcast %ge3A_39 : f32 to vector<1000x128xf32>
    %ge3A_41 = arith.cmpf oge, %add3A_38, %ge3A_40 : vector<1000x128xf32>
    %mul3A_42 = arith.constant 0.00999999977 : f32
    %mul3A_43 = vector.broadcast %mul3A_42 : f32 to vector<1000x128xf32>
    %mul3A_44 = arith.mulf %mul3A_43, %add3A_38 : vector<1000x128xf32>
    %select_n3A_45 = arith.select %ge3A_41, %add3A_38, %mul3A_44 : vector<1000x128xi1>, vector<1000x128xf32>
    %get3A_46 = arith.constant 0 : index
    %get3A_47 = arith.constant 0 : index
    %get3A_48 = vector.load %arg8[%get3A_46, %get3A_47] : memref<128x128xf32, #tpu.memory_space<vmem>>, vector<128x128xf32>
    %dot_general3A_49 = arith.constant dense<0.000000e+00> : vector<1000x128xf32>
    %dot_general3A_50 = tpu.matmul %select_n3A_45, %get3A_48, %dot_general3A_49 {dimension_numbers = #tpu.dot_dimension_numbers<[1], [0], [0], [1], [0, 0, 1, 1], [], []>, transpose_lhs_hint = false} : vector<1000x128xf32>, vector<128x128xf32>, vector<1000x128xf32> -> vector<1000x128xf32>
    %get3A_51 = arith.constant 0 : index
    %get3A_52 = arith.constant 0 : index
    %get3A_53 = vector.load %arg9[%get3A_51, %get3A_52] : memref<1x128xf32, #tpu.memory_space<vmem>>, vector<1x128xf32>
    %add3A_54 = vector.broadcast %get3A_53 : vector<1x128xf32> to vector<1000x128xf32>
    %add3A_55 = arith.addf %dot_general3A_50, %add3A_54 : vector<1000x128xf32>
    %swap3A_56 = arith.constant 1 : index
    %swap3A_57 = arith.constant 0 : index
    %swap3A_58 = arith.constant 0 : index
    %swap3A_59 = vector.load %arg10[%swap3A_56, %swap3A_57, %swap3A_58] : memref<2x1000x128xf32, #tpu.memory_space<vmem>>, vector<1x1000x128xf32>
    %swap3A_60 = vector.shape_cast %swap3A_59 : vector<1x1000x128xf32> to vector<1000x128xf32>
    %swap3A_61 = vector.shape_cast %add3A_55 : vector<1000x128xf32> to vector<1x1000x128xf32>
    tpu.vector_store %arg10[%swap3A_56, %swap3A_57, %swap3A_58], %swap3A_61 {strides = array<i32>} : memref<2x1000x128xf32, #tpu.memory_space<vmem>>, vector<1x1000x128xf32>,
    return
  }
  func.func @transform_0(%arg0: i32) -> (i32, i32) {
    %c0_i32 = arith.constant 0 : i32
    %c0_i32_0 = arith.constant 0 : i32
    return %arg0, %c0_i32 : i32, i32
  }
  func.func @transform_1(%arg0: i32) -> (i32, i32) {
    %c0_i32 = arith.constant 0 : i32
    %c0_i32_0 = arith.constant 0 : i32
    %c0_i32_1 = arith.constant 0 : i32
    return %c0_i32, %c0_i32_0 : i32, i32
  }
  func.func @transform_2(%arg0: i32) -> (i32, i32) {
    %c0_i32 = arith.constant 0 : i32
    %c0_i32_0 = arith.constant 0 : i32
    %c0_i32_1 = arith.constant 0 : i32
    return %c0_i32, %c0_i32_0 : i32, i32
  }
  func.func @transform_3(%arg0: i32) -> (i32, i32) {
    %c0_i32 = arith.constant 0 : i32
    %c0_i32_0 = arith.constant 0 : i32
    %c0_i32_1 = arith.constant 0 : i32
    return %c0_i32, %c0_i32_0 : i32, i32
  }
  func.func @transform_4(%arg0: i32) -> (i32, i32) {
    %c0_i32 = arith.constant 0 : i32
    %c0_i32_0 = arith.constant 0 : i32
    %c0_i32_1 = arith.constant 0 : i32
    return %c0_i32, %c0_i32_0 : i32, i32
  }
  func.func @transform_5(%arg0: i32) -> (i32, i32) {
    %c0_i32 = arith.constant 0 : i32
    %c0_i32_0 = arith.constant 0 : i32
    %c0_i32_1 = arith.constant 0 : i32
    return %c0_i32, %c0_i32_0 : i32, i32
  }
  func.func @transform_6(%arg0: i32) -> (i32, i32) {
    %c0_i32 = arith.constant 0 : i32
    %c0_i32_0 = arith.constant 0 : i32
    %c0_i32_1 = arith.constant 0 : i32
    return %c0_i32, %c0_i32_0 : i32, i32
  }
  func.func @transform_7(%arg0: i32) -> (i32, i32) {
    %c0_i32 = arith.constant 0 : i32
    %c0_i32_0 = arith.constant 0 : i32
    %c0_i32_1 = arith.constant 0 : i32
    return %c0_i32, %c0_i32_0 : i32, i32
  }
  func.func @transform_8(%arg0: i32) -> (i32, i32) {
    %c0_i32 = arith.constant 0 : i32
    %c0_i32_0 = arith.constant 0 : i32
    %c0_i32_1 = arith.constant 0 : i32
    return %c0_i32, %c0_i32_0 : i32, i32
  }
  func.func @transform_9(%arg0: i32) -> (i32, i32, i32) {
    %c0_i32 = arith.constant 0 : i32
    %c0_i32_0 = arith.constant 0 : i32
    %c0_i32_1 = arith.constant 0 : i32
    return %c0_i32, %arg0, %c0_i32_0 : i32, i32, i32
  }
}

module attributes {stable_mosaic.version = 14 : i64} {
  func.func @_step_body(%arg0: i32, %arg1: memref<1000x128xf32, #tpu.memory_space<vmem>>, %arg2: memref<2x1000x128xf32, #tpu.memory_space<vmem>>, %arg3: memref<128x384xf32, #tpu.memory_space<vmem>>, %arg4: memref<1x384xf32, #tpu.memory_space<vmem>>, %arg5: memref<128x384xf32, #tpu.memory_space<vmem>>, %arg6: memref<1x384xf32, #tpu.memory_space<vmem>>, %arg7: memref<128x128xf32, #tpu.memory_space<vmem>>, %arg8: memref<1x128xf32, #tpu.memory_space<vmem>>, %arg9: memref<128x128xf32, #tpu.memory_space<vmem>>, %arg10: memref<1x128xf32, #tpu.memory_space<vmem>>, %arg11: memref<128x128xf32, #tpu.memory_space<vmem>>, %arg12: memref<1x128xf32, #tpu.memory_space<vmem>>, %arg13: memref<128x128xf32, #tpu.memory_space<vmem>>, %arg14: memref<1x128xf32, #tpu.memory_space<vmem>>, %arg15: memref<1000x128xf32, #tpu.memory_space<vmem>>, %arg16: memref<2x1000x128xf32, #tpu.memory_space<vmem>>) attributes {dimension_semantics = [#tpu.dimension_semantics<arbitrary>], iteration_bounds = array<i64: 10>, scalar_prefetch = 0 : i64, scratch_operands = 0 : i64, tpu.core_type = #tpu.core_type<tc>, window_params = [{transform_indices = @transform_0, window_bounds = array<i64: 1000, 128>}, {transform_indices = @transform_1, window_bounds = array<i64: 2, 1000, 128>}, {pipeline_mode = #tpu.pipeline_mode<synchronous>, transform_indices = @transform_2, window_bounds = array<i64: 128, 384>}, {pipeline_mode = #tpu.pipeline_mode<synchronous>, transform_indices = @transform_3, window_bounds = array<i64: 1, 384>}, {pipeline_mode = #tpu.pipeline_mode<synchronous>, transform_indices = @transform_4, window_bounds = array<i64: 128, 384>}, {pipeline_mode = #tpu.pipeline_mode<synchronous>, transform_indices = @transform_5, window_bounds = array<i64: 1, 384>}, {pipeline_mode = #tpu.pipeline_mode<synchronous>, transform_indices = @transform_6, window_bounds = array<i64: 128, 128>}, {pipeline_mode = #tpu.pipeline_mode<synchronous>, transform_indices = @transform_7, window_bounds = array<i64: 1, 128>}, {pipeline_mode = #tpu.pipeline_mode<synchronous>, transform_indices = @transform_8, window_bounds = array<i64: 128, 128>}, {pipeline_mode = #tpu.pipeline_mode<synchronous>, transform_indices = @transform_9, window_bounds = array<i64: 1, 128>}, {pipeline_mode = #tpu.pipeline_mode<synchronous>, transform_indices = @transform_10, window_bounds = array<i64: 128, 128>}, {pipeline_mode = #tpu.pipeline_mode<synchronous>, transform_indices = @transform_11, window_bounds = array<i64: 1, 128>}, {pipeline_mode = #tpu.pipeline_mode<synchronous>, transform_indices = @transform_12, window_bounds = array<i64: 128, 128>}, {pipeline_mode = #tpu.pipeline_mode<synchronous>, transform_indices = @transform_13, window_bounds = array<i64: 1, 128>}, {transform_indices = @transform_14, window_bounds = array<i64: 1000, 128>}, {transform_indices = @transform_15, window_bounds = array<i64: 2, 1000, 128>}]} {
    %get3A = arith.constant 0 : index
    %get3A_0 = arith.constant 0 : index
    %get3A_1 = vector.load %arg1[%get3A, %get3A_0] : memref<1000x128xf32, #tpu.memory_space<vmem>>, vector<1000x128xf32>
    %get3A_2 = arith.constant 0 : index
    %get3A_3 = arith.constant 0 : index
    %get3A_4 = arith.constant 0 : index
    %get3A_5 = vector.load %arg2[%get3A_2, %get3A_3, %get3A_4] : memref<2x1000x128xf32, #tpu.memory_space<vmem>>, vector<1x1000x128xf32>
    %get3A_6 = vector.shape_cast %get3A_5 : vector<1x1000x128xf32> to vector<1000x128xf32>
    %get3A_7 = arith.constant 1 : index
    %get3A_8 = arith.constant 0 : index
    %get3A_9 = arith.constant 0 : index
    %get3A_10 = vector.load %arg2[%get3A_7, %get3A_8, %get3A_9] : memref<2x1000x128xf32, #tpu.memory_space<vmem>>, vector<1x1000x128xf32>
    %get3A_11 = vector.shape_cast %get3A_10 : vector<1x1000x128xf32> to vector<1000x128xf32>
    %add3A = arith.addf %get3A_6, %get3A_11 : vector<1000x128xf32>
    %get3A_12 = arith.constant 0 : index
    %get3A_13 = arith.constant 0 : index
    %get3A_14 = vector.load %arg3[%get3A_12, %get3A_13] : memref<128x384xf32, #tpu.memory_space<vmem>>, vector<128x384xf32>
    %dot_general3A = arith.constant dense<0.000000e+00> : vector<1000x384xf32>
    %dot_general3A_15 = tpu.matmul %add3A, %get3A_14, %dot_general3A {dimension_numbers = #tpu.dot_dimension_numbers<[1], [0], [0], [1], [0, 0, 1, 1], [], []>, transpose_lhs_hint = false} : vector<1000x128xf32>, vector<128x384xf32>, vector<1000x384xf32> -> vector<1000x384xf32>
    %get3A_16 = arith.constant 0 : index
    %get3A_17 = arith.constant 0 : index
    %get3A_18 = vector.load %arg4[%get3A_16, %get3A_17] : memref<1x384xf32, #tpu.memory_space<vmem>>, vector<1x384xf32>
    %add3A_19 = vector.broadcast %get3A_18 : vector<1x384xf32> to vector<1000x384xf32>
    %add3A_20 = arith.addf %dot_general3A_15, %add3A_19 : vector<1000x384xf32>
    %get3A_21 = arith.constant 0 : index
    %get3A_22 = arith.constant 0 : index
    %get3A_23 = vector.load %arg5[%get3A_21, %get3A_22] : memref<128x384xf32, #tpu.memory_space<vmem>>, vector<128x384xf32>
    %dot_general3A_24 = arith.constant dense<0.000000e+00> : vector<1000x384xf32>
    %dot_general3A_25 = tpu.matmul %get3A_1, %get3A_23, %dot_general3A_24 {dimension_numbers = #tpu.dot_dimension_numbers<[1], [0], [0], [1], [0, 0, 1, 1], [], []>, transpose_lhs_hint = false} : vector<1000x128xf32>, vector<128x384xf32>, vector<1000x384xf32> -> vector<1000x384xf32>
    %get3A_26 = arith.constant 0 : index
    %get3A_27 = arith.constant 0 : index
    %get3A_28 = vector.load %arg6[%get3A_26, %get3A_27] : memref<1x384xf32, #tpu.memory_space<vmem>>, vector<1x384xf32>
    %add3A_29 = vector.broadcast %get3A_28 : vector<1x384xf32> to vector<1000x384xf32>
    %add3A_30 = arith.addf %dot_general3A_25, %add3A_29 : vector<1000x384xf32>
    %slice3A = vector.extract_strided_slice %add3A_20 {offsets = [0, 0], sizes = [1000, 128], strides = [1, 1]} : vector<1000x384xf32> to vector<1000x128xf32>
    %slice3A_31 = vector.extract_strided_slice %add3A_30 {offsets = [0, 0], sizes = [1000, 128], strides = [1, 1]} : vector<1000x384xf32> to vector<1000x128xf32>
    %add3A_32 = arith.addf %slice3A, %slice3A_31 : vector<1000x128xf32>
    %logistic3A = arith.negf %add3A_32 : vector<1000x128xf32>
    %logistic3A_33 = math.exp %logistic3A : vector<1000x128xf32>
    %logistic3A_34 = arith.constant 1.000000e+00 : f32
    %logistic3A_35 = vector.broadcast %logistic3A_34 : f32 to vector<1000x128xf32>
    %logistic3A_36 = arith.addf %logistic3A_35, %logistic3A_33 : vector<1000x128xf32>
    %logistic3A_37 = arith.divf %logistic3A_35, %logistic3A_36 : vector<1000x128xf32>
    %slice3A_38 = vector.extract_strided_slice %add3A_20 {offsets = [0, 128], sizes = [1000, 128], strides = [1, 1]} : vector<1000x384xf32> to vector<1000x128xf32>
    %slice3A_39 = vector.extract_strided_slice %add3A_30 {offsets = [0, 128], sizes = [1000, 128], strides = [1, 1]} : vector<1000x384xf32> to vector<1000x128xf32>
    %add3A_40 = arith.addf %slice3A_38, %slice3A_39 : vector<1000x128xf32>
    %logistic3A_41 = arith.negf %add3A_40 : vector<1000x128xf32>
    %logistic3A_42 = math.exp %logistic3A_41 : vector<1000x128xf32>
    %logistic3A_43 = arith.constant 1.000000e+00 : f32
    %logistic3A_44 = vector.broadcast %logistic3A_43 : f32 to vector<1000x128xf32>
    %logistic3A_45 = arith.addf %logistic3A_44, %logistic3A_42 : vector<1000x128xf32>
    %logistic3A_46 = arith.divf %logistic3A_44, %logistic3A_45 : vector<1000x128xf32>
    %slice3A_47 = vector.extract_strided_slice %add3A_20 {offsets = [0, 256], sizes = [1000, 128], strides = [1, 1]} : vector<1000x384xf32> to vector<1000x128xf32>
    %slice3A_48 = vector.extract_strided_slice %add3A_30 {offsets = [0, 256], sizes = [1000, 128], strides = [1, 1]} : vector<1000x384xf32> to vector<1000x128xf32>
    %mul3A = arith.mulf %logistic3A_37, %slice3A_48 : vector<1000x128xf32>
    %add3A_49 = arith.addf %slice3A_47, %mul3A : vector<1000x128xf32>
    %tanh3A = math.tanh %add3A_49 : vector<1000x128xf32>
    %sub3A = arith.constant 1.000000e+00 : f32
    %sub3A_50 = vector.broadcast %sub3A : f32 to vector<1000x128xf32>
    %sub3A_51 = arith.subf %sub3A_50, %logistic3A_46 : vector<1000x128xf32>
    %mul3A_52 = arith.mulf %sub3A_51, %tanh3A : vector<1000x128xf32>
    %mul3A_53 = arith.mulf %logistic3A_46, %get3A_1 : vector<1000x128xf32>
    %add3A_54 = arith.addf %mul3A_52, %mul3A_53 : vector<1000x128xf32>
    %swap3A = arith.constant 0 : index
    %swap3A_55 = arith.constant 0 : index
    %swap3A_56 = vector.load %arg15[%swap3A, %swap3A_55] : memref<1000x128xf32, #tpu.memory_space<vmem>>, vector<1000x128xf32>
    tpu.vector_store %arg15[%swap3A, %swap3A_55], %add3A_54 {strides = array<i32>} : memref<1000x128xf32, #tpu.memory_space<vmem>>, vector<1000x128xf32>,
    %get3A_57 = arith.constant 0 : index
    %get3A_58 = arith.constant 0 : index
    %get3A_59 = vector.load %arg7[%get3A_57, %get3A_58] : memref<128x128xf32, #tpu.memory_space<vmem>>, vector<128x128xf32>
    %dot_general3A_60 = arith.constant dense<0.000000e+00> : vector<1000x128xf32>
    %dot_general3A_61 = tpu.matmul %add3A_54, %get3A_59, %dot_general3A_60 {dimension_numbers = #tpu.dot_dimension_numbers<[1], [0], [0], [1], [0, 0, 1, 1], [], []>, transpose_lhs_hint = false} : vector<1000x128xf32>, vector<128x128xf32>, vector<1000x128xf32> -> vector<1000x128xf32>
    %get3A_62 = arith.constant 0 : index
    %get3A_63 = arith.constant 0 : index
    %get3A_64 = vector.load %arg8[%get3A_62, %get3A_63] : memref<1x128xf32, #tpu.memory_space<vmem>>, vector<1x128xf32>
    %add3A_65 = vector.broadcast %get3A_64 : vector<1x128xf32> to vector<1000x128xf32>
    %add3A_66 = arith.addf %dot_general3A_61, %add3A_65 : vector<1000x128xf32>
    %ge3A = arith.constant 0.000000e+00 : f32
    %ge3A_67 = vector.broadcast %ge3A : f32 to vector<1000x128xf32>
    %ge3A_68 = arith.cmpf oge, %add3A_66, %ge3A_67 : vector<1000x128xf32>
    %mul3A_69 = arith.constant 0.00999999977 : f32
    %mul3A_70 = vector.broadcast %mul3A_69 : f32 to vector<1000x128xf32>
    %mul3A_71 = arith.mulf %mul3A_70, %add3A_66 : vector<1000x128xf32>
    %select_n3A = arith.select %ge3A_68, %add3A_66, %mul3A_71 : vector<1000x128xi1>, vector<1000x128xf32>
    %get3A_72 = arith.constant 0 : index
    %get3A_73 = arith.constant 0 : index
    %get3A_74 = vector.load %arg9[%get3A_72, %get3A_73] : memref<128x128xf32, #tpu.memory_space<vmem>>, vector<128x128xf32>
    %dot_general3A_75 = arith.constant dense<0.000000e+00> : vector<1000x128xf32>
    %dot_general3A_76 = tpu.matmul %select_n3A, %get3A_74, %dot_general3A_75 {dimension_numbers = #tpu.dot_dimension_numbers<[1], [0], [0], [1], [0, 0, 1, 1], [], []>, transpose_lhs_hint = false} : vector<1000x128xf32>, vector<128x128xf32>, vector<1000x128xf32> -> vector<1000x128xf32>
    %get3A_77 = arith.constant 0 : index
    %get3A_78 = arith.constant 0 : index
    %get3A_79 = vector.load %arg10[%get3A_77, %get3A_78] : memref<1x128xf32, #tpu.memory_space<vmem>>, vector<1x128xf32>
    %add3A_80 = vector.broadcast %get3A_79 : vector<1x128xf32> to vector<1000x128xf32>
    %add3A_81 = arith.addf %dot_general3A_76, %add3A_80 : vector<1000x128xf32>
    %swap3A_82 = arith.constant 0 : index
    %swap3A_83 = arith.constant 0 : index
    %swap3A_84 = arith.constant 0 : index
    %swap3A_85 = vector.load %arg16[%swap3A_82, %swap3A_83, %swap3A_84] : memref<2x1000x128xf32, #tpu.memory_space<vmem>>, vector<1x1000x128xf32>
    %swap3A_86 = vector.shape_cast %swap3A_85 : vector<1x1000x128xf32> to vector<1000x128xf32>
    %swap3A_87 = vector.shape_cast %add3A_81 : vector<1000x128xf32> to vector<1x1000x128xf32>
    tpu.vector_store %arg16[%swap3A_82, %swap3A_83, %swap3A_84], %swap3A_87 {strides = array<i32>} : memref<2x1000x128xf32, #tpu.memory_space<vmem>>, vector<1x1000x128xf32>,
    %get3A_88 = arith.constant 0 : index
    %get3A_89 = arith.constant 0 : index
    %get3A_90 = vector.load %arg11[%get3A_88, %get3A_89] : memref<128x128xf32, #tpu.memory_space<vmem>>, vector<128x128xf32>
    %dot_general3A_91 = arith.constant dense<0.000000e+00> : vector<1000x128xf32>
    %dot_general3A_92 = tpu.matmul %add3A_54, %get3A_90, %dot_general3A_91 {dimension_numbers = #tpu.dot_dimension_numbers<[1], [0], [0], [1], [0, 0, 1, 1], [], []>, transpose_lhs_hint = false} : vector<1000x128xf32>, vector<128x128xf32>, vector<1000x128xf32> -> vector<1000x128xf32>
    %get3A_93 = arith.constant 0 : index
    %get3A_94 = arith.constant 0 : index
    %get3A_95 = vector.load %arg12[%get3A_93, %get3A_94] : memref<1x128xf32, #tpu.memory_space<vmem>>, vector<1x128xf32>
    %add3A_96 = vector.broadcast %get3A_95 : vector<1x128xf32> to vector<1000x128xf32>
    %add3A_97 = arith.addf %dot_general3A_92, %add3A_96 : vector<1000x128xf32>
    %ge3A_98 = arith.constant 0.000000e+00 : f32
    %ge3A_99 = vector.broadcast %ge3A_98 : f32 to vector<1000x128xf32>
    %ge3A_100 = arith.cmpf oge, %add3A_97, %ge3A_99 : vector<1000x128xf32>
    %mul3A_101 = arith.constant 0.00999999977 : f32
    %mul3A_102 = vector.broadcast %mul3A_101 : f32 to vector<1000x128xf32>
    %mul3A_103 = arith.mulf %mul3A_102, %add3A_97 : vector<1000x128xf32>
    %select_n3A_104 = arith.select %ge3A_100, %add3A_97, %mul3A_103 : vector<1000x128xi1>, vector<1000x128xf32>
    %get3A_105 = arith.constant 0 : index
    %get3A_106 = arith.constant 0 : index
    %get3A_107 = vector.load %arg13[%get3A_105, %get3A_106] : memref<128x128xf32, #tpu.memory_space<vmem>>, vector<128x128xf32>
    %dot_general3A_108 = arith.constant dense<0.000000e+00> : vector<1000x128xf32>
    %dot_general3A_109 = tpu.matmul %select_n3A_104, %get3A_107, %dot_general3A_108 {dimension_numbers = #tpu.dot_dimension_numbers<[1], [0], [0], [1], [0, 0, 1, 1], [], []>, transpose_lhs_hint = false} : vector<1000x128xf32>, vector<128x128xf32>, vector<1000x128xf32> -> vector<1000x128xf32>
    %get3A_110 = arith.constant 0 : index
    %get3A_111 = arith.constant 0 : index
    %get3A_112 = vector.load %arg14[%get3A_110, %get3A_111] : memref<1x128xf32, #tpu.memory_space<vmem>>, vector<1x128xf32>
    %add3A_113 = vector.broadcast %get3A_112 : vector<1x128xf32> to vector<1000x128xf32>
    %add3A_114 = arith.addf %dot_general3A_109, %add3A_113 : vector<1000x128xf32>
    %swap3A_115 = arith.constant 1 : index
    %swap3A_116 = arith.constant 0 : index
    %swap3A_117 = arith.constant 0 : index
    %swap3A_118 = vector.load %arg16[%swap3A_115, %swap3A_116, %swap3A_117] : memref<2x1000x128xf32, #tpu.memory_space<vmem>>, vector<1x1000x128xf32>
    %swap3A_119 = vector.shape_cast %swap3A_118 : vector<1x1000x128xf32> to vector<1000x128xf32>
    %swap3A_120 = vector.shape_cast %add3A_114 : vector<1000x128xf32> to vector<1x1000x128xf32>
    tpu.vector_store %arg16[%swap3A_115, %swap3A_116, %swap3A_117], %swap3A_120 {strides = array<i32>} : memref<2x1000x128xf32, #tpu.memory_space<vmem>>, vector<1x1000x128xf32>,
    return
  }
  func.func @transform_0(%arg0: i32) -> (i32, i32) {
    %c0_i32 = arith.constant 0 : i32
    %c0_i32_0 = arith.constant 0 : i32
    return %arg0, %c0_i32 : i32, i32
  }
  func.func @transform_1(%arg0: i32) -> (i32, i32, i32) {
    %c0_i32 = arith.constant 0 : i32
    %c0_i32_0 = arith.constant 0 : i32
    %c0_i32_1 = arith.constant 0 : i32
    return %c0_i32, %arg0, %c0_i32_0 : i32, i32, i32
  }
  func.func @transform_2(%arg0: i32) -> (i32, i32) {
    %c0_i32 = arith.constant 0 : i32
    %c0_i32_0 = arith.constant 0 : i32
    %c0_i32_1 = arith.constant 0 : i32
    return %c0_i32, %c0_i32_0 : i32, i32
  }
  func.func @transform_3(%arg0: i32) -> (i32, i32) {
    %c0_i32 = arith.constant 0 : i32
    %c0_i32_0 = arith.constant 0 : i32
    %c0_i32_1 = arith.constant 0 : i32
    return %c0_i32, %c0_i32_0 : i32, i32
  }
  func.func @transform_4(%arg0: i32) -> (i32, i32) {
    %c0_i32 = arith.constant 0 : i32
    %c0_i32_0 = arith.constant 0 : i32
    %c0_i32_1 = arith.constant 0 : i32
    return %c0_i32, %c0_i32_0 : i32, i32
  }
  func.func @transform_5(%arg0: i32) -> (i32, i32) {
    %c0_i32 = arith.constant 0 : i32
    %c0_i32_0 = arith.constant 0 : i32
    %c0_i32_1 = arith.constant 0 : i32
    return %c0_i32, %c0_i32_0 : i32, i32
  }
  func.func @transform_6(%arg0: i32) -> (i32, i32) {
    %c0_i32 = arith.constant 0 : i32
    %c0_i32_0 = arith.constant 0 : i32
    %c0_i32_1 = arith.constant 0 : i32
    return %c0_i32, %c0_i32_0 : i32, i32
  }
  func.func @transform_7(%arg0: i32) -> (i32, i32) {
    %c0_i32 = arith.constant 0 : i32
    %c0_i32_0 = arith.constant 0 : i32
    %c0_i32_1 = arith.constant 0 : i32
    return %c0_i32, %c0_i32_0 : i32, i32
  }
  func.func @transform_8(%arg0: i32) -> (i32, i32) {
    %c0_i32 = arith.constant 0 : i32
    %c0_i32_0 = arith.constant 0 : i32
    %c0_i32_1 = arith.constant 0 : i32
    return %c0_i32, %c0_i32_0 : i32, i32
  }
  func.func @transform_9(%arg0: i32) -> (i32, i32) {
    %c0_i32 = arith.constant 0 : i32
    %c0_i32_0 = arith.constant 0 : i32
    %c0_i32_1 = arith.constant 0 : i32
    return %c0_i32, %c0_i32_0 : i32, i32
  }
  func.func @transform_10(%arg0: i32) -> (i32, i32) {
    %c0_i32 = arith.constant 0 : i32
    %c0_i32_0 = arith.constant 0 : i32
    %c0_i32_1 = arith.constant 0 : i32
    return %c0_i32, %c0_i32_0 : i32, i32
  }
  func.func @transform_11(%arg0: i32) -> (i32, i32) {
    %c0_i32 = arith.constant 0 : i32
    %c0_i32_0 = arith.constant 0 : i32
    %c0_i32_1 = arith.constant 0 : i32
    return %c0_i32, %c0_i32_0 : i32, i32
  }
  func.func @transform_12(%arg0: i32) -> (i32, i32) {
    %c0_i32 = arith.constant 0 : i32
    %c0_i32_0 = arith.constant 0 : i32
    %c0_i32_1 = arith.constant 0 : i32
    return %c0_i32, %c0_i32_0 : i32, i32
  }
  func.func @transform_13(%arg0: i32) -> (i32, i32) {
    %c0_i32 = arith.constant 0 : i32
    %c0_i32_0 = arith.constant 0 : i32
    %c0_i32_1 = arith.constant 0 : i32
    return %c0_i32, %c0_i32_0 : i32, i32
  }
  func.func @transform_14(%arg0: i32) -> (i32, i32) {
    %c0_i32 = arith.constant 0 : i32
    %c0_i32_0 = arith.constant 0 : i32
    return %arg0, %c0_i32 : i32, i32
  }
  func.func @transform_15(%arg0: i32) -> (i32, i32, i32) {
    %c0_i32 = arith.constant 0 : i32
    %c0_i32_0 = arith.constant 0 : i32
    %c0_i32_1 = arith.constant 0 : i32
    return %c0_i32, %arg0, %c0_i32_0 : i32, i32, i32
  }
}

module attributes {stable_mosaic.version = 14 : i64} {
  func.func @_last_body(%arg0: i32, %arg1: memref<1000x128xf32, #tpu.memory_space<vmem>>, %arg2: memref<2x1000x128xf32, #tpu.memory_space<vmem>>, %arg3: memref<128x384xf32, #tpu.memory_space<vmem>>, %arg4: memref<1x384xf32, #tpu.memory_space<vmem>>, %arg5: memref<128x384xf32, #tpu.memory_space<vmem>>, %arg6: memref<1x384xf32, #tpu.memory_space<vmem>>, %arg7: memref<1x1xf32, #tpu.memory_space<vmem>>, %arg8: memref<128x80xf32, #tpu.memory_space<vmem>>, %arg9: memref<1x80xf32, #tpu.memory_space<vmem>>, %arg10: memref<1x80xf32, #tpu.memory_space<vmem>>, %arg11: memref<80x80xf32, #tpu.memory_space<vmem>>, %arg12: memref<1x80xf32, #tpu.memory_space<vmem>>, %arg13: memref<80x2xf32, #tpu.memory_space<vmem>>, %arg14: memref<1x2xf32, #tpu.memory_space<vmem>>, %arg15: memref<1x2xf32, #tpu.memory_space<vmem>>, %arg16: memref<1x128xf32, #tpu.memory_space<vmem>>) attributes {dimension_semantics = [#tpu.dimension_semantics<arbitrary>], iteration_bounds = array<i64: 10>, scalar_prefetch = 0 : i64, scratch_operands = 1 : i64, tpu.core_type = #tpu.core_type<tc>, window_params = [{transform_indices = @transform_0, window_bounds = array<i64: 1000, 128>}, {transform_indices = @transform_1, window_bounds = array<i64: 2, 1000, 128>}, {pipeline_mode = #tpu.pipeline_mode<synchronous>, transform_indices = @transform_2, window_bounds = array<i64: 128, 384>}, {pipeline_mode = #tpu.pipeline_mode<synchronous>, transform_indices = @transform_3, window_bounds = array<i64: 1, 384>}, {pipeline_mode = #tpu.pipeline_mode<synchronous>, transform_indices = @transform_4, window_bounds = array<i64: 128, 384>}, {pipeline_mode = #tpu.pipeline_mode<synchronous>, transform_indices = @transform_5, window_bounds = array<i64: 1, 384>}, {pipeline_mode = #tpu.pipeline_mode<synchronous>, transform_indices = @transform_6, window_bounds = array<i64: 1, 1>}, {pipeline_mode = #tpu.pipeline_mode<synchronous>, transform_indices = @transform_7, window_bounds = array<i64: 128, 80>}, {pipeline_mode = #tpu.pipeline_mode<synchronous>, transform_indices = @transform_8, window_bounds = array<i64: 1, 80>}, {pipeline_mode = #tpu.pipeline_mode<synchronous>, transform_indices = @transform_9, window_bounds = array<i64: 1, 80>}, {pipeline_mode = #tpu.pipeline_mode<synchronous>, transform_indices = @transform_10, window_bounds = array<i64: 80, 80>}, {pipeline_mode = #tpu.pipeline_mode<synchronous>, transform_indices = @transform_11, window_bounds = array<i64: 1, 80>}, {pipeline_mode = #tpu.pipeline_mode<synchronous>, transform_indices = @transform_12, window_bounds = array<i64: 80, 2>}, {pipeline_mode = #tpu.pipeline_mode<synchronous>, transform_indices = @transform_13, window_bounds = array<i64: 1, 2>}, {pipeline_mode = #tpu.pipeline_mode<synchronous>, transform_indices = @transform_14, window_bounds = array<i64: 1, 2>}]} {
    %get3A = arith.constant 0 : index
    %get3A_0 = arith.constant 0 : index
    %get3A_1 = vector.load %arg1[%get3A, %get3A_0] : memref<1000x128xf32, #tpu.memory_space<vmem>>, vector<1000x128xf32>
    %get3A_2 = arith.constant 0 : index
    %get3A_3 = arith.constant 0 : index
    %get3A_4 = arith.constant 0 : index
    %get3A_5 = vector.load %arg2[%get3A_2, %get3A_3, %get3A_4] : memref<2x1000x128xf32, #tpu.memory_space<vmem>>, vector<1x1000x128xf32>
    %get3A_6 = vector.shape_cast %get3A_5 : vector<1x1000x128xf32> to vector<1000x128xf32>
    %get3A_7 = arith.constant 1 : index
    %get3A_8 = arith.constant 0 : index
    %get3A_9 = arith.constant 0 : index
    %get3A_10 = vector.load %arg2[%get3A_7, %get3A_8, %get3A_9] : memref<2x1000x128xf32, #tpu.memory_space<vmem>>, vector<1x1000x128xf32>
    %get3A_11 = vector.shape_cast %get3A_10 : vector<1x1000x128xf32> to vector<1000x128xf32>
    %add3A = arith.addf %get3A_6, %get3A_11 : vector<1000x128xf32>
    %get3A_12 = arith.constant 0 : index
    %get3A_13 = arith.constant 0 : index
    %get3A_14 = vector.load %arg3[%get3A_12, %get3A_13] : memref<128x384xf32, #tpu.memory_space<vmem>>, vector<128x384xf32>
    %dot_general3A = arith.constant dense<0.000000e+00> : vector<1000x384xf32>
    %dot_general3A_15 = tpu.matmul %add3A, %get3A_14, %dot_general3A {dimension_numbers = #tpu.dot_dimension_numbers<[1], [0], [0], [1], [0, 0, 1, 1], [], []>, transpose_lhs_hint = false} : vector<1000x128xf32>, vector<128x384xf32>, vector<1000x384xf32> -> vector<1000x384xf32>
    %get3A_16 = arith.constant 0 : index
    %get3A_17 = arith.constant 0 : index
    %get3A_18 = vector.load %arg4[%get3A_16, %get3A_17] : memref<1x384xf32, #tpu.memory_space<vmem>>, vector<1x384xf32>
    %add3A_19 = vector.broadcast %get3A_18 : vector<1x384xf32> to vector<1000x384xf32>
    %add3A_20 = arith.addf %dot_general3A_15, %add3A_19 : vector<1000x384xf32>
    %get3A_21 = arith.constant 0 : index
    %get3A_22 = arith.constant 0 : index
    %get3A_23 = vector.load %arg5[%get3A_21, %get3A_22] : memref<128x384xf32, #tpu.memory_space<vmem>>, vector<128x384xf32>
    %dot_general3A_24 = arith.constant dense<0.000000e+00> : vector<1000x384xf32>
    %dot_general3A_25 = tpu.matmul %get3A_1, %get3A_23, %dot_general3A_24 {dimension_numbers = #tpu.dot_dimension_numbers<[1], [0], [0], [1], [0, 0, 1, 1], [], []>, transpose_lhs_hint = false} : vector<1000x128xf32>, vector<128x384xf32>, vector<1000x384xf32> -> vector<1000x384xf32>
    %get3A_26 = arith.constant 0 : index
    %get3A_27 = arith.constant 0 : index
    %get3A_28 = vector.load %arg6[%get3A_26, %get3A_27] : memref<1x384xf32, #tpu.memory_space<vmem>>, vector<1x384xf32>
    %add3A_29 = vector.broadcast %get3A_28 : vector<1x384xf32> to vector<1000x384xf32>
    %add3A_30 = arith.addf %dot_general3A_25, %add3A_29 : vector<1000x384xf32>
    %slice3A = vector.extract_strided_slice %add3A_20 {offsets = [0, 0], sizes = [1000, 128], strides = [1, 1]} : vector<1000x384xf32> to vector<1000x128xf32>
    %slice3A_31 = vector.extract_strided_slice %add3A_30 {offsets = [0, 0], sizes = [1000, 128], strides = [1, 1]} : vector<1000x384xf32> to vector<1000x128xf32>
    %add3A_32 = arith.addf %slice3A, %slice3A_31 : vector<1000x128xf32>
    %logistic3A = arith.negf %add3A_32 : vector<1000x128xf32>
    %logistic3A_33 = math.exp %logistic3A : vector<1000x128xf32>
    %logistic3A_34 = arith.constant 1.000000e+00 : f32
    %logistic3A_35 = vector.broadcast %logistic3A_34 : f32 to vector<1000x128xf32>
    %logistic3A_36 = arith.addf %logistic3A_35, %logistic3A_33 : vector<1000x128xf32>
    %logistic3A_37 = arith.divf %logistic3A_35, %logistic3A_36 : vector<1000x128xf32>
    %slice3A_38 = vector.extract_strided_slice %add3A_20 {offsets = [0, 128], sizes = [1000, 128], strides = [1, 1]} : vector<1000x384xf32> to vector<1000x128xf32>
    %slice3A_39 = vector.extract_strided_slice %add3A_30 {offsets = [0, 128], sizes = [1000, 128], strides = [1, 1]} : vector<1000x384xf32> to vector<1000x128xf32>
    %add3A_40 = arith.addf %slice3A_38, %slice3A_39 : vector<1000x128xf32>
    %logistic3A_41 = arith.negf %add3A_40 : vector<1000x128xf32>
    %logistic3A_42 = math.exp %logistic3A_41 : vector<1000x128xf32>
    %logistic3A_43 = arith.constant 1.000000e+00 : f32
    %logistic3A_44 = vector.broadcast %logistic3A_43 : f32 to vector<1000x128xf32>
    %logistic3A_45 = arith.addf %logistic3A_44, %logistic3A_42 : vector<1000x128xf32>
    %logistic3A_46 = arith.divf %logistic3A_44, %logistic3A_45 : vector<1000x128xf32>
    %slice3A_47 = vector.extract_strided_slice %add3A_20 {offsets = [0, 256], sizes = [1000, 128], strides = [1, 1]} : vector<1000x384xf32> to vector<1000x128xf32>
    %slice3A_48 = vector.extract_strided_slice %add3A_30 {offsets = [0, 256], sizes = [1000, 128], strides = [1, 1]} : vector<1000x384xf32> to vector<1000x128xf32>
    %mul3A = arith.mulf %logistic3A_37, %slice3A_48 : vector<1000x128xf32>
    %add3A_49 = arith.addf %slice3A_47, %mul3A : vector<1000x128xf32>
    %tanh3A = math.tanh %add3A_49 : vector<1000x128xf32>
    %sub3A = arith.constant 1.000000e+00 : f32
    %sub3A_50 = vector.broadcast %sub3A : f32 to vector<1000x128xf32>
    %sub3A_51 = arith.subf %sub3A_50, %logistic3A_46 : vector<1000x128xf32>
    %mul3A_52 = arith.mulf %sub3A_51, %tanh3A : vector<1000x128xf32>
    %mul3A_53 = arith.mulf %logistic3A_46, %get3A_1 : vector<1000x128xf32>
    %add3A_54 = arith.addf %mul3A_52, %mul3A_53 : vector<1000x128xf32>
    %reduce_sum3A = arith.constant dense<0.000000e+00> : vector<128xf32>
    %reduce_sum3A_55 = vector.multi_reduction <add>, %add3A_54, %reduce_sum3A [0] : vector<1000x128xf32> to vector<128xf32>
    %broadcast_in_dim3A = vector.shape_cast %reduce_sum3A_55 : vector<128xf32> to vector<1x128xf32>
    %eq3A = arith.constant 0 : i32
    %eq3A_56 = arith.cmpi eq, %arg0, %eq3A : i32
    %convert_element_type3A = arith.extui %eq3A_56 : i1 to i32
    %cond3A = arith.constant 0 : i32
    %cond3A_57 = arith.cmpi ne, %convert_element_type3A, %cond3A : i32
    scf.if %cond3A_57 {
      %swap3A = arith.constant 0 : index
      %swap3A_67 = arith.constant 0 : index
      %swap3A_68 = vector.load %arg16[%swap3A, %swap3A_67] : memref<1x128xf32, #tpu.memory_space<vmem>>, vector<1x128xf32>
      tpu.vector_store %arg16[%swap3A, %swap3A_67], %broadcast_in_dim3A {strides = array<i32>} : memref<1x128xf32, #tpu.memory_space<vmem>>, vector<1x128xf32>,
    } else {
    }
    %gt3A = arith.constant 0 : i32
    %gt3A_58 = arith.cmpi sgt, %arg0, %gt3A : i32
    %convert_element_type3A_59 = arith.extui %gt3A_58 : i1 to i32
    %cond3A_60 = arith.constant 0 : i32
    %cond3A_61 = arith.cmpi ne, %convert_element_type3A_59, %cond3A_60 : i32
    scf.if %cond3A_61 {
      %get3A_67 = arith.constant 0 : index
      %get3A_68 = arith.constant 0 : index
      %get3A_69 = vector.load %arg16[%get3A_67, %get3A_68] : memref<1x128xf32, #tpu.memory_space<vmem>>, vector<1x128xf32>
      %add3A_70 = arith.addf %get3A_69, %broadcast_in_dim3A : vector<1x128xf32>
      %swap3A = arith.constant 0 : index
      %swap3A_71 = arith.constant 0 : index
      %swap3A_72 = vector.load %arg16[%swap3A, %swap3A_71] : memref<1x128xf32, #tpu.memory_space<vmem>>, vector<1x128xf32>
      tpu.vector_store %arg16[%swap3A, %swap3A_71], %add3A_70 {strides = array<i32>} : memref<1x128xf32, #tpu.memory_space<vmem>>, vector<1x128xf32>,
    } else {
    }
    %eq3A_62 = arith.constant 9 : i32
    %eq3A_63 = arith.cmpi eq, %arg0, %eq3A_62 : i32
    %convert_element_type3A_64 = arith.extui %eq3A_63 : i1 to i32
    %cond3A_65 = arith.constant 0 : i32
    %cond3A_66 = arith.cmpi ne, %convert_element_type3A_64, %cond3A_65 : i32
    scf.if %cond3A_66 {
      %get3A_67 = arith.constant 0 : index
      %get3A_68 = arith.constant 0 : index
      %get3A_69 = vector.load %arg16[%get3A_67, %get3A_68] : memref<1x128xf32, #tpu.memory_space<vmem>>, vector<1x128xf32>
      %log3A = math.log %get3A_69 : vector<1x128xf32>
      %ne3A = arith.cmpf one, %log3A, %log3A : vector<1x128xf32>
      %jit3A = arith.constant 0.000000e+00 : f32
      %broadcast_in_dim3A_70 = vector.broadcast %jit3A : f32 to vector<1x128xf32>
      %select_n3A = arith.select %ne3A, %broadcast_in_dim3A_70, %log3A : vector<1x128xi1>, vector<1x128xf32>
      %max3A = arith.constant 0.000000e+00 : f32
      %max3A_71 = vector.broadcast %max3A : f32 to vector<1x128xf32>
      %max3A_72 = arith.maximumf %select_n3A, %max3A_71 : vector<1x128xf32>
      %abs3A = math.absf %max3A_72 : vector<1x128xf32>
      %eq3A_73 = arith.constant 0x7F800000 : f32
      %eq3A_74 = vector.broadcast %eq3A_73 : f32 to vector<1x128xf32>
      %eq3A_75 = arith.cmpf oeq, %abs3A, %eq3A_74 : vector<1x128xf32>
      %jit3A_76 = arith.constant 0xFF800000 : f32
      %broadcast_in_dim3A_77 = vector.broadcast %jit3A_76 : f32 to vector<1x128xf32>
      %select_n3A_78 = arith.select %eq3A_75, %broadcast_in_dim3A_77, %max3A_72 : vector<1x128xi1>, vector<1x128xf32>
      %reduce_max3A = vector.shape_cast %select_n3A_78 : vector<1x128xf32> to vector<1x1x128xf32>
      %reduce_max3A_79 = arith.constant dense<0xFF800000> : vector<1xf32>
      %reduce_max3A_80 = vector.multi_reduction <maximumf>, %reduce_max3A, %reduce_max3A_79 [1, 2] : vector<1x1x128xf32> to vector<1xf32>
      %reduce_max3A_81 = vector.shape_cast %reduce_max3A_80 : vector<1xf32> to vector<1x1x1xf32>
      %reduce_max3A_82 = vector.extract %reduce_max3A_81[0, 0, 0] : f32 from vector<1x1x1xf32>
      %broadcast_in_dim3A_83 = vector.broadcast %reduce_max3A_82 : f32 to vector<1x128xf32>
      %select_n3A_84 = arith.select %eq3A_75, %broadcast_in_dim3A_83, %max3A_72 : vector<1x128xi1>, vector<1x128xf32>
      %get3A_85 = arith.constant 0 : index
      %get3A_86 = arith.constant 0 : index
      %get3A_87 = vector.load %arg8[%get3A_85, %get3A_86] : memref<128x80xf32, #tpu.memory_space<vmem>>, vector<128x80xf32>
      %dot_general3A_88 = arith.constant dense<0.000000e+00> : vector<1x80xf32>
      %dot_general3A_89 = tpu.matmul %select_n3A_84, %get3A_87, %dot_general3A_88 {dimension_numbers = #tpu.dot_dimension_numbers<[1], [0], [0], [1], [0, 0, 1, 1], [], []>, transpose_lhs_hint = false} : vector<1x128xf32>, vector<128x80xf32>, vector<1x80xf32> -> vector<1x80xf32>
      %get3A_90 = arith.constant 0 : index
      %get3A_91 = arith.constant 0 : index
      %get3A_92 = vector.load %arg7[%get3A_90, %get3A_91] : memref<1x1xf32, #tpu.memory_space<vmem>>, vector<1x1xf32>
      %get3A_93 = arith.constant 0 : index
      %get3A_94 = arith.constant 0 : index
      %get3A_95 = vector.load %arg9[%get3A_93, %get3A_94] : memref<1x80xf32, #tpu.memory_space<vmem>>, vector<1x80xf32>
      %mul3A_96 = vector.broadcast %get3A_92 : vector<1x1xf32> to vector<1x80xf32>
      %mul3A_97 = arith.mulf %mul3A_96, %get3A_95 : vector<1x80xf32>
      %add3A_98 = arith.addf %dot_general3A_89, %mul3A_97 : vector<1x80xf32>
      %get3A_99 = arith.constant 0 : index
      %get3A_100 = arith.constant 0 : index
      %get3A_101 = vector.load %arg10[%get3A_99, %get3A_100] : memref<1x80xf32, #tpu.memory_space<vmem>>, vector<1x80xf32>
      %add3A_102 = arith.addf %add3A_98, %get3A_101 : vector<1x80xf32>
      %ge3A = arith.constant 0.000000e+00 : f32
      %ge3A_103 = vector.broadcast %ge3A : f32 to vector<1x80xf32>
      %ge3A_104 = arith.cmpf oge, %add3A_102, %ge3A_103 : vector<1x80xf32>
      %mul3A_105 = arith.constant 0.00999999977 : f32
      %mul3A_106 = vector.broadcast %mul3A_105 : f32 to vector<1x80xf32>
      %mul3A_107 = arith.mulf %mul3A_106, %add3A_102 : vector<1x80xf32>
      %select_n3A_108 = arith.select %ge3A_104, %add3A_102, %mul3A_107 : vector<1x80xi1>, vector<1x80xf32>
      %get3A_109 = arith.constant 0 : index
      %get3A_110 = arith.constant 0 : index
      %get3A_111 = vector.load %arg11[%get3A_109, %get3A_110] : memref<80x80xf32, #tpu.memory_space<vmem>>, vector<80x80xf32>
      %dot_general3A_112 = arith.constant dense<0.000000e+00> : vector<1x80xf32>
      %dot_general3A_113 = tpu.matmul %select_n3A_108, %get3A_111, %dot_general3A_112 {dimension_numbers = #tpu.dot_dimension_numbers<[1], [0], [0], [1], [0, 0, 1, 1], [], []>, transpose_lhs_hint = false} : vector<1x80xf32>, vector<80x80xf32>, vector<1x80xf32> -> vector<1x80xf32>
      %get3A_114 = arith.constant 0 : index
      %get3A_115 = arith.constant 0 : index
      %get3A_116 = vector.load %arg12[%get3A_114, %get3A_115] : memref<1x80xf32, #tpu.memory_space<vmem>>, vector<1x80xf32>
      %add3A_117 = arith.addf %dot_general3A_113, %get3A_116 : vector<1x80xf32>
      %ge3A_118 = arith.constant 0.000000e+00 : f32
      %ge3A_119 = vector.broadcast %ge3A_118 : f32 to vector<1x80xf32>
      %ge3A_120 = arith.cmpf oge, %add3A_117, %ge3A_119 : vector<1x80xf32>
      %mul3A_121 = arith.constant 0.00999999977 : f32
      %mul3A_122 = vector.broadcast %mul3A_121 : f32 to vector<1x80xf32>
      %mul3A_123 = arith.mulf %mul3A_122, %add3A_117 : vector<1x80xf32>
      %select_n3A_124 = arith.select %ge3A_120, %add3A_117, %mul3A_123 : vector<1x80xi1>, vector<1x80xf32>
      %get3A_125 = arith.constant 0 : index
      %get3A_126 = arith.constant 0 : index
      %get3A_127 = vector.load %arg13[%get3A_125, %get3A_126] : memref<80x2xf32, #tpu.memory_space<vmem>>, vector<80x2xf32>
      %dot_general3A_128 = arith.constant dense<0.000000e+00> : vector<1x2xf32>
      %dot_general3A_129 = tpu.matmul %select_n3A_124, %get3A_127, %dot_general3A_128 {dimension_numbers = #tpu.dot_dimension_numbers<[1], [0], [0], [1], [0, 0, 1, 1], [], []>, transpose_lhs_hint = false} : vector<1x80xf32>, vector<80x2xf32>, vector<1x2xf32> -> vector<1x2xf32>
      %get3A_130 = arith.constant 0 : index
      %get3A_131 = arith.constant 0 : index
      %get3A_132 = vector.load %arg14[%get3A_130, %get3A_131] : memref<1x2xf32, #tpu.memory_space<vmem>>, vector<1x2xf32>
      %add3A_133 = arith.addf %dot_general3A_129, %get3A_132 : vector<1x2xf32>
      %swap3A = arith.constant 0 : index
      %swap3A_134 = arith.constant 0 : index
      %swap3A_135 = vector.load %arg15[%swap3A, %swap3A_134] : memref<1x2xf32, #tpu.memory_space<vmem>>, vector<1x2xf32>
      tpu.vector_store %arg15[%swap3A, %swap3A_134], %add3A_133 {strides = array<i32>} : memref<1x2xf32, #tpu.memory_space<vmem>>, vector<1x2xf32>,
    } else {
    }
    return
  }
  func.func @transform_0(%arg0: i32) -> (i32, i32) {
    %c0_i32 = arith.constant 0 : i32
    %c0_i32_0 = arith.constant 0 : i32
    return %arg0, %c0_i32 : i32, i32
  }
  func.func @transform_1(%arg0: i32) -> (i32, i32, i32) {
    %c0_i32 = arith.constant 0 : i32
    %c0_i32_0 = arith.constant 0 : i32
    %c0_i32_1 = arith.constant 0 : i32
    return %c0_i32, %arg0, %c0_i32_0 : i32, i32, i32
  }
  func.func @transform_2(%arg0: i32) -> (i32, i32) {
    %c0_i32 = arith.constant 0 : i32
    %c0_i32_0 = arith.constant 0 : i32
    %c0_i32_1 = arith.constant 0 : i32
    return %c0_i32, %c0_i32_0 : i32, i32
  }
  func.func @transform_3(%arg0: i32) -> (i32, i32) {
    %c0_i32 = arith.constant 0 : i32
    %c0_i32_0 = arith.constant 0 : i32
    %c0_i32_1 = arith.constant 0 : i32
    return %c0_i32, %c0_i32_0 : i32, i32
  }
  func.func @transform_4(%arg0: i32) -> (i32, i32) {
    %c0_i32 = arith.constant 0 : i32
    %c0_i32_0 = arith.constant 0 : i32
    %c0_i32_1 = arith.constant 0 : i32
    return %c0_i32, %c0_i32_0 : i32, i32
  }
  func.func @transform_5(%arg0: i32) -> (i32, i32) {
    %c0_i32 = arith.constant 0 : i32
    %c0_i32_0 = arith.constant 0 : i32
    %c0_i32_1 = arith.constant 0 : i32
    return %c0_i32, %c0_i32_0 : i32, i32
  }
  func.func @transform_6(%arg0: i32) -> (i32, i32) {
    %c0_i32 = arith.constant 0 : i32
    %c0_i32_0 = arith.constant 0 : i32
    %c0_i32_1 = arith.constant 0 : i32
    return %c0_i32, %c0_i32_0 : i32, i32
  }
  func.func @transform_7(%arg0: i32) -> (i32, i32) {
    %c0_i32 = arith.constant 0 : i32
    %c0_i32_0 = arith.constant 0 : i32
    %c0_i32_1 = arith.constant 0 : i32
    return %c0_i32, %c0_i32_0 : i32, i32
  }
  func.func @transform_8(%arg0: i32) -> (i32, i32) {
    %c0_i32 = arith.constant 0 : i32
    %c0_i32_0 = arith.constant 0 : i32
    %c0_i32_1 = arith.constant 0 : i32
    return %c0_i32, %c0_i32_0 : i32, i32
  }
  func.func @transform_9(%arg0: i32) -> (i32, i32) {
    %c0_i32 = arith.constant 0 : i32
    %c0_i32_0 = arith.constant 0 : i32
    %c0_i32_1 = arith.constant 0 : i32
    return %c0_i32, %c0_i32_0 : i32, i32
  }
  func.func @transform_10(%arg0: i32) -> (i32, i32) {
    %c0_i32 = arith.constant 0 : i32
    %c0_i32_0 = arith.constant 0 : i32
    %c0_i32_1 = arith.constant 0 : i32
    return %c0_i32, %c0_i32_0 : i32, i32
  }
  func.func @transform_11(%arg0: i32) -> (i32, i32) {
    %c0_i32 = arith.constant 0 : i32
    %c0_i32_0 = arith.constant 0 : i32
    %c0_i32_1 = arith.constant 0 : i32
    return %c0_i32, %c0_i32_0 : i32, i32
  }
  func.func @transform_12(%arg0: i32) -> (i32, i32) {
    %c0_i32 = arith.constant 0 : i32
    %c0_i32_0 = arith.constant 0 : i32
    %c0_i32_1 = arith.constant 0 : i32
    return %c0_i32, %c0_i32_0 : i32, i32
  }
  func.func @transform_13(%arg0: i32) -> (i32, i32) {
    %c0_i32 = arith.constant 0 : i32
    %c0_i32_0 = arith.constant 0 : i32
    %c0_i32_1 = arith.constant 0 : i32
    return %c0_i32, %c0_i32_0 : i32, i32
  }
  func.func @transform_14(%arg0: i32) -> (i32, i32) {
    %c0_i32 = arith.constant 0 : i32
    %c0_i32_0 = arith.constant 0 : i32
    %c0_i32_1 = arith.constant 0 : i32
    return %c0_i32, %c0_i32_0 : i32, i32
  }
}

</mosaic_0001>

<sc_bundles>
// kernel: kernel.12.cloned.1.call-start
scs
__scs_entry_jumppad:
0x0: {  	(pc) =	sbr.rel $0x88, $3  }
0x1: {  	(tag) =	ssettag $0x0;
	lr =	simm.s32 $0x1  }
0x2: {  	[smem:$0x3F8B] =	sst lr;
	_ =	strace $0xD0000000  }
0x3: {  	_ = 	snop  }
0x4: {  	_ = 	snop  }
0x5: {  	_ = 	snop  }
0x6: {  	_ = 	snop  }
0x7: {  	_ = 	snop  }
__scs_overlays_trampoline_lowered:
0x8: {  	[smem:$0x3F9A] =	sst s0  }
0x9: {  	[smem:$0x3F9B] =	sst s1  }
0xa: {  	[smem:$0x3F9C] =	sst s2  }
0xb: {  	[smem:$0x3F9D] =	sst s3  }
0xc: {  	[smem:$0x3F9E] =	sst s4  }
0xd: {  	[smem:$0x3F9F] =	sst s5  }
0xe: {  	[smem:$0x3FA0] =	sst s6  }
0xf: {  	[smem:$0x3FA1] =	sst s7  }
0x10: {  	[smem:$0x3FA2] =	sst s8  }
0x11: {  	[smem:$0x3FA3] =	sst s9;
	s0 =	simm.s32 @!p0 $0x0  }
0x12: {  	s1 =	sld [smem:$0x3F89];
	s0 =	simm.s32 @p0 $0x1  }
0x13: {  	[smem:$0x3FA4] =	sst s0;
	s0 =	simm.s32 @!p1 $0x0  }
0x14: {  	s2 =	sld [smem:$0x3F88];
	s0 =	simm.s32 @p1 $0x1  }
0x15: {  	[smem:$0x3FA5] =	sst s0;
	s0 =	simm.s32 @!p2 $0x0  }
0x16: {  	s3 =	sld [smem:$0x3FDB];
	s0 =	simm.s32 @p2 $0x1  }
0x17: {  	s4 =	simm.s32 $0x1BF5;
	[smem:$0x3FA7] =	sst s0  }
0x18: {  	s0 =	sld [smem:$0x3F8A];
	_ =	swait.ge [sflag:s4], $0x0  }
0x19: {  	s7 =	sld [smem:$0x3F8B]  }
0x1a: {  	s8 =	sadd.s32 $0xFFFFE003, lr  }
0x1b: {  	s9 =	sadd.s32 $0xFFFFFEF7, lr;
	s5 =	simm.s32 $0xFFFFFFFF;
	p2 =	slt.u32 s8, $0xFFFFF086  }
0x1c: {  	p1 =	slt.u32 s9, $0xF7A;
	s5 =	simm.s32 @!p2 $0x0  }
0x1d: {  	s5 =	simm.s32 @p1 $0x1;
	p0 =	seq.s32 s7, s2  }
0x1e: {  	s7 =	smul.u32 @!p0 $0xF7A, s2;
	p2 =	seq.s32 @!p0 s5, $0x0  }
0x1f: {  	s9 =	smul.u32 $0xF7A, s1;
	s8 =	simm.s32 @!p0 $0x1BF5;
	p2 =	por !p2, p0  }
0x20: {  	[sflag:s8] =	ssyncset.s32 @!p0 $0xFFFFF086;
	s6 =	sadd.s32 @!p0 s3, s7;
	s7 =	simm.s32 @!p0 $0x108  }
0x21: {  	s3 =	sadd.s32 s3, s9;
	s6 =	sadd.s32 @!p0 $0x88, s6;
	s7 =	simm.s32 @p2 $0x1082  }
0x22: {  	[simem:s7], [sflag:s8] =	dma.local @!p0 [hbm:s6], $0xF7A  }
0x23: {  	s9 =	sor.u32 $0xD0000000, s2;
	s6 =	simm.s32 $0x108;
	_ =	swait.ge @!p0 [sflag:s8], $0x0  }
0x24: {  	s3 =	sadd.s32 $0x88, s3;
	s6 =	simm.s32 @!p1 $0x1082;
	[sflag:s4] =	ssyncset.s32 $0xFFFFF086  }
0x25: {  	[simem:s6], [sflag:s4] =	dma.local [hbm:s3], $0xF7A  }
0x26: {  	[smem:$0x3F8B] =	sst s1;
	(tag) =	ssettag s2;
	_ =	strace s9  }
0x27: {  	s1 =	sld [smem:$0x3F9B]  }
0x28: {  	s2 =	sld [smem:$0x3F9C]  }
0x29: {  	s4 =	sld [smem:$0x3F9E]  }
0x2a: {  	p0 =	seq.s32 s5, $0x0;
	s5 =	sld [smem:$0x3F9F]  }
0x2b: {  	s6 =	sld [smem:$0x3FA0]  }
0x2c: {  	s7 =	sld [smem:$0x3FA1]  }
0x2d: {  	s3 =	simm.s32 $0x108;
	s8 =	sld [smem:$0x3FA2]  }
0x2e: {  	s3 =	simm.s32 @!p0 $0x1082;
	s9 =	sld [smem:$0x3FA3]  }
0x2f: {  	lr =	sadd.s32 s0, s3;
	s0 =	sld [smem:$0x3F9A]  }
0x30: {  	s3 =	sld [smem:$0x3F9D]  }
0x31: {  	[smem:$0x3FA6] =	sst s10  }
0x32: {  	s10 =	sld [smem:$0x3FA4];
	_ =	sdelay $0x3  }
0x33: {  	p0 =	seq.s32 s10, $0x1;
	s10 =	sld [smem:$0x3FA6];
	_ =	sdelay $0x3  }
0x34: {  	[smem:$0x3FA6] =	sst s10  }
0x35: {  	s10 =	sld [smem:$0x3FA5];
	_ =	sdelay $0x3  }
0x36: {  	p1 =	seq.s32 s10, $0x1;
	s10 =	sld [smem:$0x3FA6];
	_ =	sdelay $0x3  }
0x37: {  	[smem:$0x3FA6] =	sst s10  }
0x38: {  	s10 =	sld [smem:$0x3FA7]  }
0x39: {  	_ = 	snop;
	(pc) =	sbr.ind lr, $3  }
0x3a: {  	_ = 	snop  }
0x3b: {  	_ = 	snop  }
0x3c: {  	p2 =	seq.s32 s10, $0x1;
	s10 =	sld [smem:$0x3FA6]  }
0x3d: {  	_ =	shalt  }
0x3e: {  	_ =	shalt  }
0x3f: {  	_ =	shalt  }
0x40: {  	_ =	shalt  }
0x41: {  	_ =	shalt  }
0x42: {  	_ =	shalt  }
0x43: {  	_ =	shalt  }
0x44: {  	_ =	shalt  }
0x45: {  	_ =	shalt  }
0x46: {  	_ =	shalt  }
0x47: {  	_ =	shalt  }
0x48: {  	_ =	shalt  }
0x49: {  	_ =	shalt  }
0x4a: {  	_ =	shalt  }
0x4b: {  	_ =	shalt  }
0x4c: {  	_ =	shalt  }
0x4d: {  	_ =	shalt  }
0x4e: {  	_ =	shalt  }
0x4f: {  	_ =	shalt  }
0x50: {  	_ =	shalt  }
0x51: {  	_ =	shalt  }
0x52: {  	_ =	shalt  }
0x53: {  	_ =	shalt  }
0x54: {  	_ =	shalt  }
0x55: {  	_ =	shalt  }
0x56: {  	_ =	shalt  }
0x57: {  	_ =	shalt  }
0x58: {  	_ =	shalt  }
0x59: {  	_ =	shalt  }
0x5a: {  	_ =	shalt  }
0x5b: {  	_ =	shalt  }
0x5c: {  	_ =	shalt  }
0x5d: {  	_ =	shalt  }
0x5e: {  	_ =	shalt  }
0x5f: {  	_ =	shalt  }
0x60: {  	_ =	shalt  }
0x61: {  	_ =	shalt  }
0x62: {  	_ =	shalt  }
0x63: {  	_ =	shalt  }
0x64: {  	_ =	shalt  }
0x65: {  	_ =	shalt  }
0x66: {  	_ =	shalt  }
0x67: {  	_ =	shalt  }
0x68: {  	_ =	shalt  }
0x69: {  	_ =	shalt  }
0x6a: {  	_ =	shalt  }
0x6b: {  	_ =	shalt  }
0x6c: {  	_ =	shalt  }
0x6d: {  	_ =	shalt  }
0x6e: {  	_ =	shalt  }
0x6f: {  	_ =	shalt  }
0x70: {  	_ =	shalt  }
0x71: {  	_ =	shalt  }
0x72: {  	_ =	shalt  }
0x73: {  	_ =	shalt  }
0x74: {  	_ =	shalt  }
0x75: {  	_ =	shalt  }
0x76: {  	_ =	shalt  }
0x77: {  	_ =	shalt  }
0x78: {  	_ =	shalt  }
0x79: {  	_ =	shalt  }
0x7a: {  	_ =	shalt  }
0x7b: {  	_ =	shalt  }
0x7c: {  	_ =	shalt  }
0x7d: {  	_ =	shalt  }
0x7e: {  	_ =	shalt  }
0x7f: {  	_ =	shalt  }
0x80: {  	_ =	shalt  }
0x81: {  	_ =	shalt  }
0x82: {  	_ =	shalt  }
0x83: {  	_ =	shalt  }
0x84: {  	_ =	shalt  }
0x85: {  	_ =	shalt  }
0x86: {  	_ =	shalt  }
0x87: {  	_ =	shalt  }
.Lfunc_end0:
.L_simem_size_0:
called_computation.1_lowered:
.L_overlay_start_0:
0x88: {  	s2 =	sld [smem:$0x3FD9]  }
0x89: {  	s3 =	sld [smem:$0x3FFE];
	_ =	sdelay $0x1  }
0x8a: {  	s1 =	srdreg.scid  }
0x8b: {  	s0 =	sand.u32 $0x1, s1  }
0x8c: {  	s16 =	sshll.u32 s0, $0xA;
	s2 =	sadd.s32 s3, s2  }
0x8d: {  	s2 =	sadd.s32 s2, s16  }
0x8e: {  	[smem:$0x3FB2] =	sst s2  }
0x8f: {  	_ = 	snop  }
0x90: {  	(tm) =	ssettm $0x1  }
0x91: {  	s17 =	sld [smem:$0x3FFB];
	_ =	sdelay $0x3  }
0x92: {  	_ =	strace s17  }
0x93: {  	s2 =	sld [smem:$0x3FFC];
	_ =	sdelay $0x3  }
0x94: {  	_ =	strace s2  }
0x95: {  	s2 =	sld [smem:$0x3FFD];
	_ =	sdelay $0x3  }
0x96: {  	_ =	strace s2  }
0x97: {  	_ =	strace $0x8FFFFFFF  }
0x98: {  	s18 =	sld [smem:$0x3FDB];
	_ =	sdelay $0x1  }
0x99: {  	s19 =	simm.s32 $_scs_section_size  }
0x9a: {  	s4 =	simm.s32 $_size__tile_overlayer_lowered;
	s5 =	simm.s32 $_tile_overlayer_lowered  }
0x9b: {  	s22 =	simm.s32 $0x1BFF;
	s21 =	sshll.u32 s5, $0x1;
	s2 =	sadd.s32 s19, s18  }
0x9c: {  	s6 =	simm.s32 $0x0;
	s20 =	sshll.u32 s4, $0x1;
	s4 =	sadd.s32 s21, s2  }
0x9d: {  	[timem:s6], [sflag:s22] =	dma.local [hbm:s4], s20  }
0x9e: {  	_ =	swait.ge [sflag:s22], s20  }
0x9f: {  	s3 =	ssub.s32 $0x0, s20;
	[sflag:s22] =	ssyncset.done $0x0  }
0xa0: {  	[sflag:s22] =	ssyncadd.s32 s3;
	_ =	sdelay $0x1  }
0xa1: {  	s23 =	simm.s32 $0x1B8B  }
0xa2: {  	_ =	swait.ge [sflag:s23], $0x1  }
0xa3: {  	[sflag:s23] =	ssyncset.done $0x0  }
0xa4: {  	s25 =	simm.s32 $0x1B8E;
	s24 =	sld [smem:$0x3FFE];
	[sflag:s23] =	ssyncadd.s32 $0xFFFFFFFF  }
0xa5: {  	s26 =	simm.s32 $execute0_lowered;
	[smem:$0x3FD2] =	sst s25  }
0xa6: {  	s4 =	sshll.u32 s26, $0x1;
	_ =	strace $0x80000049;
	[dreg:$0x1] =	wrdreg $0xFFFFFFFF  }
0xa7: {  	s28 =	simm.s32 $_size_execute0_lowered;
	s2 =	sadd.s32 s2, s4;
	[dreg:$0x0] =	wrdreg $0x0  }
0xa8: {  	s4 =	sshll.u32 s28, $0x1;
	[dreg:$0x2] =	wrdreg s2  }
0xa9: {  	[dreg:$0x3] =	wrdreg s4  }
0xaa: {  	[dreg:$0x4] =	wrdreg $0xC0  }
0xab: {  	_ =	task [dreg:s6], $0x5FFFF  }
0xac: {  	[dreg:$0x1] =	wrdreg $0xFFFFFFFF  }
0xad: {  	[dreg:$0x0] =	wrdreg $0x60  }
0xae: {  	[dreg:$0x2] =	wrdreg s24  }
0xaf: {  	[dreg:$0x3] =	wrdreg $0x0  }
0xb0: {  	[dreg:$0x4] =	wrdreg $0x9  }
0xb1: {  	_ =	task.clear_ibuf [dreg:s6], $0x5FFFF;
	_ =	strace $0x90000049  }
0xb2: {  	s29 =	simm.s32 $0x9;
	_ =	strace $0x8000004B  }
0xb3: {  	_ =	swait.ge [sflag:s29], $0x1  }
0xb4: {  	[sflag:s29] =	ssyncadd.s32 $0xFFFFFFFF  }
0xb5: {  	_ =	strace $0x9000004B  }
0xb6: {  	_ =	sfence  }
0xb7: {  	s30 =	sld [smem:$0x0];
	_ =	sdelay $0x2  }
0xb8: {  	s31 =	sshll.u32 s1, $0xD;
	s1 =	sshrl.u32 s1, $0x2  }
0xb9: {  	s3 =	sand.u32 $0x4000, s31;
	s1 =	sadd.s32 s1, s30  }
0xba: {  	s0 =	sor.u32 s3, s0;
	s1 =	sshll.u32 s1, $0x11  }
0xbb: {  	s0 =	sor.u32 s1, s0  }
0xbc: {  	s0 =	sadd.s32 $0x8F2B, s0  }
0xbd: {  	[sflag:s0] =	ssyncadd.remote.s32 $0x1  }
0xbe: {  	_ =	sfence.sel $0xFFFF  }
0xbf: {  	[dreg:$0x0] =	wrdreg $0xFFFFFFFF;
	(pc) =	sbr.abs _section_cstart, $3  }
0xc0: {  	[dreg:$0x1] =	wrdreg $0xFFFFFFFF  }
0xc1: {  	_ =	task.clear_ibuf [dreg:s6], $0x2FFFF;
	_ =	strace $0x9FFFFFFF  }
0xc2: {  	(tm) =	ssettm $0x7FFFFFFF  }
0xc3: {  	_ =	shalt  }
tec
execute0_lowered:
.L_overlay_start_1:
0x0: {  	(tag) =	ssettag $0x1  }
0x1: {  	s4 =	rddreg [dreg:$0x0]  }
0x2: {  	s0 =	srdreg.scid;
	s1 =	rddreg [dreg:$0x1];
	s3 =	simm.s32 $0x0  }
0x3: {  	s2 =	stileid.u32;
	s14 =	simm.s32 $0x64;
	s15 =	simm.s32 $0x17800  }
0x4: {  	s16 =	simm.s32 $0x1AC00;
	s17 =	simm.s32 $0x1;
	s23 =	smul.u32 $0x2800, s2  }
0x5: {  	s18 =	simm.s32 $0x2;
	s19 =	simm.s32 $0x15880;
	s9 =	smul.u32 $0x50000, s2  }
0x6: {  	s20 =	simm.s32 $0x17400;
	s5 =	sand.u32 $0x1, s0;
	s12 =	smul.u32 $0x700, s2  }
0x7: {  	s21 =	simm.s32 $0x17480;
	s0 =	rddreg [dreg:$0x2];
	s6 =	smul.u32 $0x27100, s5  }
0x8: {  	[smem:$0x7FF] =	sst s3;
	s30 =	sshll.u32 s2, $0x6;
	s7 =	smul.u32 $0x7000, s5  }
0x9: {  	_ =	strace $0x8000004A;
	s8 =	smul.u32 $0x28000, s5;
	s5 =	ssub.s32 $0x2, s5  }
0xa: {  	s10 =	sadd.s32 s23, s4;
	s11 =	sshrl.u32 s5, $0x1;
	s29 =	sshrl.u32 s9, $0x2  }
0xb: {  	s6 =	sadd.s32 s6, s4;
	s7 =	sadd.s32 s7, s4;
	s8 =	sadd.s32 s8, s4  }
0xc: {  	s11 =	ssub.s32 s5, s11;
	s9 =	sadd.s32 s29, s1;
	s4 =	sadd.s32 $0x6D400, s10  }
0xd: {  	s5 =	sor.u32 $0x1C03, s30;
	s31 =	sadd.s32 $0x3200, s7;
	s13 =	sadd.s32 $0x11200, s7  }
0xe: {  	s6 =	sadd.s32 $0x1F200, s6;
	s24 =	sadd.s32 $0x95400, s8;
	s7 =	smax.u32 s11, $0x1  }
0xf: {  	s8 =	sshrl.u32 s9, $0x3;
	s9 =	simm.s32 $0x3;
	s11 =	simm.s32 $0x14000  }
0x10: {  	s10 =	sadd.s32 s12, s31;
	s12 =	sadd.s32 s12, s13;
	s13 =	simm.s32 $0x15C00  }
0x11: {  	s23 =	sadd.s32 s23, s24;
	s24 =	simm.s32 $0x0;
	s22 =	sadd.s32 $0x380, s10  }
.LBB2_1:
0x12: {  	[spmem:s8], [sflag:s5] =	dma.local [hbm:s4], $0x2800  }
0x13: {  	_ =	swait.ge [sflag:s9], $0x2800  }
0x14: {  	[sflag:s9] =	ssyncset.done $0x0  }
0x15: {  	[sflag:s9] =	ssyncadd.s32 $0xFFFFD800  }
0x16: {  	[bflag:$0x0] =	sbarrier.arrive $0xFFFF  }
0x17: {  	[tilespmem:s11], [sflag:$0x3] =	stream.linear.gather [hbm4b:s10+s3], $0x1900, $0x38;
	[tilespmem:$0x1E000] =	vst v63  }
0x18: {  	_ =	swait.ge [sflag:s9], $0x1900  }
0x19: {  	[sflag:s9] =	ssyncset.done $0x0  }
0x1a: {  	[sflag:s9] =	ssyncadd.s32 $0xFFFFE700  }
0x1b: {  	[tilespmem:s13], [sflag:$0x3] =	stream.linear.gather [hbm4b:s12+s3], $0x1900, $0x38;
	[tilespmem:$0x1E000] =	vst v63  }
0x1c: {  	_ =	swait.ge [sflag:s9], $0x1900  }
0x1d: {  	[sflag:s9] =	ssyncset.done $0x0  }
0x1e: {  	[sflag:s9] =	ssyncadd.s32 $0xFFFFE700  }
0x1f: {  	[tilespmem:s15], [sflag:$0x1] =	stream.indirect.gather [hbm4b:s6+s14], $0x80, s11, s14, $0xb8;
	[tilespmem:$0x1E000] =	vst v63  }
0x20: {  	s25 =	simm.s32 $0x14080  }
0x21: {  	[tilespmem:s16], [sflag:$0x2] =	stream.indirect.gather [hbm4b:s6+s14], $0x80, s25, s14, $0xb8;
	[tilespmem:$0x1E000] =	vst v63  }
0x22: {  	_ =	swait.ge [sflag:s17], $0x3200  }
0x23: {  	[sflag:s17] =	ssyncset.done $0x0  }
0x24: {  	s29 =	simm.s32 $0x15C00;
	[sflag:s17] =	ssyncadd.s32 $0xFFFFCE00  }
0x25: {  	[spmem:s1] =	stream.indirect.scatter.add.f32 [tilespmem:s15], [sflag:$0x3], $0x80, s29, s14, $0xb8;
	[tilespmem:$0x1E000] =	vst v63  }
0x26: {  	_ =	swait.ge [sflag:s9], $0x3200  }
0x27: {  	[sflag:s9] =	ssyncset.done $0x0  }
0x28: {  	s30 =	simm.s32 $0x14100;
	[sflag:s9] =	ssyncadd.s32 $0xFFFFCE00  }
0x29: {  	[tilespmem:s15], [sflag:$0x1] =	stream.indirect.gather [hbm4b:s6+s14], $0x80, s30, s14, $0xb8;
	[tilespmem:$0x1E000] =	vst v63  }
0x2a: {  	_ =	swait.ge [sflag:s18], $0x3200  }
0x2b: {  	[sflag:s18] =	ssyncset.done $0x0  }
0x2c: {  	s31 =	simm.s32 $0x15C80;
	[sflag:s18] =	ssyncadd.s32 $0xFFFFCE00  }
0x2d: {  	[spmem:s1] =	stream.indirect.scatter.add.f32 [tilespmem:s16], [sflag:$0x3], $0x80, s31, s14, $0xb8;
	[tilespmem:$0x1E000] =	vst v63  }
0x2e: {  	_ =	swait.ge [sflag:s9], $0x3200  }
0x2f: {  	s26 =	simm.s32 $0x800;
	s25 =	simm.s32 $0x100;
	[sflag:s9] =	ssyncset.done $0x0  }
.LBB2_2:
0x30: {  	s28 =	sadd.s32 $0x14080, s25  }
0x31: {  	[sflag:s9] =	ssyncadd.s32 $0xFFFFCE00;
	s29 =	smov.u32 s26;
	s30 =	sadd.s32 $0x400, s26  }
0x32: {  	[tilespmem:s16], [sflag:$0x2] =	stream.indirect.gather [hbm4b:s6+s14], $0x80, s28, s14, $0xb8;
	[tilespmem:$0x1E000] =	vst v63  }
0x33: {  	p0 =	sne.s32 s26, $0x5C00;
	_ =	swait.ge [sflag:s17], $0x3200  }
0x34: {  	[sflag:s17] =	ssyncset.done $0x0  }
0x35: {  	s26 =	sadd.s32 $0x15C00, s25;
	[sflag:s17] =	ssyncadd.s32 $0xFFFFCE00  }
0x36: {  	[spmem:s1] =	stream.indirect.scatter.add.f32 [tilespmem:s15], [sflag:$0x3], $0x80, s26, s14, $0xb8;
	[tilespmem:$0x1E000] =	vst v63  }
0x37: {  	_ =	swait.ge [sflag:s9], $0x3200  }
0x38: {  	[sflag:s9] =	ssyncset.done $0x0  }
0x39: {  	s26 =	sadd.s32 $0x14100, s25;
	[sflag:s9] =	ssyncadd.s32 $0xFFFFCE00  }
0x3a: {  	[tilespmem:s15], [sflag:$0x1] =	stream.indirect.gather [hbm4b:s6+s14], $0x80, s26, s14, $0xb8;
	[tilespmem:$0x1E000] =	vst v63  }
0x3b: {  	_ =	swait.ge [sflag:s18], $0x3200  }
.Ltmp0:
0x3c: {  	[sflag:s18] =	ssyncset.done $0x0;
	(pc) =	sbr.rel @p0 .LBB2_2-.Ltmp0, $4  }
0x3d: {  	s25 =	sadd.s32 $0x15C80, s25;
	[sflag:s18] =	ssyncadd.s32 $0xFFFFCE00  }
0x3e: {  	[spmem:s1] =	stream.indirect.scatter.add.f32 [tilespmem:s16], [sflag:$0x3], $0x80, s25, s14, $0xb8;
	[tilespmem:$0x1E000] =	vst v63  }
0x3f: {  	_ =	swait.ge [sflag:s9], $0x3200  }
0x40: {  	s26 =	smov.u32 s30;
	s25 =	sshra.s32 s29, $0x2;
	[sflag:s9] =	ssyncset.done $0x0  }
0x41: {  	s26 =	sadd.s32 $0x14080, s25;
	[sflag:s9] =	ssyncadd.s32 $0xFFFFCE00  }
0x42: {  	[tilespmem:s16], [sflag:$0x2] =	stream.indirect.gather [hbm4b:s6+s14], $0x80, s26, s14, $0xb8;
	[tilespmem:$0x1E000] =	vst v63  }
0x43: {  	_ =	swait.ge [sflag:s17], $0x3200  }
0x44: {  	[sflag:s17] =	ssyncset.done $0x0  }
0x45: {  	s31 =	sadd.s32 $0x15C00, s25;
	[sflag:s17] =	ssyncadd.s32 $0xFFFFCE00  }
0x46: {  	[spmem:s1] =	stream.indirect.scatter.add.f32 [tilespmem:s15], [sflag:$0x3], $0x80, s31, s14, $0xb8;
	[tilespmem:$0x1E000] =	vst v63  }
0x47: {  	_ =	swait.ge [sflag:s9], $0x3200  }
0x48: {  	[sflag:s9] =	ssyncset.done $0x0  }
0x49: {  	s28 =	sadd.s32 $0x14100, s25;
	[sflag:s9] =	ssyncadd.s32 $0xFFFFCE00  }
0x4a: {  	[tilespmem:s15], [sflag:$0x1] =	stream.indirect.gather [hbm4b:s6+s14], $0x80, s28, s14, $0xb8;
	[tilespmem:$0x1E000] =	vst v63  }
0x4b: {  	_ =	swait.ge [sflag:s18], $0x3200  }
0x4c: {  	[sflag:s18] =	ssyncset.done $0x0  }
0x4d: {  	s29 =	sadd.s32 $0x15C80, s25;
	[sflag:s18] =	ssyncadd.s32 $0xFFFFCE00  }
0x4e: {  	[spmem:s1] =	stream.indirect.scatter.add.f32 [tilespmem:s16], [sflag:$0x3], $0x80, s29, s14, $0xb8;
	[tilespmem:$0x1E000] =	vst v63  }
0x4f: {  	_ =	swait.ge [sflag:s9], $0x3200  }
0x50: {  	[sflag:s9] =	ssyncset.done $0x0  }
0x51: {  	[sflag:s9] =	ssyncadd.s32 $0xFFFFCE00  }
0x52: {  	[tilespmem:s16], [sflag:$0x2] =	stream.indirect.gather [hbm4b:s6+s14], $0x80, s19, s14, $0xb8;
	[tilespmem:$0x1E000] =	vst v63  }
0x53: {  	_ =	swait.ge [sflag:s17], $0x3200  }
0x54: {  	[sflag:s17] =	ssyncset.done $0x0  }
0x55: {  	[sflag:s17] =	ssyncadd.s32 $0xFFFFCE00  }
0x56: {  	[spmem:s1] =	stream.indirect.scatter.add.f32 [tilespmem:s15], [sflag:$0x3], $0x80, s20, s14, $0xb8;
	[tilespmem:$0x1E000] =	vst v63  }
0x57: {  	_ =	swait.ge [sflag:s9], $0x3200  }
0x58: {  	[sflag:s9] =	ssyncset.done $0x0  }
0x59: {  	[sflag:s9] =	ssyncadd.s32 $0xFFFFCE00  }
0x5a: {  	_ =	swait.ge [sflag:s18], $0x3200  }
0x5b: {  	[sflag:s18] =	ssyncset.done $0x0  }
0x5c: {  	[sflag:s18] =	ssyncadd.s32 $0xFFFFCE00  }
0x5d: {  	[spmem:s1] =	stream.indirect.scatter.add.f32 [tilespmem:s16], [sflag:$0x3], $0x80, s21, s14, $0xb8;
	[tilespmem:$0x1E000] =	vst v63  }
0x5e: {  	_ =	swait.ge [sflag:s9], $0x3200  }
0x5f: {  	[sflag:s9] =	ssyncset.done $0x0  }
0x60: {  	s30 =	simm.s32 $0x0;
	[sflag:s9] =	ssyncadd.s32 $0xFFFFCE00  }
0x61: {  	[tilespmem:s11], [sflag:$0x3] =	stream.linear.gather [hbm4b:s22+s30], $0x1900, $0x38;
	[tilespmem:$0x1E000] =	vst v63  }
0x62: {  	_ =	swait.ge [sflag:s9], $0x1900  }
0x63: {  	[sflag:s9] =	ssyncset.done $0x0  }
0x64: {  	s31 =	sadd.s32 $0x380, s12;
	[sflag:s9] =	ssyncadd.s32 $0xFFFFE700  }
0x65: {  	[tilespmem:s13], [sflag:$0x3] =	stream.linear.gather [hbm4b:s31+s30], $0x1900, $0x38;
	[tilespmem:$0x1E000] =	vst v63  }
0x66: {  	_ =	swait.ge [sflag:s9], $0x1900  }
0x67: {  	[sflag:s9] =	ssyncset.done $0x0  }
0x68: {  	[sflag:s9] =	ssyncadd.s32 $0xFFFFE700  }
0x69: {  	[tilespmem:s15], [sflag:$0x1] =	stream.indirect.gather [hbm4b:s6+s14], $0x80, s11, s14, $0xb8;
	[tilespmem:$0x1E000] =	vst v63  }
0x6a: {  	s28 =	simm.s32 $0x14080  }
0x6b: {  	[tilespmem:s16], [sflag:$0x2] =	stream.indirect.gather [hbm4b:s6+s14], $0x80, s28, s14, $0xb8;
	[tilespmem:$0x1E000] =	vst v63  }
0x6c: {  	_ =	swait.ge [sflag:s17], $0x3200  }
0x6d: {  	[sflag:s17] =	ssyncset.done $0x0  }
0x6e: {  	s29 =	simm.s32 $0x15C00;
	[sflag:s17] =	ssyncadd.s32 $0xFFFFCE00  }
0x6f: {  	[spmem:s1] =	stream.indirect.scatter.add.f32 [tilespmem:s15], [sflag:$0x3], $0x80, s29, s14, $0xb8;
	[tilespmem:$0x1E000] =	vst v63  }
0x70: {  	_ =	swait.ge [sflag:s9], $0x3200  }
0x71: {  	[sflag:s9] =	ssyncset.done $0x0  }
0x72: {  	s30 =	simm.s32 $0x14100;
	[sflag:s9] =	ssyncadd.s32 $0xFFFFCE00  }
0x73: {  	[tilespmem:s15], [sflag:$0x1] =	stream.indirect.gather [hbm4b:s6+s14], $0x80, s30, s14, $0xb8;
	[tilespmem:$0x1E000] =	vst v63  }
0x74: {  	_ =	swait.ge [sflag:s18], $0x3200  }
0x75: {  	[sflag:s18] =	ssyncset.done $0x0  }
0x76: {  	s31 =	simm.s32 $0x15C80;
	[sflag:s18] =	ssyncadd.s32 $0xFFFFCE00  }
0x77: {  	[spmem:s1] =	stream.indirect.scatter.add.f32 [tilespmem:s16], [sflag:$0x3], $0x80, s31, s14, $0xb8;
	[tilespmem:$0x1E000] =	vst v63  }
0x78: {  	_ =	swait.ge [sflag:s9], $0x3200  }
0x79: {  	s25 =	simm.s32 $0x100;
	s26 =	simm.s32 $0x800;
	[sflag:s9] =	ssyncset.done $0x0  }
.LBB2_4:
0x7a: {  	s28 =	sadd.s32 $0x14080, s25  }
0x7b: {  	[sflag:s9] =	ssyncadd.s32 $0xFFFFCE00;
	s29 =	smov.u32 s26;
	s30 =	sadd.s32 $0x400, s26  }
0x7c: {  	[tilespmem:s16], [sflag:$0x2] =	stream.indirect.gather [hbm4b:s6+s14], $0x80, s28, s14, $0xb8;
	[tilespmem:$0x1E000] =	vst v63  }
0x7d: {  	p0 =	sne.s32 s26, $0x5C00;
	_ =	swait.ge [sflag:s17], $0x3200  }
0x7e: {  	[sflag:s17] =	ssyncset.done $0x0  }
0x7f: {  	s26 =	sadd.s32 $0x15C00, s25;
	[sflag:s17] =	ssyncadd.s32 $0xFFFFCE00  }
0x80: {  	[spmem:s1] =	stream.indirect.scatter.add.f32 [tilespmem:s15], [sflag:$0x3], $0x80, s26, s14, $0xb8;
	[tilespmem:$0x1E000] =	vst v63  }
0x81: {  	_ =	swait.ge [sflag:s9], $0x3200  }
0x82: {  	[sflag:s9] =	ssyncset.done $0x0  }
0x83: {  	s26 =	sadd.s32 $0x14100, s25;
	[sflag:s9] =	ssyncadd.s32 $0xFFFFCE00  }
0x84: {  	[tilespmem:s15], [sflag:$0x1] =	stream.indirect.gather [hbm4b:s6+s14], $0x80, s26, s14, $0xb8;
	[tilespmem:$0x1E000] =	vst v63  }
0x85: {  	_ =	swait.ge [sflag:s18], $0x3200  }
.Ltmp1:
0x86: {  	[sflag:s18] =	ssyncset.done $0x0;
	(pc) =	sbr.rel @p0 .LBB2_4-.Ltmp1, $4  }
0x87: {  	s25 =	sadd.s32 $0x15C80, s25;
	[sflag:s18] =	ssyncadd.s32 $0xFFFFCE00  }
0x88: {  	[spmem:s1] =	stream.indirect.scatter.add.f32 [tilespmem:s16], [sflag:$0x3], $0x80, s25, s14, $0xb8;
	[tilespmem:$0x1E000] =	vst v63  }
0x89: {  	_ =	swait.ge [sflag:s9], $0x3200  }
0x8a: {  	s26 =	smov.u32 s30;
	s25 =	sshra.s32 s29, $0x2;
	[sflag:s9] =	ssyncset.done $0x0  }
0x8b: {  	s26 =	sadd.s32 $0x14080, s25;
	[sflag:s9] =	ssyncadd.s32 $0xFFFFCE00  }
0x8c: {  	[tilespmem:s16], [sflag:$0x2] =	stream.indirect.gather [hbm4b:s6+s14], $0x80, s26, s14, $0xb8;
	[tilespmem:$0x1E000] =	vst v63  }
0x8d: {  	_ =	swait.ge [sflag:s17], $0x3200  }
0x8e: {  	[sflag:s17] =	ssyncset.done $0x0  }
0x8f: {  	s29 =	sadd.s32 $0x15C00, s25;
	[sflag:s17] =	ssyncadd.s32 $0xFFFFCE00  }
0x90: {  	[spmem:s1] =	stream.indirect.scatter.add.f32 [tilespmem:s15], [sflag:$0x3], $0x80, s29, s14, $0xb8;
	[tilespmem:$0x1E000] =	vst v63  }
0x91: {  	_ =	swait.ge [sflag:s9], $0x3200  }
0x92: {  	[sflag:s9] =	ssyncset.done $0x0  }
0x93: {  	s30 =	sadd.s32 $0x14100, s25;
	[sflag:s9] =	ssyncadd.s32 $0xFFFFCE00  }
0x94: {  	[tilespmem:s15], [sflag:$0x1] =	stream.indirect.gather [hbm4b:s6+s14], $0x80, s30, s14, $0xb8;
	[tilespmem:$0x1E000] =	vst v63  }
0x95: {  	_ =	swait.ge [sflag:s18], $0x3200  }
0x96: {  	[sflag:s18] =	ssyncset.done $0x0  }
0x97: {  	s31 =	sadd.s32 $0x15C80, s25;
	[sflag:s18] =	ssyncadd.s32 $0xFFFFCE00  }
0x98: {  	[spmem:s1] =	stream.indirect.scatter.add.f32 [tilespmem:s16], [sflag:$0x3], $0x80, s31, s14, $0xb8;
	[tilespmem:$0x1E000] =	vst v63  }
0x99: {  	_ =	swait.ge [sflag:s9], $0x3200  }
0x9a: {  	[sflag:s9] =	ssyncset.done $0x0  }
0x9b: {  	[sflag:s9] =	ssyncadd.s32 $0xFFFFCE00  }
0x9c: {  	[tilespmem:s16], [sflag:$0x2] =	stream.indirect.gather [hbm4b:s6+s14], $0x80, s19, s14, $0xb8;
	[tilespmem:$0x1E000] =	vst v63  }
0x9d: {  	_ =	swait.ge [sflag:s17], $0x3200  }
0x9e: {  	[sflag:s17] =	ssyncset.done $0x0  }
0x9f: {  	[sflag:s17] =	ssyncadd.s32 $0xFFFFCE00  }
0xa0: {  	[spmem:s1] =	stream.indirect.scatter.add.f32 [tilespmem:s15], [sflag:$0x3], $0x80, s20, s14, $0xb8;
	[tilespmem:$0x1E000] =	vst v63  }
0xa1: {  	_ =	swait.ge [sflag:s9], $0x3200  }
0xa2: {  	[sflag:s9] =	ssyncset.done $0x0  }
0xa3: {  	[sflag:s9] =	ssyncadd.s32 $0xFFFFCE00  }
0xa4: {  	_ =	swait.ge [sflag:s18], $0x3200  }
0xa5: {  	[sflag:s18] =	ssyncset.done $0x0  }
0xa6: {  	[sflag:s18] =	ssyncadd.s32 $0xFFFFCE00  }
0xa7: {  	[spmem:s1] =	stream.indirect.scatter.add.f32 [tilespmem:s16], [sflag:$0x3], $0x80, s21, s14, $0xb8;
	[tilespmem:$0x1E000] =	vst v63  }
0xa8: {  	_ =	swait.ge [sflag:s9], $0x3200  }
0xa9: {  	s24 =	sadd.s32 $0x1, s24;
	[sflag:s9] =	ssyncset.done $0x0  }
0xaa: {  	p0 =	sne.s32 s24, s7;
	[sflag:s9] =	ssyncadd.s32 $0xFFFFCE00  }
.Ltmp2:
0xab: {  	[bflag:$0x0] =	sbarrier.arrive $0xFFFF;
	(pc) =	sbr.rel @p0 .LBB2_1-.Ltmp2, $4  }
0xac: {  	[hbm:s23], [sflag:s5] =	dma.local [spmem:s8], $0x2800  }
0xad: {  	_ =	swait.ge [sflag:s9], $0x2800  }
0xae: {  	[sflag:s9] =	ssyncset.done $0x0  }
0xaf: {  	[sflag:s9] =	ssyncadd.s32 $0xFFFFD800  }
0xb0: {  	_ =	sfence.sel $0x180000  }
0xb1: {  	[bflag:$0x0] =	sbarrier.arrive $0xFFFF  }
0xb2: {  	p0 =	sne.s32 s2, $0x0;
	_ =	strace $0x9000004A  }
0xb3: {  	s0 =	sadd.s32 @!p0 $0x100000, s0;
	[bflag:$0x2] =	sbarrier.arrive $0xFFFF  }
0xb4: {  	[sflag:s0] =	ssyncadd.tile.s32 @!p0 $0x1;
	_ =	shalt  }
.Lfunc_end2:
_tile_overlayer_lowered:
.L_overlay_start_2:
0xb5: {  	(tag) =	ssettag $0x2  }
0xb6: {  	s0 =	rddreg [dreg:$0x0];
	s2 =	stileid.u32  }
0xb7: {  	s1 =	rddreg [dreg:$0x1];
	p0 =	sne.s32 s2, $0x0  }
0xb8: {  	s3 =	rddreg [dreg:$0x2];
	[bflag:$0x3] =	sbarrier.arrive $0xFFFF;
	s2 =	simm.s32 @!p0 $0x1C03  }
0xb9: {  	[timem:s3], [sflag:s2] =	dma.local @!p0 [hbm:s0], s1  }
0xba: {  	s0 =	simm.s32 @!p0 $0x3  }
0xbb: {  	_ =	swait.ge @!p0 [sflag:s0], s1  }
0xbc: {  	s1 =	ssub.s32 @!p0 $0x0, s1;
	[sflag:s0] =	ssyncset.done @!p0 $0x0  }
0xbd: {  	[sflag:s0] =	ssyncadd.s32 @!p0 s1  }
0xbe: {  	[bflag:$0x3] =	sbarrier.arrive $0xFFFF  }
0xbf: {  	_ =	shalt  }

// kernel: kernel.15.cloned.1.call-start
scs
__scs_entry_jumppad:
0x0: {  	(pc) =	sbr.rel $0x88, $3  }
0x1: {  	(tag) =	ssettag $0x0;
	lr =	simm.s32 $0x1  }
0x2: {  	[smem:$0x3F8B] =	sst lr;
	_ =	strace $0xD0000000  }
0x3: {  	_ = 	snop  }
0x4: {  	_ = 	snop  }
0x5: {  	_ = 	snop  }
0x6: {  	_ = 	snop  }
0x7: {  	_ = 	snop  }
__scs_overlays_trampoline_lowered:
0x8: {  	[smem:$0x3F9A] =	sst s0  }
0x9: {  	[smem:$0x3F9B] =	sst s1  }
0xa: {  	[smem:$0x3F9C] =	sst s2  }
0xb: {  	[smem:$0x3F9D] =	sst s3  }
0xc: {  	[smem:$0x3F9E] =	sst s4  }
0xd: {  	[smem:$0x3F9F] =	sst s5  }
0xe: {  	[smem:$0x3FA0] =	sst s6  }
0xf: {  	[smem:$0x3FA1] =	sst s7  }
0x10: {  	[smem:$0x3FA2] =	sst s8  }
0x11: {  	[smem:$0x3FA3] =	sst s9;
	s0 =	simm.s32 @!p0 $0x0  }
0x12: {  	s1 =	sld [smem:$0x3F89];
	s0 =	simm.s32 @p0 $0x1  }
0x13: {  	[smem:$0x3FA4] =	sst s0;
	s0 =	simm.s32 @!p1 $0x0  }
0x14: {  	s2 =	sld [smem:$0x3F88];
	s0 =	simm.s32 @p1 $0x1  }
0x15: {  	[smem:$0x3FA5] =	sst s0;
	s0 =	simm.s32 @!p2 $0x0  }
0x16: {  	s3 =	sld [smem:$0x3FDB];
	s0 =	simm.s32 @p2 $0x1  }
0x17: {  	s4 =	simm.s32 $0x1BF5;
	[smem:$0x3FA7] =	sst s0  }
0x18: {  	s0 =	sld [smem:$0x3F8A];
	_ =	swait.ge [sflag:s4], $0x0  }
0x19: {  	s7 =	sld [smem:$0x3F8B]  }
0x1a: {  	s8 =	sadd.s32 $0xFFFFE003, lr  }
0x1b: {  	s9 =	sadd.s32 $0xFFFFFEF7, lr;
	s5 =	simm.s32 $0xFFFFFFFF;
	p2 =	slt.u32 s8, $0xFFFFF086  }
0x1c: {  	p1 =	slt.u32 s9, $0xF7A;
	s5 =	simm.s32 @!p2 $0x0  }
0x1d: {  	s5 =	simm.s32 @p1 $0x1;
	p0 =	seq.s32 s7, s2  }
0x1e: {  	s7 =	smul.u32 @!p0 $0xF7A, s2;
	p2 =	seq.s32 @!p0 s5, $0x0  }
0x1f: {  	s9 =	smul.u32 $0xF7A, s1;
	s8 =	simm.s32 @!p0 $0x1BF5;
	p2 =	por !p2, p0  }
0x20: {  	[sflag:s8] =	ssyncset.s32 @!p0 $0xFFFFF086;
	s6 =	sadd.s32 @!p0 s3, s7;
	s7 =	simm.s32 @!p0 $0x108  }
0x21: {  	s3 =	sadd.s32 s3, s9;
	s6 =	sadd.s32 @!p0 $0x88, s6;
	s7 =	simm.s32 @p2 $0x1082  }
0x22: {  	[simem:s7], [sflag:s8] =	dma.local @!p0 [hbm:s6], $0xF7A  }
0x23: {  	s9 =	sor.u32 $0xD0000000, s2;
	s6 =	simm.s32 $0x108;
	_ =	swait.ge @!p0 [sflag:s8], $0x0  }
0x24: {  	s3 =	sadd.s32 $0x88, s3;
	s6 =	simm.s32 @!p1 $0x1082;
	[sflag:s4] =	ssyncset.s32 $0xFFFFF086  }
0x25: {  	[simem:s6], [sflag:s4] =	dma.local [hbm:s3], $0xF7A  }
0x26: {  	[smem:$0x3F8B] =	sst s1;
	(tag) =	ssettag s2;
	_ =	strace s9  }
0x27: {  	s1 =	sld [smem:$0x3F9B]  }
0x28: {  	s2 =	sld [smem:$0x3F9C]  }
0x29: {  	s4 =	sld [smem:$0x3F9E]  }
0x2a: {  	p0 =	seq.s32 s5, $0x0;
	s5 =	sld [smem:$0x3F9F]  }
0x2b: {  	s6 =	sld [smem:$0x3FA0]  }
0x2c: {  	s7 =	sld [smem:$0x3FA1]  }
0x2d: {  	s3 =	simm.s32 $0x108;
	s8 =	sld [smem:$0x3FA2]  }
0x2e: {  	s3 =	simm.s32 @!p0 $0x1082;
	s9 =	sld [smem:$0x3FA3]  }
0x2f: {  	lr =	sadd.s32 s0, s3;
	s0 =	sld [smem:$0x3F9A]  }
0x30: {  	s3 =	sld [smem:$0x3F9D]  }
0x31: {  	[smem:$0x3FA6] =	sst s10  }
0x32: {  	s10 =	sld [smem:$0x3FA4];
	_ =	sdelay $0x3  }
0x33: {  	p0 =	seq.s32 s10, $0x1;
	s10 =	sld [smem:$0x3FA6];
	_ =	sdelay $0x3  }
0x34: {  	[smem:$0x3FA6] =	sst s10  }
0x35: {  	s10 =	sld [smem:$0x3FA5];
	_ =	sdelay $0x3  }
0x36: {  	p1 =	seq.s32 s10, $0x1;
	s10 =	sld [smem:$0x3FA6];
	_ =	sdelay $0x3  }
0x37: {  	[smem:$0x3FA6] =	sst s10  }
0x38: {  	s10 =	sld [smem:$0x3FA7]  }
0x39: {  	_ = 	snop;
	(pc) =	sbr.ind lr, $3  }
0x3a: {  	_ = 	snop  }
0x3b: {  	_ = 	snop  }
0x3c: {  	p2 =	seq.s32 s10, $0x1;
	s10 =	sld [smem:$0x3FA6]  }
0x3d: {  	_ =	shalt  }
0x3e: {  	_ =	shalt  }
0x3f: {  	_ =	shalt  }
0x40: {  	_ =	shalt  }
0x41: {  	_ =	shalt  }
0x42: {  	_ =	shalt  }
0x43: {  	_ =	shalt  }
0x44: {  	_ =	shalt  }
0x45: {  	_ =	shalt  }
0x46: {  	_ =	shalt  }
0x47: {  	_ =	shalt  }
0x48: {  	_ =	shalt  }
0x49: {  	_ =	shalt  }
0x4a: {  	_ =	shalt  }
0x4b: {  	_ =	shalt  }
0x4c: {  	_ =	shalt  }
0x4d: {  	_ =	shalt  }
0x4e: {  	_ =	shalt  }
0x4f: {  	_ =	shalt  }
0x50: {  	_ =	shalt  }
0x51: {  	_ =	shalt  }
0x52: {  	_ =	shalt  }
0x53: {  	_ =	shalt  }
0x54: {  	_ =	shalt  }
0x55: {  	_ =	shalt  }
0x56: {  	_ =	shalt  }
0x57: {  	_ =	shalt  }
0x58: {  	_ =	shalt  }
0x59: {  	_ =	shalt  }
0x5a: {  	_ =	shalt  }
0x5b: {  	_ =	shalt  }
0x5c: {  	_ =	shalt  }
0x5d: {  	_ =	shalt  }
0x5e: {  	_ =	shalt  }
0x5f: {  	_ =	shalt  }
0x60: {  	_ =	shalt  }
0x61: {  	_ =	shalt  }
0x62: {  	_ =	shalt  }
0x63: {  	_ =	shalt  }
0x64: {  	_ =	shalt  }
0x65: {  	_ =	shalt  }
0x66: {  	_ =	shalt  }
0x67: {  	_ =	shalt  }
0x68: {  	_ =	shalt  }
0x69: {  	_ =	shalt  }
0x6a: {  	_ =	shalt  }
0x6b: {  	_ =	shalt  }
0x6c: {  	_ =	shalt  }
0x6d: {  	_ =	shalt  }
0x6e: {  	_ =	shalt  }
0x6f: {  	_ =	shalt  }
0x70: {  	_ =	shalt  }
0x71: {  	_ =	shalt  }
0x72: {  	_ =	shalt  }
0x73: {  	_ =	shalt  }
0x74: {  	_ =	shalt  }
0x75: {  	_ =	shalt  }
0x76: {  	_ =	shalt  }
0x77: {  	_ =	shalt  }
0x78: {  	_ =	shalt  }
0x79: {  	_ =	shalt  }
0x7a: {  	_ =	shalt  }
0x7b: {  	_ =	shalt  }
0x7c: {  	_ =	shalt  }
0x7d: {  	_ =	shalt  }
0x7e: {  	_ =	shalt  }
0x7f: {  	_ =	shalt  }
0x80: {  	_ =	shalt  }
0x81: {  	_ =	shalt  }
0x82: {  	_ =	shalt  }
0x83: {  	_ =	shalt  }
0x84: {  	_ =	shalt  }
0x85: {  	_ =	shalt  }
0x86: {  	_ =	shalt  }
0x87: {  	_ =	shalt  }
.Lfunc_end0:
.L_simem_size_0:
called_computation.2_lowered:
.L_overlay_start_0:
0x88: {  	s2 =	sld [smem:$0x3FD9]  }
0x89: {  	s3 =	sld [smem:$0x3FFE];
	_ =	sdelay $0x1  }
0x8a: {  	s1 =	srdreg.scid  }
0x8b: {  	s0 =	sand.u32 $0x1, s1  }
0x8c: {  	s16 =	sshll.u32 s0, $0xA;
	s2 =	sadd.s32 s3, s2  }
0x8d: {  	s2 =	sadd.s32 s2, s16  }
0x8e: {  	[smem:$0x3FB2] =	sst s2  }
0x8f: {  	_ = 	snop  }
0x90: {  	(tm) =	ssettm $0x1  }
0x91: {  	s17 =	sld [smem:$0x3FFB];
	_ =	sdelay $0x3  }
0x92: {  	_ =	strace s17  }
0x93: {  	s2 =	sld [smem:$0x3FFC];
	_ =	sdelay $0x3  }
0x94: {  	_ =	strace s2  }
0x95: {  	s2 =	sld [smem:$0x3FFD];
	_ =	sdelay $0x3  }
0x96: {  	_ =	strace s2  }
0x97: {  	_ =	strace $0x8FFFFFFF  }
0x98: {  	s18 =	sld [smem:$0x3FDB];
	_ =	sdelay $0x1  }
0x99: {  	s19 =	simm.s32 $_scs_section_size  }
0x9a: {  	s4 =	simm.s32 $_size__tile_overlayer_lowered;
	s5 =	simm.s32 $_tile_overlayer_lowered  }
0x9b: {  	s22 =	simm.s32 $0x1BFF;
	s21 =	sshll.u32 s5, $0x1;
	s2 =	sadd.s32 s19, s18  }
0x9c: {  	s6 =	simm.s32 $0x0;
	s20 =	sshll.u32 s4, $0x1;
	s4 =	sadd.s32 s21, s2  }
0x9d: {  	[timem:s6], [sflag:s22] =	dma.local [hbm:s4], s20  }
0x9e: {  	_ =	swait.ge [sflag:s22], s20  }
0x9f: {  	s3 =	ssub.s32 $0x0, s20;
	[sflag:s22] =	ssyncset.done $0x0  }
0xa0: {  	[sflag:s22] =	ssyncadd.s32 s3;
	_ =	sdelay $0x1  }
0xa1: {  	s23 =	simm.s32 $0x1B8B  }
0xa2: {  	_ =	swait.ge [sflag:s23], $0x1  }
0xa3: {  	[sflag:s23] =	ssyncset.done $0x0  }
0xa4: {  	s25 =	simm.s32 $0x1B8E;
	s24 =	sld [smem:$0x3FFE];
	[sflag:s23] =	ssyncadd.s32 $0xFFFFFFFF  }
0xa5: {  	s26 =	simm.s32 $execute0_lowered;
	[smem:$0x3FD2] =	sst s25  }
0xa6: {  	s4 =	sshll.u32 s26, $0x1;
	_ =	strace $0x8000004C;
	[dreg:$0x1] =	wrdreg $0xFFFFFFFF  }
0xa7: {  	s28 =	simm.s32 $_size_execute0_lowered;
	s2 =	sadd.s32 s2, s4;
	[dreg:$0x0] =	wrdreg $0x0  }
0xa8: {  	s4 =	sshll.u32 s28, $0x1;
	[dreg:$0x2] =	wrdreg s2  }
0xa9: {  	[dreg:$0x3] =	wrdreg s4  }
0xaa: {  	[dreg:$0x4] =	wrdreg $0xC0  }
0xab: {  	_ =	task [dreg:s6], $0x5FFFF  }
0xac: {  	[dreg:$0x1] =	wrdreg $0xFFFFFFFF  }
0xad: {  	[dreg:$0x0] =	wrdreg $0x60  }
0xae: {  	[dreg:$0x2] =	wrdreg s24  }
0xaf: {  	[dreg:$0x3] =	wrdreg $0x0  }
0xb0: {  	[dreg:$0x4] =	wrdreg $0x9  }
0xb1: {  	_ =	task.clear_ibuf [dreg:s6], $0x5FFFF;
	_ =	strace $0x9000004C  }
0xb2: {  	s29 =	simm.s32 $0x9;
	_ =	strace $0x8000004E  }
0xb3: {  	_ =	swait.ge [sflag:s29], $0x1  }
0xb4: {  	[sflag:s29] =	ssyncadd.s32 $0xFFFFFFFF  }
0xb5: {  	_ =	strace $0x9000004E  }
0xb6: {  	_ =	sfence  }
0xb7: {  	s30 =	sld [smem:$0x0];
	_ =	sdelay $0x2  }
0xb8: {  	s31 =	sshll.u32 s1, $0xD;
	s1 =	sshrl.u32 s1, $0x2  }
0xb9: {  	s3 =	sand.u32 $0x4000, s31;
	s1 =	sadd.s32 s1, s30  }
0xba: {  	s0 =	sor.u32 s3, s0;
	s1 =	sshll.u32 s1, $0x11  }
0xbb: {  	s0 =	sor.u32 s1, s0  }
0xbc: {  	s0 =	sadd.s32 $0x8F2B, s0  }
0xbd: {  	[sflag:s0] =	ssyncadd.remote.s32 $0x1  }
0xbe: {  	_ =	sfence.sel $0xFFFF  }
0xbf: {  	[dreg:$0x0] =	wrdreg $0xFFFFFFFF;
	(pc) =	sbr.abs _section_cstart, $3  }
0xc0: {  	[dreg:$0x1] =	wrdreg $0xFFFFFFFF  }
0xc1: {  	_ =	task.clear_ibuf [dreg:s6], $0x2FFFF;
	_ =	strace $0x9FFFFFFF  }
0xc2: {  	(tm) =	ssettm $0x7FFFFFFF  }
0xc3: {  	_ =	shalt  }
tec
execute0_lowered:
.L_overlay_start_1:
0x0: {  	(tag) =	ssettag $0x1  }
0x1: {  	s4 =	rddreg [dreg:$0x0]  }
0x2: {  	s0 =	srdreg.scid;
	s1 =	rddreg [dreg:$0x1];
	s3 =	simm.s32 $0x0  }
0x3: {  	s2 =	stileid.u32;
	s14 =	simm.s32 $0x64;
	s15 =	simm.s32 $0x17800  }
0x4: {  	s16 =	simm.s32 $0x1AC00;
	s17 =	simm.s32 $0x1;
	s23 =	smul.u32 $0x2800, s2  }
0x5: {  	s18 =	simm.s32 $0x2;
	s19 =	simm.s32 $0x15880;
	s9 =	smul.u32 $0x50000, s2  }
0x6: {  	s20 =	simm.s32 $0x17400;
	s5 =	sand.u32 $0x1, s0;
	s12 =	smul.u32 $0x700, s2  }
0x7: {  	s21 =	simm.s32 $0x17480;
	s0 =	rddreg [dreg:$0x2];
	s6 =	smul.u32 $0x27100, s5  }
0x8: {  	[smem:$0x7FF] =	sst s3;
	s30 =	sshll.u32 s2, $0x6;
	s7 =	smul.u32 $0x7000, s5  }
0x9: {  	_ =	strace $0x8000004D;
	s8 =	smul.u32 $0x28000, s5;
	s5 =	ssub.s32 $0x2, s5  }
0xa: {  	s10 =	sadd.s32 s23, s4;
	s11 =	sshrl.u32 s5, $0x1;
	s29 =	sshrl.u32 s9, $0x2  }
0xb: {  	s6 =	sadd.s32 s6, s4;
	s7 =	sadd.s32 s7, s4;
	s8 =	sadd.s32 s8, s4  }
0xc: {  	s11 =	ssub.s32 s5, s11;
	s9 =	sadd.s32 s29, s1;
	s4 =	sadd.s32 $0x6D400, s10  }
0xd: {  	s5 =	sor.u32 $0x1C03, s30;
	s31 =	sadd.s32 $0x3200, s7;
	s13 =	sadd.s32 $0x11200, s7  }
0xe: {  	s6 =	sadd.s32 $0x1F200, s6;
	s24 =	sadd.s32 $0x95400, s8;
	s7 =	smax.u32 s11, $0x1  }
0xf: {  	s8 =	sshrl.u32 s9, $0x3;
	s9 =	simm.s32 $0x3;
	s11 =	simm.s32 $0x14000  }
0x10: {  	s10 =	sadd.s32 s12, s31;
	s12 =	sadd.s32 s12, s13;
	s13 =	simm.s32 $0x15C00  }
0x11: {  	s23 =	sadd.s32 s23, s24;
	s24 =	simm.s32 $0x0;
	s22 =	sadd.s32 $0x380, s10  }
.LBB2_1:
0x12: {  	[spmem:s8], [sflag:s5] =	dma.local [hbm:s4], $0x2800  }
0x13: {  	_ =	swait.ge [sflag:s9], $0x2800  }
0x14: {  	[sflag:s9] =	ssyncset.done $0x0  }
0x15: {  	[sflag:s9] =	ssyncadd.s32 $0xFFFFD800  }
0x16: {  	[bflag:$0x0] =	sbarrier.arrive $0xFFFF  }
0x17: {  	[tilespmem:s11], [sflag:$0x3] =	stream.linear.gather [hbm4b:s10+s3], $0x1900, $0x38;
	[tilespmem:$0x1E000] =	vst v63  }
0x18: {  	_ =	swait.ge [sflag:s9], $0x1900  }
0x19: {  	[sflag:s9] =	ssyncset.done $0x0  }
0x1a: {  	[sflag:s9] =	ssyncadd.s32 $0xFFFFE700  }
0x1b: {  	[tilespmem:s13], [sflag:$0x3] =	stream.linear.gather [hbm4b:s12+s3], $0x1900, $0x38;
	[tilespmem:$0x1E000] =	vst v63  }
0x1c: {  	_ =	swait.ge [sflag:s9], $0x1900  }
0x1d: {  	[sflag:s9] =	ssyncset.done $0x0  }
0x1e: {  	[sflag:s9] =	ssyncadd.s32 $0xFFFFE700  }
0x1f: {  	[tilespmem:s15], [sflag:$0x1] =	stream.indirect.gather [hbm4b:s6+s14], $0x80, s11, s14, $0xb8;
	[tilespmem:$0x1E000] =	vst v63  }
0x20: {  	s25 =	simm.s32 $0x14080  }
0x21: {  	[tilespmem:s16], [sflag:$0x2] =	stream.indirect.gather [hbm4b:s6+s14], $0x80, s25, s14, $0xb8;
	[tilespmem:$0x1E000] =	vst v63  }
0x22: {  	_ =	swait.ge [sflag:s17], $0x3200  }
0x23: {  	[sflag:s17] =	ssyncset.done $0x0  }
0x24: {  	s29 =	simm.s32 $0x15C00;
	[sflag:s17] =	ssyncadd.s32 $0xFFFFCE00  }
0x25: {  	[spmem:s1] =	stream.indirect.scatter.add.f32 [tilespmem:s15], [sflag:$0x3], $0x80, s29, s14, $0xb8;
	[tilespmem:$0x1E000] =	vst v63  }
0x26: {  	_ =	swait.ge [sflag:s9], $0x3200  }
0x27: {  	[sflag:s9] =	ssyncset.done $0x0  }
0x28: {  	s30 =	simm.s32 $0x14100;
	[sflag:s9] =	ssyncadd.s32 $0xFFFFCE00  }
0x29: {  	[tilespmem:s15], [sflag:$0x1] =	stream.indirect.gather [hbm4b:s6+s14], $0x80, s30, s14, $0xb8;
	[tilespmem:$0x1E000] =	vst v63  }
0x2a: {  	_ =	swait.ge [sflag:s18], $0x3200  }
0x2b: {  	[sflag:s18] =	ssyncset.done $0x0  }
0x2c: {  	s31 =	simm.s32 $0x15C80;
	[sflag:s18] =	ssyncadd.s32 $0xFFFFCE00  }
0x2d: {  	[spmem:s1] =	stream.indirect.scatter.add.f32 [tilespmem:s16], [sflag:$0x3], $0x80, s31, s14, $0xb8;
	[tilespmem:$0x1E000] =	vst v63  }
0x2e: {  	_ =	swait.ge [sflag:s9], $0x3200  }
0x2f: {  	s26 =	simm.s32 $0x800;
	s25 =	simm.s32 $0x100;
	[sflag:s9] =	ssyncset.done $0x0  }
.LBB2_2:
0x30: {  	s28 =	sadd.s32 $0x14080, s25  }
0x31: {  	[sflag:s9] =	ssyncadd.s32 $0xFFFFCE00;
	s29 =	smov.u32 s26;
	s30 =	sadd.s32 $0x400, s26  }
0x32: {  	[tilespmem:s16], [sflag:$0x2] =	stream.indirect.gather [hbm4b:s6+s14], $0x80, s28, s14, $0xb8;
	[tilespmem:$0x1E000] =	vst v63  }
0x33: {  	p0 =	sne.s32 s26, $0x5C00;
	_ =	swait.ge [sflag:s17], $0x3200  }
0x34: {  	[sflag:s17] =	ssyncset.done $0x0  }
0x35: {  	s26 =	sadd.s32 $0x15C00, s25;
	[sflag:s17] =	ssyncadd.s32 $0xFFFFCE00  }
0x36: {  	[spmem:s1] =	stream.indirect.scatter.add.f32 [tilespmem:s15], [sflag:$0x3], $0x80, s26, s14, $0xb8;
	[tilespmem:$0x1E000] =	vst v63  }
0x37: {  	_ =	swait.ge [sflag:s9], $0x3200  }
0x38: {  	[sflag:s9] =	ssyncset.done $0x0  }
0x39: {  	s26 =	sadd.s32 $0x14100, s25;
	[sflag:s9] =	ssyncadd.s32 $0xFFFFCE00  }
0x3a: {  	[tilespmem:s15], [sflag:$0x1] =	stream.indirect.gather [hbm4b:s6+s14], $0x80, s26, s14, $0xb8;
	[tilespmem:$0x1E000] =	vst v63  }
0x3b: {  	_ =	swait.ge [sflag:s18], $0x3200  }
.Ltmp0:
0x3c: {  	[sflag:s18] =	ssyncset.done $0x0;
	(pc) =	sbr.rel @p0 .LBB2_2-.Ltmp0, $4  }
0x3d: {  	s25 =	sadd.s32 $0x15C80, s25;
	[sflag:s18] =	ssyncadd.s32 $0xFFFFCE00  }
0x3e: {  	[spmem:s1] =	stream.indirect.scatter.add.f32 [tilespmem:s16], [sflag:$0x3], $0x80, s25, s14, $0xb8;
	[tilespmem:$0x1E000] =	vst v63  }
0x3f: {  	_ =	swait.ge [sflag:s9], $0x3200  }
0x40: {  	s26 =	smov.u32 s30;
	s25 =	sshra.s32 s29, $0x2;
	[sflag:s9] =	ssyncset.done $0x0  }
0x41: {  	s26 =	sadd.s32 $0x14080, s25;
	[sflag:s9] =	ssyncadd.s32 $0xFFFFCE00  }
0x42: {  	[tilespmem:s16], [sflag:$0x2] =	stream.indirect.gather [hbm4b:s6+s14], $0x80, s26, s14, $0xb8;
	[tilespmem:$0x1E000] =	vst v63  }
0x43: {  	_ =	swait.ge [sflag:s17], $0x3200  }
0x44: {  	[sflag:s17] =	ssyncset.done $0x0  }
0x45: {  	s31 =	sadd.s32 $0x15C00, s25;
	[sflag:s17] =	ssyncadd.s32 $0xFFFFCE00  }
0x46: {  	[spmem:s1] =	stream.indirect.scatter.add.f32 [tilespmem:s15], [sflag:$0x3], $0x80, s31, s14, $0xb8;
	[tilespmem:$0x1E000] =	vst v63  }
0x47: {  	_ =	swait.ge [sflag:s9], $0x3200  }
0x48: {  	[sflag:s9] =	ssyncset.done $0x0  }
0x49: {  	s28 =	sadd.s32 $0x14100, s25;
	[sflag:s9] =	ssyncadd.s32 $0xFFFFCE00  }
0x4a: {  	[tilespmem:s15], [sflag:$0x1] =	stream.indirect.gather [hbm4b:s6+s14], $0x80, s28, s14, $0xb8;
	[tilespmem:$0x1E000] =	vst v63  }
0x4b: {  	_ =	swait.ge [sflag:s18], $0x3200  }
0x4c: {  	[sflag:s18] =	ssyncset.done $0x0  }
0x4d: {  	s29 =	sadd.s32 $0x15C80, s25;
	[sflag:s18] =	ssyncadd.s32 $0xFFFFCE00  }
0x4e: {  	[spmem:s1] =	stream.indirect.scatter.add.f32 [tilespmem:s16], [sflag:$0x3], $0x80, s29, s14, $0xb8;
	[tilespmem:$0x1E000] =	vst v63  }
0x4f: {  	_ =	swait.ge [sflag:s9], $0x3200  }
0x50: {  	[sflag:s9] =	ssyncset.done $0x0  }
0x51: {  	[sflag:s9] =	ssyncadd.s32 $0xFFFFCE00  }
0x52: {  	[tilespmem:s16], [sflag:$0x2] =	stream.indirect.gather [hbm4b:s6+s14], $0x80, s19, s14, $0xb8;
	[tilespmem:$0x1E000] =	vst v63  }
0x53: {  	_ =	swait.ge [sflag:s17], $0x3200  }
0x54: {  	[sflag:s17] =	ssyncset.done $0x0  }
0x55: {  	[sflag:s17] =	ssyncadd.s32 $0xFFFFCE00  }
0x56: {  	[spmem:s1] =	stream.indirect.scatter.add.f32 [tilespmem:s15], [sflag:$0x3], $0x80, s20, s14, $0xb8;
	[tilespmem:$0x1E000] =	vst v63  }
0x57: {  	_ =	swait.ge [sflag:s9], $0x3200  }
0x58: {  	[sflag:s9] =	ssyncset.done $0x0  }
0x59: {  	[sflag:s9] =	ssyncadd.s32 $0xFFFFCE00  }
0x5a: {  	_ =	swait.ge [sflag:s18], $0x3200  }
0x5b: {  	[sflag:s18] =	ssyncset.done $0x0  }
0x5c: {  	[sflag:s18] =	ssyncadd.s32 $0xFFFFCE00  }
0x5d: {  	[spmem:s1] =	stream.indirect.scatter.add.f32 [tilespmem:s16], [sflag:$0x3], $0x80, s21, s14, $0xb8;
	[tilespmem:$0x1E000] =	vst v63  }
0x5e: {  	_ =	swait.ge [sflag:s9], $0x3200  }
0x5f: {  	[sflag:s9] =	ssyncset.done $0x0  }
0x60: {  	s30 =	simm.s32 $0x0;
	[sflag:s9] =	ssyncadd.s32 $0xFFFFCE00  }
0x61: {  	[tilespmem:s11], [sflag:$0x3] =	stream.linear.gather [hbm4b:s22+s30], $0x1900, $0x38;
	[tilespmem:$0x1E000] =	vst v63  }
0x62: {  	_ =	swait.ge [sflag:s9], $0x1900  }
0x63: {  	[sflag:s9] =	ssyncset.done $0x0  }
0x64: {  	s31 =	sadd.s32 $0x380, s12;
	[sflag:s9] =	ssyncadd.s32 $0xFFFFE700  }
0x65: {  	[tilespmem:s13], [sflag:$0x3] =	stream.linear.gather [hbm4b:s31+s30], $0x1900, $0x38;
	[tilespmem:$0x1E000] =	vst v63  }
0x66: {  	_ =	swait.ge [sflag:s9], $0x1900  }
0x67: {  	[sflag:s9] =	ssyncset.done $0x0  }
0x68: {  	[sflag:s9] =	ssyncadd.s32 $0xFFFFE700  }
0x69: {  	[tilespmem:s15], [sflag:$0x1] =	stream.indirect.gather [hbm4b:s6+s14], $0x80, s11, s14, $0xb8;
	[tilespmem:$0x1E000] =	vst v63  }
0x6a: {  	s28 =	simm.s32 $0x14080  }
0x6b: {  	[tilespmem:s16], [sflag:$0x2] =	stream.indirect.gather [hbm4b:s6+s14], $0x80, s28, s14, $0xb8;
	[tilespmem:$0x1E000] =	vst v63  }
0x6c: {  	_ =	swait.ge [sflag:s17], $0x3200  }
0x6d: {  	[sflag:s17] =	ssyncset.done $0x0  }
0x6e: {  	s29 =	simm.s32 $0x15C00;
	[sflag:s17] =	ssyncadd.s32 $0xFFFFCE00  }
0x6f: {  	[spmem:s1] =	stream.indirect.scatter.add.f32 [tilespmem:s15], [sflag:$0x3], $0x80, s29, s14, $0xb8;
	[tilespmem:$0x1E000] =	vst v63  }
0x70: {  	_ =	swait.ge [sflag:s9], $0x3200  }
0x71: {  	[sflag:s9] =	ssyncset.done $0x0  }
0x72: {  	s30 =	simm.s32 $0x14100;
	[sflag:s9] =	ssyncadd.s32 $0xFFFFCE00  }
0x73: {  	[tilespmem:s15], [sflag:$0x1] =	stream.indirect.gather [hbm4b:s6+s14], $0x80, s30, s14, $0xb8;
	[tilespmem:$0x1E000] =	vst v63  }
0x74: {  	_ =	swait.ge [sflag:s18], $0x3200  }
0x75: {  	[sflag:s18] =	ssyncset.done $0x0  }
0x76: {  	s31 =	simm.s32 $0x15C80;
	[sflag:s18] =	ssyncadd.s32 $0xFFFFCE00  }
0x77: {  	[spmem:s1] =	stream.indirect.scatter.add.f32 [tilespmem:s16], [sflag:$0x3], $0x80, s31, s14, $0xb8;
	[tilespmem:$0x1E000] =	vst v63  }
0x78: {  	_ =	swait.ge [sflag:s9], $0x3200  }
0x79: {  	s25 =	simm.s32 $0x100;
	s26 =	simm.s32 $0x800;
	[sflag:s9] =	ssyncset.done $0x0  }
.LBB2_4:
0x7a: {  	s28 =	sadd.s32 $0x14080, s25  }
0x7b: {  	[sflag:s9] =	ssyncadd.s32 $0xFFFFCE00;
	s29 =	smov.u32 s26;
	s30 =	sadd.s32 $0x400, s26  }
0x7c: {  	[tilespmem:s16], [sflag:$0x2] =	stream.indirect.gather [hbm4b:s6+s14], $0x80, s28, s14, $0xb8;
	[tilespmem:$0x1E000] =	vst v63  }
0x7d: {  	p0 =	sne.s32 s26, $0x5C00;
	_ =	swait.ge [sflag:s17], $0x3200  }
0x7e: {  	[sflag:s17] =	ssyncset.done $0x0  }
0x7f: {  	s26 =	sadd.s32 $0x15C00, s25;
	[sflag:s17] =	ssyncadd.s32 $0xFFFFCE00  }
0x80: {  	[spmem:s1] =	stream.indirect.scatter.add.f32 [tilespmem:s15], [sflag:$0x3], $0x80, s26, s14, $0xb8;
	[tilespmem:$0x1E000] =	vst v63  }
0x81: {  	_ =	swait.ge [sflag:s9], $0x3200  }
0x82: {  	[sflag:s9] =	ssyncset.done $0x0  }
0x83: {  	s26 =	sadd.s32 $0x14100, s25;
	[sflag:s9] =	ssyncadd.s32 $0xFFFFCE00  }
0x84: {  	[tilespmem:s15], [sflag:$0x1] =	stream.indirect.gather [hbm4b:s6+s14], $0x80, s26, s14, $0xb8;
	[tilespmem:$0x1E000] =	vst v63  }
0x85: {  	_ =	swait.ge [sflag:s18], $0x3200  }
.Ltmp1:
0x86: {  	[sflag:s18] =	ssyncset.done $0x0;
	(pc) =	sbr.rel @p0 .LBB2_4-.Ltmp1, $4  }
0x87: {  	s25 =	sadd.s32 $0x15C80, s25;
	[sflag:s18] =	ssyncadd.s32 $0xFFFFCE00  }
0x88: {  	[spmem:s1] =	stream.indirect.scatter.add.f32 [tilespmem:s16], [sflag:$0x3], $0x80, s25, s14, $0xb8;
	[tilespmem:$0x1E000] =	vst v63  }
0x89: {  	_ =	swait.ge [sflag:s9], $0x3200  }
0x8a: {  	s26 =	smov.u32 s30;
	s25 =	sshra.s32 s29, $0x2;
	[sflag:s9] =	ssyncset.done $0x0  }
0x8b: {  	s26 =	sadd.s32 $0x14080, s25;
	[sflag:s9] =	ssyncadd.s32 $0xFFFFCE00  }
0x8c: {  	[tilespmem:s16], [sflag:$0x2] =	stream.indirect.gather [hbm4b:s6+s14], $0x80, s26, s14, $0xb8;
	[tilespmem:$0x1E000] =	vst v63  }
0x8d: {  	_ =	swait.ge [sflag:s17], $0x3200  }
0x8e: {  	[sflag:s17] =	ssyncset.done $0x0  }
0x8f: {  	s29 =	sadd.s32 $0x15C00, s25;
	[sflag:s17] =	ssyncadd.s32 $0xFFFFCE00  }
0x90: {  	[spmem:s1] =	stream.indirect.scatter.add.f32 [tilespmem:s15], [sflag:$0x3], $0x80, s29, s14, $0xb8;
	[tilespmem:$0x1E000] =	vst v63  }
0x91: {  	_ =	swait.ge [sflag:s9], $0x3200  }
0x92: {  	[sflag:s9] =	ssyncset.done $0x0  }
0x93: {  	s30 =	sadd.s32 $0x14100, s25;
	[sflag:s9] =	ssyncadd.s32 $0xFFFFCE00  }
0x94: {  	[tilespmem:s15], [sflag:$0x1] =	stream.indirect.gather [hbm4b:s6+s14], $0x80, s30, s14, $0xb8;
	[tilespmem:$0x1E000] =	vst v63  }
0x95: {  	_ =	swait.ge [sflag:s18], $0x3200  }
0x96: {  	[sflag:s18] =	ssyncset.done $0x0  }
0x97: {  	s31 =	sadd.s32 $0x15C80, s25;
	[sflag:s18] =	ssyncadd.s32 $0xFFFFCE00  }
0x98: {  	[spmem:s1] =	stream.indirect.scatter.add.f32 [tilespmem:s16], [sflag:$0x3], $0x80, s31, s14, $0xb8;
	[tilespmem:$0x1E000] =	vst v63  }
0x99: {  	_ =	swait.ge [sflag:s9], $0x3200  }
0x9a: {  	[sflag:s9] =	ssyncset.done $0x0  }
0x9b: {  	[sflag:s9] =	ssyncadd.s32 $0xFFFFCE00  }
0x9c: {  	[tilespmem:s16], [sflag:$0x2] =	stream.indirect.gather [hbm4b:s6+s14], $0x80, s19, s14, $0xb8;
	[tilespmem:$0x1E000] =	vst v63  }
0x9d: {  	_ =	swait.ge [sflag:s17], $0x3200  }
0x9e: {  	[sflag:s17] =	ssyncset.done $0x0  }
0x9f: {  	[sflag:s17] =	ssyncadd.s32 $0xFFFFCE00  }
0xa0: {  	[spmem:s1] =	stream.indirect.scatter.add.f32 [tilespmem:s15], [sflag:$0x3], $0x80, s20, s14, $0xb8;
	[tilespmem:$0x1E000] =	vst v63  }
0xa1: {  	_ =	swait.ge [sflag:s9], $0x3200  }
0xa2: {  	[sflag:s9] =	ssyncset.done $0x0  }
0xa3: {  	[sflag:s9] =	ssyncadd.s32 $0xFFFFCE00  }
0xa4: {  	_ =	swait.ge [sflag:s18], $0x3200  }
0xa5: {  	[sflag:s18] =	ssyncset.done $0x0  }
0xa6: {  	[sflag:s18] =	ssyncadd.s32 $0xFFFFCE00  }
0xa7: {  	[spmem:s1] =	stream.indirect.scatter.add.f32 [tilespmem:s16], [sflag:$0x3], $0x80, s21, s14, $0xb8;
	[tilespmem:$0x1E000] =	vst v63  }
0xa8: {  	_ =	swait.ge [sflag:s9], $0x3200  }
0xa9: {  	s24 =	sadd.s32 $0x1, s24;
	[sflag:s9] =	ssyncset.done $0x0  }
0xaa: {  	p0 =	sne.s32 s24, s7;
	[sflag:s9] =	ssyncadd.s32 $0xFFFFCE00  }
.Ltmp2:
0xab: {  	[bflag:$0x0] =	sbarrier.arrive $0xFFFF;
	(pc) =	sbr.rel @p0 .LBB2_1-.Ltmp2, $4  }
0xac: {  	[hbm:s23], [sflag:s5] =	dma.local [spmem:s8], $0x2800  }
0xad: {  	_ =	swait.ge [sflag:s9], $0x2800  }
0xae: {  	[sflag:s9] =	ssyncset.done $0x0  }
0xaf: {  	[sflag:s9] =	ssyncadd.s32 $0xFFFFD800  }
0xb0: {  	_ =	sfence.sel $0x180000  }
0xb1: {  	[bflag:$0x0] =	sbarrier.arrive $0xFFFF  }
0xb2: {  	p0 =	sne.s32 s2, $0x0;
	_ =	strace $0x9000004D  }
0xb3: {  	s0 =	sadd.s32 @!p0 $0x100000, s0;
	[bflag:$0x2] =	sbarrier.arrive $0xFFFF  }
0xb4: {  	[sflag:s0] =	ssyncadd.tile.s32 @!p0 $0x1;
	_ =	shalt  }
.Lfunc_end2:
_tile_overlayer_lowered:
.L_overlay_start_2:
0xb5: {  	(tag) =	ssettag $0x2  }
0xb6: {  	s0 =	rddreg [dreg:$0x0];
	s2 =	stileid.u32  }
0xb7: {  	s1 =	rddreg [dreg:$0x1];
	p0 =	sne.s32 s2, $0x0  }
0xb8: {  	s3 =	rddreg [dreg:$0x2];
	[bflag:$0x3] =	sbarrier.arrive $0xFFFF;
	s2 =	simm.s32 @!p0 $0x1C03  }
0xb9: {  	[timem:s3], [sflag:s2] =	dma.local @!p0 [hbm:s0], s1  }
0xba: {  	s0 =	simm.s32 @!p0 $0x3  }
0xbb: {  	_ =	swait.ge @!p0 [sflag:s0], s1  }
0xbc: {  	s1 =	ssub.s32 @!p0 $0x0, s1;
	[sflag:s0] =	ssyncset.done @!p0 $0x0  }
0xbd: {  	[sflag:s0] =	ssyncadd.s32 @!p0 s1  }
0xbe: {  	[bflag:$0x3] =	sbarrier.arrive $0xFFFF  }
0xbf: {  	_ =	shalt  }

// kernel: kernel.9.cloned.1.call-start
scs
__scs_entry_jumppad:
0x0: {  	(pc) =	sbr.rel $0x88, $3  }
0x1: {  	(tag) =	ssettag $0x0;
	lr =	simm.s32 $0x1  }
0x2: {  	[smem:$0x3F8B] =	sst lr;
	_ =	strace $0xD0000000  }
0x3: {  	_ = 	snop  }
0x4: {  	_ = 	snop  }
0x5: {  	_ = 	snop  }
0x6: {  	_ = 	snop  }
0x7: {  	_ = 	snop  }
__scs_overlays_trampoline_lowered:
0x8: {  	[smem:$0x3F9A] =	sst s0  }
0x9: {  	[smem:$0x3F9B] =	sst s1  }
0xa: {  	[smem:$0x3F9C] =	sst s2  }
0xb: {  	[smem:$0x3F9D] =	sst s3  }
0xc: {  	[smem:$0x3F9E] =	sst s4  }
0xd: {  	[smem:$0x3F9F] =	sst s5  }
0xe: {  	[smem:$0x3FA0] =	sst s6  }
0xf: {  	[smem:$0x3FA1] =	sst s7  }
0x10: {  	[smem:$0x3FA2] =	sst s8  }
0x11: {  	[smem:$0x3FA3] =	sst s9;
	s0 =	simm.s32 @!p0 $0x0  }
0x12: {  	s1 =	sld [smem:$0x3F89];
	s0 =	simm.s32 @p0 $0x1  }
0x13: {  	[smem:$0x3FA4] =	sst s0;
	s0 =	simm.s32 @!p1 $0x0  }
0x14: {  	s2 =	sld [smem:$0x3F88];
	s0 =	simm.s32 @p1 $0x1  }
0x15: {  	[smem:$0x3FA5] =	sst s0;
	s0 =	simm.s32 @!p2 $0x0  }
0x16: {  	s3 =	sld [smem:$0x3FDB];
	s0 =	simm.s32 @p2 $0x1  }
0x17: {  	s4 =	simm.s32 $0x1BF5;
	[smem:$0x3FA7] =	sst s0  }
0x18: {  	s0 =	sld [smem:$0x3F8A];
	_ =	swait.ge [sflag:s4], $0x0  }
0x19: {  	s7 =	sld [smem:$0x3F8B]  }
0x1a: {  	s8 =	sadd.s32 $0xFFFFE003, lr  }
0x1b: {  	s9 =	sadd.s32 $0xFFFFFEF7, lr;
	s5 =	simm.s32 $0xFFFFFFFF;
	p2 =	slt.u32 s8, $0xFFFFF086  }
0x1c: {  	p1 =	slt.u32 s9, $0xF7A;
	s5 =	simm.s32 @!p2 $0x0  }
0x1d: {  	s5 =	simm.s32 @p1 $0x1;
	p0 =	seq.s32 s7, s2  }
0x1e: {  	s7 =	smul.u32 @!p0 $0xF7A, s2;
	p2 =	seq.s32 @!p0 s5, $0x0  }
0x1f: {  	s9 =	smul.u32 $0xF7A, s1;
	s8 =	simm.s32 @!p0 $0x1BF5;
	p2 =	por !p2, p0  }
0x20: {  	[sflag:s8] =	ssyncset.s32 @!p0 $0xFFFFF086;
	s6 =	sadd.s32 @!p0 s3, s7;
	s7 =	simm.s32 @!p0 $0x108  }
0x21: {  	s3 =	sadd.s32 s3, s9;
	s6 =	sadd.s32 @!p0 $0x88, s6;
	s7 =	simm.s32 @p2 $0x1082  }
0x22: {  	[simem:s7], [sflag:s8] =	dma.local @!p0 [hbm:s6], $0xF7A  }
0x23: {  	s9 =	sor.u32 $0xD0000000, s2;
	s6 =	simm.s32 $0x108;
	_ =	swait.ge @!p0 [sflag:s8], $0x0  }
0x24: {  	s3 =	sadd.s32 $0x88, s3;
	s6 =	simm.s32 @!p1 $0x1082;
	[sflag:s4] =	ssyncset.s32 $0xFFFFF086  }
0x25: {  	[simem:s6], [sflag:s4] =	dma.local [hbm:s3], $0xF7A  }
0x26: {  	[smem:$0x3F8B] =	sst s1;
	(tag) =	ssettag s2;
	_ =	strace s9  }
0x27: {  	s1 =	sld [smem:$0x3F9B]  }
0x28: {  	s2 =	sld [smem:$0x3F9C]  }
0x29: {  	s4 =	sld [smem:$0x3F9E]  }
0x2a: {  	p0 =	seq.s32 s5, $0x0;
	s5 =	sld [smem:$0x3F9F]  }
0x2b: {  	s6 =	sld [smem:$0x3FA0]  }
0x2c: {  	s7 =	sld [smem:$0x3FA1]  }
0x2d: {  	s3 =	simm.s32 $0x108;
	s8 =	sld [smem:$0x3FA2]  }
0x2e: {  	s3 =	simm.s32 @!p0 $0x1082;
	s9 =	sld [smem:$0x3FA3]  }
0x2f: {  	lr =	sadd.s32 s0, s3;
	s0 =	sld [smem:$0x3F9A]  }
0x30: {  	s3 =	sld [smem:$0x3F9D]  }
0x31: {  	[smem:$0x3FA6] =	sst s10  }
0x32: {  	s10 =	sld [smem:$0x3FA4];
	_ =	sdelay $0x3  }
0x33: {  	p0 =	seq.s32 s10, $0x1;
	s10 =	sld [smem:$0x3FA6];
	_ =	sdelay $0x3  }
0x34: {  	[smem:$0x3FA6] =	sst s10  }
0x35: {  	s10 =	sld [smem:$0x3FA5];
	_ =	sdelay $0x3  }
0x36: {  	p1 =	seq.s32 s10, $0x1;
	s10 =	sld [smem:$0x3FA6];
	_ =	sdelay $0x3  }
0x37: {  	[smem:$0x3FA6] =	sst s10  }
0x38: {  	s10 =	sld [smem:$0x3FA7]  }
0x39: {  	_ = 	snop;
	(pc) =	sbr.ind lr, $3  }
0x3a: {  	_ = 	snop  }
0x3b: {  	_ = 	snop  }
0x3c: {  	p2 =	seq.s32 s10, $0x1;
	s10 =	sld [smem:$0x3FA6]  }
0x3d: {  	_ =	shalt  }
0x3e: {  	_ =	shalt  }
0x3f: {  	_ =	shalt  }
0x40: {  	_ =	shalt  }
0x41: {  	_ =	shalt  }
0x42: {  	_ =	shalt  }
0x43: {  	_ =	shalt  }
0x44: {  	_ =	shalt  }
0x45: {  	_ =	shalt  }
0x46: {  	_ =	shalt  }
0x47: {  	_ =	shalt  }
0x48: {  	_ =	shalt  }
0x49: {  	_ =	shalt  }
0x4a: {  	_ =	shalt  }
0x4b: {  	_ =	shalt  }
0x4c: {  	_ =	shalt  }
0x4d: {  	_ =	shalt  }
0x4e: {  	_ =	shalt  }
0x4f: {  	_ =	shalt  }
0x50: {  	_ =	shalt  }
0x51: {  	_ =	shalt  }
0x52: {  	_ =	shalt  }
0x53: {  	_ =	shalt  }
0x54: {  	_ =	shalt  }
0x55: {  	_ =	shalt  }
0x56: {  	_ =	shalt  }
0x57: {  	_ =	shalt  }
0x58: {  	_ =	shalt  }
0x59: {  	_ =	shalt  }
0x5a: {  	_ =	shalt  }
0x5b: {  	_ =	shalt  }
0x5c: {  	_ =	shalt  }
0x5d: {  	_ =	shalt  }
0x5e: {  	_ =	shalt  }
0x5f: {  	_ =	shalt  }
0x60: {  	_ =	shalt  }
0x61: {  	_ =	shalt  }
0x62: {  	_ =	shalt  }
0x63: {  	_ =	shalt  }
0x64: {  	_ =	shalt  }
0x65: {  	_ =	shalt  }
0x66: {  	_ =	shalt  }
0x67: {  	_ =	shalt  }
0x68: {  	_ =	shalt  }
0x69: {  	_ =	shalt  }
0x6a: {  	_ =	shalt  }
0x6b: {  	_ =	shalt  }
0x6c: {  	_ =	shalt  }
0x6d: {  	_ =	shalt  }
0x6e: {  	_ =	shalt  }
0x6f: {  	_ =	shalt  }
0x70: {  	_ =	shalt  }
0x71: {  	_ =	shalt  }
0x72: {  	_ =	shalt  }
0x73: {  	_ =	shalt  }
0x74: {  	_ =	shalt  }
0x75: {  	_ =	shalt  }
0x76: {  	_ =	shalt  }
0x77: {  	_ =	shalt  }
0x78: {  	_ =	shalt  }
0x79: {  	_ =	shalt  }
0x7a: {  	_ =	shalt  }
0x7b: {  	_ =	shalt  }
0x7c: {  	_ =	shalt  }
0x7d: {  	_ =	shalt  }
0x7e: {  	_ =	shalt  }
0x7f: {  	_ =	shalt  }
0x80: {  	_ =	shalt  }
0x81: {  	_ =	shalt  }
0x82: {  	_ =	shalt  }
0x83: {  	_ =	shalt  }
0x84: {  	_ =	shalt  }
0x85: {  	_ =	shalt  }
0x86: {  	_ =	shalt  }
0x87: {  	_ =	shalt  }
.Lfunc_end0:
.L_simem_size_0:
called_computation_lowered:
.L_overlay_start_0:
0x88: {  	s2 =	sld [smem:$0x3FD9]  }
0x89: {  	s3 =	sld [smem:$0x3FFE];
	_ =	sdelay $0x1  }
0x8a: {  	s1 =	srdreg.scid  }
0x8b: {  	s0 =	sand.u32 $0x1, s1  }
0x8c: {  	s16 =	sshll.u32 s0, $0xA;
	s2 =	sadd.s32 s3, s2  }
0x8d: {  	s2 =	sadd.s32 s2, s16  }
0x8e: {  	[smem:$0x3FB2] =	sst s2  }
0x8f: {  	_ = 	snop  }
0x90: {  	(tm) =	ssettm $0x1  }
0x91: {  	s17 =	sld [smem:$0x3FFB];
	_ =	sdelay $0x3  }
0x92: {  	_ =	strace s17  }
0x93: {  	s2 =	sld [smem:$0x3FFC];
	_ =	sdelay $0x3  }
0x94: {  	_ =	strace s2  }
0x95: {  	s2 =	sld [smem:$0x3FFD];
	_ =	sdelay $0x3  }
0x96: {  	_ =	strace s2  }
0x97: {  	_ =	strace $0x8FFFFFFF  }
0x98: {  	s18 =	sld [smem:$0x3FDB];
	_ =	sdelay $0x1  }
0x99: {  	s19 =	simm.s32 $_scs_section_size  }
0x9a: {  	s4 =	simm.s32 $_size__tile_overlayer_lowered;
	s5 =	simm.s32 $_tile_overlayer_lowered  }
0x9b: {  	s22 =	simm.s32 $0x1BFF;
	s21 =	sshll.u32 s5, $0x1;
	s2 =	sadd.s32 s19, s18  }
0x9c: {  	s6 =	simm.s32 $0x0;
	s20 =	sshll.u32 s4, $0x1;
	s4 =	sadd.s32 s21, s2  }
0x9d: {  	[timem:s6], [sflag:s22] =	dma.local [hbm:s4], s20  }
0x9e: {  	_ =	swait.ge [sflag:s22], s20  }
0x9f: {  	s3 =	ssub.s32 $0x0, s20;
	[sflag:s22] =	ssyncset.done $0x0  }
0xa0: {  	[sflag:s22] =	ssyncadd.s32 s3;
	_ =	sdelay $0x1  }
0xa1: {  	s23 =	simm.s32 $0x1B8B  }
0xa2: {  	_ =	swait.ge [sflag:s23], $0x1  }
0xa3: {  	[sflag:s23] =	ssyncset.done $0x0  }
0xa4: {  	s25 =	simm.s32 $0x1B8E;
	s24 =	sld [smem:$0x3FFE];
	[sflag:s23] =	ssyncadd.s32 $0xFFFFFFFF  }
0xa5: {  	s26 =	simm.s32 $execute0_lowered;
	[smem:$0x3FD2] =	sst s25  }
0xa6: {  	s4 =	sshll.u32 s26, $0x1;
	_ =	strace $0x80000046;
	[dreg:$0x1] =	wrdreg $0xFFFFFFFF  }
0xa7: {  	s28 =	simm.s32 $_size_execute0_lowered;
	s2 =	sadd.s32 s2, s4;
	[dreg:$0x0] =	wrdreg $0x0  }
0xa8: {  	s4 =	sshll.u32 s28, $0x1;
	[dreg:$0x2] =	wrdreg s2  }
0xa9: {  	[dreg:$0x3] =	wrdreg s4  }
0xaa: {  	[dreg:$0x4] =	wrdreg $0xC0  }
0xab: {  	_ =	task [dreg:s6], $0x5FFFF  }
0xac: {  	[dreg:$0x1] =	wrdreg $0xFFFFFFFF  }
0xad: {  	[dreg:$0x0] =	wrdreg $0x60  }
0xae: {  	[dreg:$0x2] =	wrdreg s24  }
0xaf: {  	[dreg:$0x3] =	wrdreg $0x0  }
0xb0: {  	[dreg:$0x4] =	wrdreg $0x9  }
0xb1: {  	_ =	task.clear_ibuf [dreg:s6], $0x5FFFF;
	_ =	strace $0x90000046  }
0xb2: {  	s29 =	simm.s32 $0x9;
	_ =	strace $0x80000048  }
0xb3: {  	_ =	swait.ge [sflag:s29], $0x1  }
0xb4: {  	[sflag:s29] =	ssyncadd.s32 $0xFFFFFFFF  }
0xb5: {  	_ =	strace $0x90000048  }
0xb6: {  	_ =	sfence  }
0xb7: {  	s30 =	sld [smem:$0x0];
	_ =	sdelay $0x2  }
0xb8: {  	s31 =	sshll.u32 s1, $0xD;
	s1 =	sshrl.u32 s1, $0x2  }
0xb9: {  	s3 =	sand.u32 $0x4000, s31;
	s1 =	sadd.s32 s1, s30  }
0xba: {  	s0 =	sor.u32 s3, s0;
	s1 =	sshll.u32 s1, $0x11  }
0xbb: {  	s0 =	sor.u32 s1, s0  }
0xbc: {  	s0 =	sadd.s32 $0x8F2B, s0  }
0xbd: {  	[sflag:s0] =	ssyncadd.remote.s32 $0x1  }
0xbe: {  	_ =	sfence.sel $0xFFFF  }
0xbf: {  	[dreg:$0x0] =	wrdreg $0xFFFFFFFF;
	(pc) =	sbr.abs _section_cstart, $3  }
0xc0: {  	[dreg:$0x1] =	wrdreg $0xFFFFFFFF  }
0xc1: {  	_ =	task.clear_ibuf [dreg:s6], $0x2FFFF;
	_ =	strace $0x9FFFFFFF  }
0xc2: {  	(tm) =	ssettm $0x7FFFFFFF  }
0xc3: {  	_ =	shalt  }
tec
execute0_lowered:
.L_overlay_start_1:
0x0: {  	(tag) =	ssettag $0x1  }
0x1: {  	s4 =	rddreg [dreg:$0x0]  }
0x2: {  	s0 =	srdreg.scid;
	s1 =	rddreg [dreg:$0x1];
	s3 =	simm.s32 $0x0  }
0x3: {  	s2 =	stileid.u32;
	s14 =	simm.s32 $0x64;
	s15 =	simm.s32 $0x17800  }
0x4: {  	s16 =	simm.s32 $0x1AC00;
	s17 =	simm.s32 $0x1;
	s23 =	smul.u32 $0x2800, s2  }
0x5: {  	s18 =	simm.s32 $0x2;
	s19 =	simm.s32 $0x15880;
	s9 =	smul.u32 $0x50000, s2  }
0x6: {  	s20 =	simm.s32 $0x17400;
	s5 =	sand.u32 $0x1, s0;
	s12 =	smul.u32 $0x700, s2  }
0x7: {  	s21 =	simm.s32 $0x17480;
	s0 =	rddreg [dreg:$0x2];
	s6 =	smul.u32 $0x27100, s5  }
0x8: {  	[smem:$0x7FF] =	sst s3;
	s30 =	sshll.u32 s2, $0x6;
	s7 =	smul.u32 $0x7000, s5  }
0x9: {  	_ =	strace $0x80000047;
	s8 =	smul.u32 $0x28000, s5;
	s5 =	ssub.s32 $0x2, s5  }
0xa: {  	s10 =	sadd.s32 s23, s4;
	s11 =	sshrl.u32 s5, $0x1;
	s29 =	sshrl.u32 s9, $0x2  }
0xb: {  	s6 =	sadd.s32 s6, s4;
	s7 =	sadd.s32 s7, s4;
	s8 =	sadd.s32 s8, s4  }
0xc: {  	s11 =	ssub.s32 s5, s11;
	s9 =	sadd.s32 s29, s1;
	s4 =	sadd.s32 $0x6D400, s10  }
0xd: {  	s5 =	sor.u32 $0x1C03, s30;
	s31 =	sadd.s32 $0x3200, s7;
	s13 =	sadd.s32 $0x11200, s7  }
0xe: {  	s6 =	sadd.s32 $0x1F200, s6;
	s24 =	sadd.s32 $0x95400, s8;
	s7 =	smax.u32 s11, $0x1  }
0xf: {  	s8 =	sshrl.u32 s9, $0x3;
	s9 =	simm.s32 $0x3;
	s11 =	simm.s32 $0x14000  }
0x10: {  	s10 =	sadd.s32 s12, s31;
	s12 =	sadd.s32 s12, s13;
	s13 =	simm.s32 $0x15C00  }
0x11: {  	s23 =	sadd.s32 s23, s24;
	s24 =	simm.s32 $0x0;
	s22 =	sadd.s32 $0x380, s10  }
.LBB2_1:
0x12: {  	[spmem:s8], [sflag:s5] =	dma.local [hbm:s4], $0x2800  }
0x13: {  	_ =	swait.ge [sflag:s9], $0x2800  }
0x14: {  	[sflag:s9] =	ssyncset.done $0x0  }
0x15: {  	[sflag:s9] =	ssyncadd.s32 $0xFFFFD800  }
0x16: {  	[bflag:$0x0] =	sbarrier.arrive $0xFFFF  }
0x17: {  	[tilespmem:s11], [sflag:$0x3] =	stream.linear.gather [hbm4b:s10+s3], $0x1900, $0x38;
	[tilespmem:$0x1E000] =	vst v63  }
0x18: {  	_ =	swait.ge [sflag:s9], $0x1900  }
0x19: {  	[sflag:s9] =	ssyncset.done $0x0  }
0x1a: {  	[sflag:s9] =	ssyncadd.s32 $0xFFFFE700  }
0x1b: {  	[tilespmem:s13], [sflag:$0x3] =	stream.linear.gather [hbm4b:s12+s3], $0x1900, $0x38;
	[tilespmem:$0x1E000] =	vst v63  }
0x1c: {  	_ =	swait.ge [sflag:s9], $0x1900  }
0x1d: {  	[sflag:s9] =	ssyncset.done $0x0  }
0x1e: {  	[sflag:s9] =	ssyncadd.s32 $0xFFFFE700  }
0x1f: {  	[tilespmem:s15], [sflag:$0x1] =	stream.indirect.gather [hbm4b:s6+s14], $0x80, s11, s14, $0xb8;
	[tilespmem:$0x1E000] =	vst v63  }
0x20: {  	s25 =	simm.s32 $0x14080  }
0x21: {  	[tilespmem:s16], [sflag:$0x2] =	stream.indirect.gather [hbm4b:s6+s14], $0x80, s25, s14, $0xb8;
	[tilespmem:$0x1E000] =	vst v63  }
0x22: {  	_ =	swait.ge [sflag:s17], $0x3200  }
0x23: {  	[sflag:s17] =	ssyncset.done $0x0  }
0x24: {  	s29 =	simm.s32 $0x15C00;
	[sflag:s17] =	ssyncadd.s32 $0xFFFFCE00  }
0x25: {  	[spmem:s1] =	stream.indirect.scatter.add.f32 [tilespmem:s15], [sflag:$0x3], $0x80, s29, s14, $0xb8;
	[tilespmem:$0x1E000] =	vst v63  }
0x26: {  	_ =	swait.ge [sflag:s9], $0x3200  }
0x27: {  	[sflag:s9] =	ssyncset.done $0x0  }
0x28: {  	s30 =	simm.s32 $0x14100;
	[sflag:s9] =	ssyncadd.s32 $0xFFFFCE00  }
0x29: {  	[tilespmem:s15], [sflag:$0x1] =	stream.indirect.gather [hbm4b:s6+s14], $0x80, s30, s14, $0xb8;
	[tilespmem:$0x1E000] =	vst v63  }
0x2a: {  	_ =	swait.ge [sflag:s18], $0x3200  }
0x2b: {  	[sflag:s18] =	ssyncset.done $0x0  }
0x2c: {  	s31 =	simm.s32 $0x15C80;
	[sflag:s18] =	ssyncadd.s32 $0xFFFFCE00  }
0x2d: {  	[spmem:s1] =	stream.indirect.scatter.add.f32 [tilespmem:s16], [sflag:$0x3], $0x80, s31, s14, $0xb8;
	[tilespmem:$0x1E000] =	vst v63  }
0x2e: {  	_ =	swait.ge [sflag:s9], $0x3200  }
0x2f: {  	s26 =	simm.s32 $0x800;
	s25 =	simm.s32 $0x100;
	[sflag:s9] =	ssyncset.done $0x0  }
.LBB2_2:
0x30: {  	s28 =	sadd.s32 $0x14080, s25  }
0x31: {  	[sflag:s9] =	ssyncadd.s32 $0xFFFFCE00;
	s29 =	smov.u32 s26;
	s30 =	sadd.s32 $0x400, s26  }
0x32: {  	[tilespmem:s16], [sflag:$0x2] =	stream.indirect.gather [hbm4b:s6+s14], $0x80, s28, s14, $0xb8;
	[tilespmem:$0x1E000] =	vst v63  }
0x33: {  	p0 =	sne.s32 s26, $0x5C00;
	_ =	swait.ge [sflag:s17], $0x3200  }
0x34: {  	[sflag:s17] =	ssyncset.done $0x0  }
0x35: {  	s26 =	sadd.s32 $0x15C00, s25;
	[sflag:s17] =	ssyncadd.s32 $0xFFFFCE00  }
0x36: {  	[spmem:s1] =	stream.indirect.scatter.add.f32 [tilespmem:s15], [sflag:$0x3], $0x80, s26, s14, $0xb8;
	[tilespmem:$0x1E000] =	vst v63  }
0x37: {  	_ =	swait.ge [sflag:s9], $0x3200  }
0x38: {  	[sflag:s9] =	ssyncset.done $0x0  }
0x39: {  	s26 =	sadd.s32 $0x14100, s25;
	[sflag:s9] =	ssyncadd.s32 $0xFFFFCE00  }
0x3a: {  	[tilespmem:s15], [sflag:$0x1] =	stream.indirect.gather [hbm4b:s6+s14], $0x80, s26, s14, $0xb8;
	[tilespmem:$0x1E000] =	vst v63  }
0x3b: {  	_ =	swait.ge [sflag:s18], $0x3200  }
.Ltmp0:
0x3c: {  	[sflag:s18] =	ssyncset.done $0x0;
	(pc) =	sbr.rel @p0 .LBB2_2-.Ltmp0, $4  }
0x3d: {  	s25 =	sadd.s32 $0x15C80, s25;
	[sflag:s18] =	ssyncadd.s32 $0xFFFFCE00  }
0x3e: {  	[spmem:s1] =	stream.indirect.scatter.add.f32 [tilespmem:s16], [sflag:$0x3], $0x80, s25, s14, $0xb8;
	[tilespmem:$0x1E000] =	vst v63  }
0x3f: {  	_ =	swait.ge [sflag:s9], $0x3200  }
0x40: {  	s26 =	smov.u32 s30;
	s25 =	sshra.s32 s29, $0x2;
	[sflag:s9] =	ssyncset.done $0x0  }
0x41: {  	s26 =	sadd.s32 $0x14080, s25;
	[sflag:s9] =	ssyncadd.s32 $0xFFFFCE00  }
0x42: {  	[tilespmem:s16], [sflag:$0x2] =	stream.indirect.gather [hbm4b:s6+s14], $0x80, s26, s14, $0xb8;
	[tilespmem:$0x1E000] =	vst v63  }
0x43: {  	_ =	swait.ge [sflag:s17], $0x3200  }
0x44: {  	[sflag:s17] =	ssyncset.done $0x0  }
0x45: {  	s31 =	sadd.s32 $0x15C00, s25;
	[sflag:s17] =	ssyncadd.s32 $0xFFFFCE00  }
0x46: {  	[spmem:s1] =	stream.indirect.scatter.add.f32 [tilespmem:s15], [sflag:$0x3], $0x80, s31, s14, $0xb8;
	[tilespmem:$0x1E000] =	vst v63  }
0x47: {  	_ =	swait.ge [sflag:s9], $0x3200  }
0x48: {  	[sflag:s9] =	ssyncset.done $0x0  }
0x49: {  	s28 =	sadd.s32 $0x14100, s25;
	[sflag:s9] =	ssyncadd.s32 $0xFFFFCE00  }
0x4a: {  	[tilespmem:s15], [sflag:$0x1] =	stream.indirect.gather [hbm4b:s6+s14], $0x80, s28, s14, $0xb8;
	[tilespmem:$0x1E000] =	vst v63  }
0x4b: {  	_ =	swait.ge [sflag:s18], $0x3200  }
0x4c: {  	[sflag:s18] =	ssyncset.done $0x0  }
0x4d: {  	s29 =	sadd.s32 $0x15C80, s25;
	[sflag:s18] =	ssyncadd.s32 $0xFFFFCE00  }
0x4e: {  	[spmem:s1] =	stream.indirect.scatter.add.f32 [tilespmem:s16], [sflag:$0x3], $0x80, s29, s14, $0xb8;
	[tilespmem:$0x1E000] =	vst v63  }
0x4f: {  	_ =	swait.ge [sflag:s9], $0x3200  }
0x50: {  	[sflag:s9] =	ssyncset.done $0x0  }
0x51: {  	[sflag:s9] =	ssyncadd.s32 $0xFFFFCE00  }
0x52: {  	[tilespmem:s16], [sflag:$0x2] =	stream.indirect.gather [hbm4b:s6+s14], $0x80, s19, s14, $0xb8;
	[tilespmem:$0x1E000] =	vst v63  }
0x53: {  	_ =	swait.ge [sflag:s17], $0x3200  }
0x54: {  	[sflag:s17] =	ssyncset.done $0x0  }
0x55: {  	[sflag:s17] =	ssyncadd.s32 $0xFFFFCE00  }
0x56: {  	[spmem:s1] =	stream.indirect.scatter.add.f32 [tilespmem:s15], [sflag:$0x3], $0x80, s20, s14, $0xb8;
	[tilespmem:$0x1E000] =	vst v63  }
0x57: {  	_ =	swait.ge [sflag:s9], $0x3200  }
0x58: {  	[sflag:s9] =	ssyncset.done $0x0  }
0x59: {  	[sflag:s9] =	ssyncadd.s32 $0xFFFFCE00  }
0x5a: {  	_ =	swait.ge [sflag:s18], $0x3200  }
0x5b: {  	[sflag:s18] =	ssyncset.done $0x0  }
0x5c: {  	[sflag:s18] =	ssyncadd.s32 $0xFFFFCE00  }
0x5d: {  	[spmem:s1] =	stream.indirect.scatter.add.f32 [tilespmem:s16], [sflag:$0x3], $0x80, s21, s14, $0xb8;
	[tilespmem:$0x1E000] =	vst v63  }
0x5e: {  	_ =	swait.ge [sflag:s9], $0x3200  }
0x5f: {  	[sflag:s9] =	ssyncset.done $0x0  }
0x60: {  	s30 =	simm.s32 $0x0;
	[sflag:s9] =	ssyncadd.s32 $0xFFFFCE00  }
0x61: {  	[tilespmem:s11], [sflag:$0x3] =	stream.linear.gather [hbm4b:s22+s30], $0x1900, $0x38;
	[tilespmem:$0x1E000] =	vst v63  }
0x62: {  	_ =	swait.ge [sflag:s9], $0x1900  }
0x63: {  	[sflag:s9] =	ssyncset.done $0x0  }
0x64: {  	s31 =	sadd.s32 $0x380, s12;
	[sflag:s9] =	ssyncadd.s32 $0xFFFFE700  }
0x65: {  	[tilespmem:s13], [sflag:$0x3] =	stream.linear.gather [hbm4b:s31+s30], $0x1900, $0x38;
	[tilespmem:$0x1E000] =	vst v63  }
0x66: {  	_ =	swait.ge [sflag:s9], $0x1900  }
0x67: {  	[sflag:s9] =	ssyncset.done $0x0  }
0x68: {  	[sflag:s9] =	ssyncadd.s32 $0xFFFFE700  }
0x69: {  	[tilespmem:s15], [sflag:$0x1] =	stream.indirect.gather [hbm4b:s6+s14], $0x80, s11, s14, $0xb8;
	[tilespmem:$0x1E000] =	vst v63  }
0x6a: {  	s28 =	simm.s32 $0x14080  }
0x6b: {  	[tilespmem:s16], [sflag:$0x2] =	stream.indirect.gather [hbm4b:s6+s14], $0x80, s28, s14, $0xb8;
	[tilespmem:$0x1E000] =	vst v63  }
0x6c: {  	_ =	swait.ge [sflag:s17], $0x3200  }
0x6d: {  	[sflag:s17] =	ssyncset.done $0x0  }
0x6e: {  	s29 =	simm.s32 $0x15C00;
	[sflag:s17] =	ssyncadd.s32 $0xFFFFCE00  }
0x6f: {  	[spmem:s1] =	stream.indirect.scatter.add.f32 [tilespmem:s15], [sflag:$0x3], $0x80, s29, s14, $0xb8;
	[tilespmem:$0x1E000] =	vst v63  }
0x70: {  	_ =	swait.ge [sflag:s9], $0x3200  }
0x71: {  	[sflag:s9] =	ssyncset.done $0x0  }
0x72: {  	s30 =	simm.s32 $0x14100;
	[sflag:s9] =	ssyncadd.s32 $0xFFFFCE00  }
0x73: {  	[tilespmem:s15], [sflag:$0x1] =	stream.indirect.gather [hbm4b:s6+s14], $0x80, s30, s14, $0xb8;
	[tilespmem:$0x1E000] =	vst v63  }
0x74: {  	_ =	swait.ge [sflag:s18], $0x3200  }
0x75: {  	[sflag:s18] =	ssyncset.done $0x0  }
0x76: {  	s31 =	simm.s32 $0x15C80;
	[sflag:s18] =	ssyncadd.s32 $0xFFFFCE00  }
0x77: {  	[spmem:s1] =	stream.indirect.scatter.add.f32 [tilespmem:s16], [sflag:$0x3], $0x80, s31, s14, $0xb8;
	[tilespmem:$0x1E000] =	vst v63  }
0x78: {  	_ =	swait.ge [sflag:s9], $0x3200  }
0x79: {  	s25 =	simm.s32 $0x100;
	s26 =	simm.s32 $0x800;
	[sflag:s9] =	ssyncset.done $0x0  }
.LBB2_4:
0x7a: {  	s28 =	sadd.s32 $0x14080, s25  }
0x7b: {  	[sflag:s9] =	ssyncadd.s32 $0xFFFFCE00;
	s29 =	smov.u32 s26;
	s30 =	sadd.s32 $0x400, s26  }
0x7c: {  	[tilespmem:s16], [sflag:$0x2] =	stream.indirect.gather [hbm4b:s6+s14], $0x80, s28, s14, $0xb8;
	[tilespmem:$0x1E000] =	vst v63  }
0x7d: {  	p0 =	sne.s32 s26, $0x5C00;
	_ =	swait.ge [sflag:s17], $0x3200  }
0x7e: {  	[sflag:s17] =	ssyncset.done $0x0  }
0x7f: {  	s26 =	sadd.s32 $0x15C00, s25;
	[sflag:s17] =	ssyncadd.s32 $0xFFFFCE00  }
0x80: {  	[spmem:s1] =	stream.indirect.scatter.add.f32 [tilespmem:s15], [sflag:$0x3], $0x80, s26, s14, $0xb8;
	[tilespmem:$0x1E000] =	vst v63  }
0x81: {  	_ =	swait.ge [sflag:s9], $0x3200  }
0x82: {  	[sflag:s9] =	ssyncset.done $0x0  }
0x83: {  	s26 =	sadd.s32 $0x14100, s25;
	[sflag:s9] =	ssyncadd.s32 $0xFFFFCE00  }
0x84: {  	[tilespmem:s15], [sflag:$0x1] =	stream.indirect.gather [hbm4b:s6+s14], $0x80, s26, s14, $0xb8;
	[tilespmem:$0x1E000] =	vst v63  }
0x85: {  	_ =	swait.ge [sflag:s18], $0x3200  }
.Ltmp1:
0x86: {  	[sflag:s18] =	ssyncset.done $0x0;
	(pc) =	sbr.rel @p0 .LBB2_4-.Ltmp1, $4  }
0x87: {  	s25 =	sadd.s32 $0x15C80, s25;
	[sflag:s18] =	ssyncadd.s32 $0xFFFFCE00  }
0x88: {  	[spmem:s1] =	stream.indirect.scatter.add.f32 [tilespmem:s16], [sflag:$0x3], $0x80, s25, s14, $0xb8;
	[tilespmem:$0x1E000] =	vst v63  }
0x89: {  	_ =	swait.ge [sflag:s9], $0x3200  }
0x8a: {  	s26 =	smov.u32 s30;
	s25 =	sshra.s32 s29, $0x2;
	[sflag:s9] =	ssyncset.done $0x0  }
0x8b: {  	s26 =	sadd.s32 $0x14080, s25;
	[sflag:s9] =	ssyncadd.s32 $0xFFFFCE00  }
0x8c: {  	[tilespmem:s16], [sflag:$0x2] =	stream.indirect.gather [hbm4b:s6+s14], $0x80, s26, s14, $0xb8;
	[tilespmem:$0x1E000] =	vst v63  }
0x8d: {  	_ =	swait.ge [sflag:s17], $0x3200  }
0x8e: {  	[sflag:s17] =	ssyncset.done $0x0  }
0x8f: {  	s29 =	sadd.s32 $0x15C00, s25;
	[sflag:s17] =	ssyncadd.s32 $0xFFFFCE00  }
0x90: {  	[spmem:s1] =	stream.indirect.scatter.add.f32 [tilespmem:s15], [sflag:$0x3], $0x80, s29, s14, $0xb8;
	[tilespmem:$0x1E000] =	vst v63  }
0x91: {  	_ =	swait.ge [sflag:s9], $0x3200  }
0x92: {  	[sflag:s9] =	ssyncset.done $0x0  }
0x93: {  	s30 =	sadd.s32 $0x14100, s25;
	[sflag:s9] =	ssyncadd.s32 $0xFFFFCE00  }
0x94: {  	[tilespmem:s15], [sflag:$0x1] =	stream.indirect.gather [hbm4b:s6+s14], $0x80, s30, s14, $0xb8;
	[tilespmem:$0x1E000] =	vst v63  }
0x95: {  	_ =	swait.ge [sflag:s18], $0x3200  }
0x96: {  	[sflag:s18] =	ssyncset.done $0x0  }
0x97: {  	s31 =	sadd.s32 $0x15C80, s25;
	[sflag:s18] =	ssyncadd.s32 $0xFFFFCE00  }
0x98: {  	[spmem:s1] =	stream.indirect.scatter.add.f32 [tilespmem:s16], [sflag:$0x3], $0x80, s31, s14, $0xb8;
	[tilespmem:$0x1E000] =	vst v63  }
0x99: {  	_ =	swait.ge [sflag:s9], $0x3200  }
0x9a: {  	[sflag:s9] =	ssyncset.done $0x0  }
0x9b: {  	[sflag:s9] =	ssyncadd.s32 $0xFFFFCE00  }
0x9c: {  	[tilespmem:s16], [sflag:$0x2] =	stream.indirect.gather [hbm4b:s6+s14], $0x80, s19, s14, $0xb8;
	[tilespmem:$0x1E000] =	vst v63  }
0x9d: {  	_ =	swait.ge [sflag:s17], $0x3200  }
0x9e: {  	[sflag:s17] =	ssyncset.done $0x0  }
0x9f: {  	[sflag:s17] =	ssyncadd.s32 $0xFFFFCE00  }
0xa0: {  	[spmem:s1] =	stream.indirect.scatter.add.f32 [tilespmem:s15], [sflag:$0x3], $0x80, s20, s14, $0xb8;
	[tilespmem:$0x1E000] =	vst v63  }
0xa1: {  	_ =	swait.ge [sflag:s9], $0x3200  }
0xa2: {  	[sflag:s9] =	ssyncset.done $0x0  }
0xa3: {  	[sflag:s9] =	ssyncadd.s32 $0xFFFFCE00  }
0xa4: {  	_ =	swait.ge [sflag:s18], $0x3200  }
0xa5: {  	[sflag:s18] =	ssyncset.done $0x0  }
0xa6: {  	[sflag:s18] =	ssyncadd.s32 $0xFFFFCE00  }
0xa7: {  	[spmem:s1] =	stream.indirect.scatter.add.f32 [tilespmem:s16], [sflag:$0x3], $0x80, s21, s14, $0xb8;
	[tilespmem:$0x1E000] =	vst v63  }
0xa8: {  	_ =	swait.ge [sflag:s9], $0x3200  }
0xa9: {  	s24 =	sadd.s32 $0x1, s24;
	[sflag:s9] =	ssyncset.done $0x0  }
0xaa: {  	p0 =	sne.s32 s24, s7;
	[sflag:s9] =	ssyncadd.s32 $0xFFFFCE00  }
.Ltmp2:
0xab: {  	[bflag:$0x0] =	sbarrier.arrive $0xFFFF;
	(pc) =	sbr.rel @p0 .LBB2_1-.Ltmp2, $4  }
0xac: {  	[hbm:s23], [sflag:s5] =	dma.local [spmem:s8], $0x2800  }
0xad: {  	_ =	swait.ge [sflag:s9], $0x2800  }
0xae: {  	[sflag:s9] =	ssyncset.done $0x0  }
0xaf: {  	[sflag:s9] =	ssyncadd.s32 $0xFFFFD800  }
0xb0: {  	_ =	sfence.sel $0x180000  }
0xb1: {  	[bflag:$0x0] =	sbarrier.arrive $0xFFFF  }
0xb2: {  	p0 =	sne.s32 s2, $0x0;
	_ =	strace $0x90000047  }
0xb3: {  	s0 =	sadd.s32 @!p0 $0x100000, s0;
	[bflag:$0x2] =	sbarrier.arrive $0xFFFF  }
0xb4: {  	[sflag:s0] =	ssyncadd.tile.s32 @!p0 $0x1;
	_ =	shalt  }
.Lfunc_end2:
_tile_overlayer_lowered:
.L_overlay_start_2:
0xb5: {  	(tag) =	ssettag $0x2  }
0xb6: {  	s0 =	rddreg [dreg:$0x0];
	s2 =	stileid.u32  }
0xb7: {  	s1 =	rddreg [dreg:$0x1];
	p0 =	sne.s32 s2, $0x0  }
0xb8: {  	s3 =	rddreg [dreg:$0x2];
	[bflag:$0x3] =	sbarrier.arrive $0xFFFF;
	s2 =	simm.s32 @!p0 $0x1C03  }
0xb9: {  	[timem:s3], [sflag:s2] =	dma.local @!p0 [hbm:s0], s1  }
0xba: {  	s0 =	simm.s32 @!p0 $0x3  }
0xbb: {  	_ =	swait.ge @!p0 [sflag:s0], s1  }
0xbc: {  	s1 =	ssub.s32 @!p0 $0x0, s1;
	[sflag:s0] =	ssyncset.done @!p0 $0x0  }
0xbd: {  	[sflag:s0] =	ssyncadd.s32 @!p0 s1  }
0xbe: {  	[bflag:$0x3] =	sbarrier.arrive $0xFFFF  }
0xbf: {  	_ =	shalt  }

</sc_bundles>
